<compile_context>
chip_gen: v7x
topology: tpu7x:2x2x1
jax: 0.10.2.dev20260603
libtpu: 0.0.44.dev20260713+nightly
codegen_flags: <defaults>
</compile_context>

<pallas_src>
import functools

import jax
import jax.numpy as jnp
from jax import lax
from jax.experimental import pallas as pl
from jax.experimental.pallas import tpu as pltpu
from jax.experimental.pallas import tpu_sc as plsc

DELTA_V = 0.2
DELTA_D = 0.2
ALPHA = 1.0
BETA = 1.0
GAMMA = 0.001
K = 16
SLOTS = 64
SEG = K * SLOTS
NLANE = 16
NBANK = NLANE
BSTRIDE = SEG + 1
ACCW = 16512
NW = 32
TH, TW = 8, 128


def _sc_body(feat, lbl, out, acc, red, lbv, fb0, fb1, lb0, lb1,
             s0, s1, s2, s3):
    cid = lax.axis_index("c")
    sid = lax.axis_index("s")
    wid = sid * 2 + cid
    N, C, H, W = feat.shape
    wpi = NW // N
    rows = H // wpi
    ntr, ntc = rows // TH, W // TW
    nchunk = ntr * ntc
    n = wid // wpi
    h_base = (wid % wpi) * rows

    zeros = jnp.zeros((NLANE,), jnp.float32)
    ones = jnp.ones((NLANE,), jnp.float32)
    lane = lax.iota(jnp.int32, NLANE)
    lbv[pl.ds(0, NLANE)] = lane * BSTRIDE

    def zero_body(j, c):
        acc[pl.ds(j * NLANE, NLANE)] = zeros
        return c
    lax.fori_loop(0, ACCW // NLANE, zero_body, 0)

    def start(idx, fb, lb, sf, sl):
        h0 = h_base + (idx // ntc) * TH
        w0 = (idx % ntc) * TW
        pltpu.async_copy(feat.at[n, :, pl.ds(h0, TH), pl.ds(w0, TW)], fb, sf)
        pltpu.async_copy(lbl.at[n, pl.ds(h0, TH), pl.ds(w0, TW)], lb, sl)

    def wait(fb, lb, sf, sl):
        pltpu.make_async_copy(
            feat.at[n, :, pl.ds(h_base, TH), pl.ds(0, TW)], fb, sf).wait()
        pltpu.make_async_copy(
            lbl.at[n, pl.ds(h_base, TH), pl.ds(0, TW)], lb, sl).wait()

    def compute(fb, lb):
        @plsc.parallel_loop(0, (TH * TW) // NLANE, 1, unroll=2)
        def group(g):
            r = g // (TW // NLANE)
            col = (g % (TW // NLANE)) * NLANE
            lab = lb[r, pl.ds(col, NLANE)]
            idx0 = lbv[pl.ds(0, NLANE)] + lab * SLOTS
            sq = [zeros, zeros, zeros, zeros]
            pre = 8
            vs = [fb[ch, r, pl.ds(col, NLANE)] for ch in range(pre)] + [None] * (C - pre)
            for ch in range(C):
                if ch + pre < C:
                    vs[ch + pre] = fb[ch + pre, r, pl.ds(col, NLANE)]
                sq[ch % 4] = sq[ch % 4] + vs[ch] * vs[ch]
                plsc.addupdate_scatter(acc, [idx0 + ch], vs[ch])
            plsc.addupdate_scatter(acc, [idx0 + 32], (sq[0] + sq[1]) + (sq[2] + sq[3]))
            plsc.addupdate_scatter(acc, [idx0 + 33], ones)

    start(0, fb0, lb0, s0, s1)
    start(1, fb1, lb1, s2, s3)

    def step(t, c):
        i0 = t * 2
        wait(fb0, lb0, s0, s1)
        compute(fb0, lb0)

        @pl.when(i0 + 2 < nchunk)
        def _():
            start(i0 + 2, fb0, lb0, s0, s1)

        wait(fb1, lb1, s2, s3)
        compute(fb1, lb1)

        @pl.when(i0 + 3 < nchunk)
        def _():
            start(i0 + 3, fb1, lb1, s2, s3)
        return c
    lax.fori_loop(0, nchunk // 2, step, 0)

    def fold(j, c):
        v = acc[pl.ds(j * NLANE, NLANE)]
        for b in range(1, NBANK):
            v = v + acc[pl.ds(b * BSTRIDE + j * NLANE, NLANE)]
        red[j // TH, pl.ds((j % TH) * NLANE, NLANE)] = v
        return c
    lax.fori_loop(0, SEG // NLANE, fold, 0)
    pltpu.sync_copy(red, out.at[wid])


def _epilogue_body(p_ref, var_ref, dist_ref, norm_ref, tot_ref, mu_ref):
    p = p_ref[...]
    N = mu_ref.shape[0]
    wpi = NW // N
    var_acc = jnp.zeros((K, 1), jnp.float32)
    norm_acc = jnp.zeros((K, 1), jnp.float32)
    hs = jnp.zeros((K, K), jnp.float32)
    for n in range(N):
        pn = p[n * wpi]
        for j in range(1, wpi):
            pn = pn + p[n * wpi + j]
        sums = pn[:, :32]
        sumsq = pn[:, 32:33]
        cnt = jnp.maximum(pn[:, 33:34], 1.0)
        mu = sums / cnt
        mu_ref[n, :, :] = mu
        musq = jnp.sum(mu * mu, axis=1, keepdims=True)
        seg_sq = sumsq - cnt * musq
        mse = seg_sq / (32.0 * cnt)
        var_acc = var_acc + jnp.maximum(mse - DELTA_V, 0.0)
        norm_acc = norm_acc + jnp.sqrt(musq + 1e-12)
        diff = mu[:, None, :] - mu[None, :, :]
        d = jnp.sqrt(jnp.sum(diff * diff, axis=2) + 1e-12)
        hs = hs + jnp.maximum(2.0 * DELTA_D - d, 0.0)

    denom = float(N * K)
    var = jnp.sum(var_acc) / denom
    norm = jnp.sum(norm_acc) / denom
    kk = lax.broadcasted_iota(jnp.int32, (K, K), 0)
    ii = lax.broadcasted_iota(jnp.int32, (K, K), 1)
    shift = (kk == ii + 1).astype(jnp.float32)
    hshift = jnp.dot(hs, shift, preferred_element_type=jnp.float32)
    m1 = (kk > ii).astype(jnp.float32)
    m2 = (kk <= ii).astype(jnp.float32)
    dl = jnp.sum(hs * m1 + hshift * m2, axis=0, keepdims=True) / denom

    var_ref[...] = jnp.reshape(var, (1, 1))
    norm_ref[...] = jnp.reshape(norm, (1, 1))
    dist_ref[...] = dl
    tot_ref[...] = ALPHA * var + BETA * dl + GAMMA * norm


def kernel(features, ground_truth):
    N, C, H, W = features.shape

    mesh = plsc.VectorSubcoreMesh(core_axis_name="c", subcore_axis_name="s")
    partials = pl.kernel(
        _sc_body,
        out_type=jax.ShapeDtypeStruct((NW, TH, TW), jnp.float32),
        mesh=mesh,
        compiler_params=pltpu.CompilerParams(
            needs_layout_passes=False, use_tc_tiling_on_sc=True),
        scratch_types=[
            pltpu.VMEM((ACCW,), jnp.float32),
            pltpu.VMEM((TH, TW), jnp.float32),
            pltpu.VMEM((NLANE,), jnp.int32),
            pltpu.VMEM((C, TH, TW), jnp.float32),
            pltpu.VMEM((C, TH, TW), jnp.float32),
            pltpu.VMEM((TH, TW), jnp.int32),
            pltpu.VMEM((TH, TW), jnp.int32),
            pltpu.SemaphoreType.DMA,
            pltpu.SemaphoreType.DMA,
            pltpu.SemaphoreType.DMA,
            pltpu.SemaphoreType.DMA,
        ],
    )(features, ground_truth)

    p3 = partials.reshape(NW, K, SLOTS)
    var, dist, norm, tot, mu = pl.pallas_call(
        _epilogue_body,
        out_shape=(
            jax.ShapeDtypeStruct((1, 1), jnp.float32),
            jax.ShapeDtypeStruct((1, K), jnp.float32),
            jax.ShapeDtypeStruct((1, 1), jnp.float32),
            jax.ShapeDtypeStruct((1, K), jnp.float32),
            jax.ShapeDtypeStruct((N, K, C), jnp.float32),
        ),
    )(p3)

    total_loss = tot[0, : K - 1]
    variance_loss = var[0, 0]
    distance_loss = dist[0, : K - 1]
    normalization_loss = norm[0, 0]
    cluster_mean = jnp.swapaxes(mu, 1, 2)
    return (total_loss, (variance_loss, distance_loss,
                         normalization_loss, cluster_mean))

# --- scband reference (transcript-rebuilt; emitter-appended) ---
"""Pipeline reference for scband-cluster-loss-29875792511032 (READ-ONLY COPY).

The authoritative reference and input builder live on the scoring server;
editing this copy changes nothing except your own understanding.
"""

import jax, jax.numpy as jnp
import numpy as np

DELTA_V = 0.2
DELTA_D = 0.2
ALPHA = 1.0
BETA = 1.0
GAMMA = 0.001
K_CLUSTERS = 16


def setup_inputs(seed: int = 0) -> dict:
    key = jax.random.key(seed)
    k1, k2 = jax.random.split(key)
    N, C, H, W = 4, 32, 512, 512
    features = jax.random.normal(k1, (N, C, H, W), dtype=jnp.float32)
    ground_truth = jax.random.randint(k2, (N, H, W), 0, K_CLUSTERS, dtype=jnp.int32)
    return {"features": features, "ground_truth": ground_truth}


def reference(features, ground_truth):
    N, C, H, W = features.shape
    K = K_CLUSTERS  # == int(ground_truth.max()) + 1 w.h.p. for this fill
    P = H * W
    # flatten pixels: (N*P, C)
    f = jnp.transpose(features.reshape(N, C, P), (0, 2, 1)).reshape(N * P, C)
    labels = ground_truth.reshape(N, P).astype(jnp.int32)
    seg = (jnp.arange(N, dtype=jnp.int32)[:, None] * K + labels).reshape(N * P)
    # cluster means via segment-sum (scatter-add)
    sums = jax.ops.segment_sum(f, seg, num_segments=N * K)
    counts = jax.ops.segment_sum(jnp.ones((N * P,), jnp.float32), seg, num_segments=N * K)
    counts = jnp.maximum(counts, 1.0)
    means = sums / counts[:, None]  # (N*K, C)
    cluster_mean = jnp.transpose(means.reshape(N, K, C), (0, 2, 1))  # (N, C, K)

    # variance loss: hinge on per-cluster MSE between member pixels and their mean
    diff2 = jnp.sum((f - means[seg]) ** 2, axis=1)  # (N*P,)
    seg_sq = jax.ops.segment_sum(diff2, seg, num_segments=N * K)
    mse = seg_sq / (C * counts)
    variance_loss = jnp.sum(jnp.maximum(mse - DELTA_V, 0.0)) / (N * K)

    # distance loss: for each (n,k) a (K-1,) hinge vector vs all other cluster means,
    # accumulated as a vector exactly like the torch loop (distance_loss is shape (K-1,))
    mu = means.reshape(N, K, C)
    idx = np.array([[j for j in range(K) if j != k] for k in range(K)], dtype=np.int32)  # (K, K-1)
    sel = mu[:, idx, :]  # (N, K, K-1, C)
    diff = mu[:, :, None, :] - sel
    d = jnp.sqrt(jnp.sum(diff ** 2, axis=-1) + 1e-12)  # (N, K, K-1)
    distance_loss = jnp.sum(jnp.maximum(2.0 * DELTA_D - d, 0.0), axis=(0, 1)) / (N * K)

    normalization_loss = jnp.sum(jnp.sqrt(jnp.sum(mu ** 2, axis=-1) + 1e-12)) / (N * K)

    total_loss = ALPHA * variance_loss + BETA * distance_loss + GAMMA * normalization_loss
    return (total_loss, (variance_loss, distance_loss, normalization_loss, cluster_mean))

if __name__ == "__main__":
    import jax
    _d = setup_inputs()
    print(jax.jit(kernel)(*tuple(_d.values())))

</pallas_src>

<mosaic_0001>
#map = affine_map<(d0, d1) -> (0, 0, 0, 0)>
#map1 = affine_map<(d0, d1) -> (0, 0, 0)>
module attributes {stable_mosaic.version = 14 : i64} {
  func.func @_sc_body(%arg0: i32, %arg1: i32, %arg2: memref<4x32x512x512xf32, #tpu.memory_space<hbm>>, %arg3: memref<4x512x512xi32, #tpu.memory_space<hbm>>, %arg4: memref<32x8x128xf32, #tpu.memory_space<hbm>>, %arg5: memref<16512xf32, #tpu.memory_space<vmem>>, %arg6: memref<8x128xf32, #tpu.memory_space<vmem>>, %arg7: memref<16xi32, #tpu.memory_space<vmem>>, %arg8: memref<32x8x128xf32, #tpu.memory_space<vmem>>, %arg9: memref<32x8x128xf32, #tpu.memory_space<vmem>>, %arg10: memref<8x128xi32, #tpu.memory_space<vmem>>, %arg11: memref<8x128xi32, #tpu.memory_space<vmem>>, %arg12: memref<!tpu.dma_semaphore, #tpu.memory_space<semaphore_mem>>, %arg13: memref<!tpu.dma_semaphore, #tpu.memory_space<semaphore_mem>>, %arg14: memref<!tpu.dma_semaphore, #tpu.memory_space<semaphore_mem>>, %arg15: memref<!tpu.dma_semaphore, #tpu.memory_space<semaphore_mem>>) attributes {dimension_semantics = [#tpu.dimension_semantics<core_parallel>, #tpu.dimension_semantics<subcore_parallel>], iteration_bounds = array<i64: 2, 16>, scalar_prefetch = 0 : i64, scratch_operands = 11 : i64, tpu.core_type = #tpu.core_type<sc_vector_subcore>, window_params = [{transform_indices = #map}, {transform_indices = #map1}, {transform_indices = #map1}]} {
    %mul3A = arith.constant 2 : i32
    %mul3A_0 = arith.muli %arg1, %mul3A : i32
    %add3A = arith.addi %mul3A_0, %arg0 : i32
    %jit3A = arith.constant 8 : i32
    %div3A = arith.divsi %add3A, %jit3A : i32
    %sign3A = arith.constant 0 : i32
    %sign3A_1 = arith.cmpi sgt, %add3A, %sign3A : i32
    %sign3A_2 = arith.extui %sign3A_1 : i1 to i32
    %sign3A_3 = arith.constant 0 : i32
    %sign3A_4 = arith.cmpi slt, %add3A, %sign3A_3 : i32
    %sign3A_5 = arith.extui %sign3A_4 : i1 to i32
    %sign3A_6 = arith.subi %sign3A_2, %sign3A_5 : i32
    %sign3A_7 = arith.constant 0 : i32
    %sign3A_8 = arith.cmpi sgt, %jit3A, %sign3A_7 : i32
    %sign3A_9 = arith.extui %sign3A_8 : i1 to i32
    %sign3A_10 = arith.constant 0 : i32
    %sign3A_11 = arith.cmpi slt, %jit3A, %sign3A_10 : i32
    %sign3A_12 = arith.extui %sign3A_11 : i1 to i32
    %sign3A_13 = arith.subi %sign3A_9, %sign3A_12 : i32
    %ne3A = arith.cmpi ne, %sign3A_6, %sign3A_13 : i32
    %rem3A = arith.remsi %add3A, %jit3A : i32
    %ne3A_14 = arith.constant 0 : i32
    %ne3A_15 = arith.cmpi ne, %rem3A, %ne3A_14 : i32
    %and3A = arith.andi %ne3A, %ne3A_15 : i1
    %sub3A = arith.constant 1 : i32
    %sub3A_16 = arith.subi %div3A, %sub3A : i32
    %select_n3A = arith.select %and3A, %sub3A_16, %div3A : i32
    %jit3A_17 = arith.constant 8 : i32
    %eq3A = arith.constant 0 : i32
    %eq3A_18 = arith.cmpi eq, %jit3A_17, %eq3A : i32
    %jit3A_19 = arith.constant 1 : i32
    %select_n3A_20 = arith.select %eq3A_18, %jit3A_19, %jit3A_17 : i32
    %rem3A_21 = arith.remsi %add3A, %select_n3A_20 : i32
    %ne3A_22 = arith.constant 0 : i32
    %ne3A_23 = arith.cmpi ne, %rem3A_21, %ne3A_22 : i32
    %lt3A = arith.constant 0 : i32
    %lt3A_24 = arith.cmpi slt, %rem3A_21, %lt3A : i32
    %lt3A_25 = arith.constant 0 : i32
    %lt3A_26 = arith.cmpi slt, %select_n3A_20, %lt3A_25 : i32
    %ne3A_27 = arith.xori %lt3A_24, %lt3A_26 : i1
    %and3A_28 = arith.andi %ne3A_27, %ne3A_23 : i1
    %add3A_29 = arith.addi %rem3A_21, %select_n3A_20 : i32
    %select_n3A_30 = arith.select %and3A_28, %add3A_29, %rem3A_21 : i32
    %mul3A_31 = arith.constant 64 : i32
    %mul3A_32 = arith.muli %select_n3A_30, %mul3A_31 : i32
    %broadcast_in_dim3A = arith.constant 0.000000e+00 : f32
    %broadcast_in_dim3A_33 = vector.broadcast %broadcast_in_dim3A : f32 to vector<16xf32>
    %broadcast_in_dim3A_34 = arith.constant 1.000000e+00 : f32
    %broadcast_in_dim3A_35 = vector.broadcast %broadcast_in_dim3A_34 : f32 to vector<16xf32>
    %iota3A = tpu.iota {dimensions = array<i32: 0>} : vector<16xi32>
    %mul3A_36 = arith.constant 1025 : i32
    %mul3A_37 = vector.broadcast %mul3A_36 : i32 to vector<16xi32>
    %mul3A_38 = arith.muli %iota3A, %mul3A_37 : vector<16xi32>
    %swap3A = arith.constant 0 : index
    %swap3A_39 = tpu.vector_load %arg7[%swap3A] {strides = array<i32>} : memref<16xi32, #tpu.memory_space<vmem>>, vector<16xi32>,
    tpu.vector_store %arg7[%swap3A], %mul3A_38 {strides = array<i32>} : memref<16xi32, #tpu.memory_space<vmem>>, vector<16xi32>,
    %scan3A = arith.constant 0 : i32
    %scan3A_40 = arith.constant 0 : i32
    %scan3A_41 = arith.constant 1032 : i32
    %scan3A_42 = arith.addi %scan3A_40, %scan3A_41 : i32
    %scan3A_43 = arith.constant 1 : i32
    scf.for %scan3A_88 = %scan3A_40 to %scan3A_42 step %scan3A_43  : i32 {
      %mul3A_89 = arith.constant 16 : i32
      %mul3A_90 = arith.muli %scan3A_88, %mul3A_89 : i32
      %swap3A_91 = arith.index_cast %mul3A_90 : i32 to index
      %swap3A_92 = tpu.vector_load %arg5[%swap3A_91] {strides = array<i32>} : memref<16512xf32, #tpu.memory_space<vmem>>, vector<16xf32>,
      tpu.vector_store %arg5[%swap3A_91], %broadcast_in_dim3A_33 {strides = array<i32>} : memref<16512xf32, #tpu.memory_space<vmem>>, vector<16xf32>,
    }
    %scan3A_44 = arith.constant 1032 : i32
    %add3A_45 = arith.constant 0 : i32
    %add3A_46 = arith.addi %mul3A_32, %add3A_45 : i32
    %dma_start3A = arith.constant 0 : i32
    %dma_start3A_47 = arith.constant 0 : i32
    %dma_start3A_48 = tpu.memref_slice %arg2[%select_n3A, %dma_start3A, %add3A_46, %dma_start3A_47] : memref<4x32x512x512xf32, #tpu.memory_space<hbm>> -> memref<1x32x8x128xf32, #tpu.memory_space<hbm>>
    %dma_start3A_49 = tpu.memref_squeeze %dma_start3A_48 : memref<1x32x8x128xf32, #tpu.memory_space<hbm>> -> memref<32x8x128xf32, #tpu.memory_space<hbm>>
    %dma_start3A_50 = arith.constant 0 : i32
    %dma_start3A_51 = arith.constant 0 : i32
    %dma_start3A_52 = tpu.memref_slice %arg2[%select_n3A, %dma_start3A_50, %add3A_46, %dma_start3A_51] : memref<4x32x512x512xf32, #tpu.memory_space<hbm>> -> memref<1x32x8x128xf32, #tpu.memory_space<hbm>>
    %dma_start3A_53 = tpu.memref_squeeze %dma_start3A_52 : memref<1x32x8x128xf32, #tpu.memory_space<hbm>> -> memref<32x8x128xf32, #tpu.memory_space<hbm>>
    tpu.enqueue_dma source(%dma_start3A_53 : memref<32x8x128xf32, #tpu.memory_space<hbm>>) target(%arg8 : memref<32x8x128xf32, #tpu.memory_space<vmem>>) target_semaphore(%arg12 : memref<!tpu.dma_semaphore, #tpu.memory_space<semaphore_mem>>)
    %dma_start3A_54 = arith.constant 0 : i32
    %dma_start3A_55 = tpu.memref_slice %arg3[%select_n3A, %add3A_46, %dma_start3A_54] : memref<4x512x512xi32, #tpu.memory_space<hbm>> -> memref<1x8x128xi32, #tpu.memory_space<hbm>>
    %dma_start3A_56 = tpu.memref_squeeze %dma_start3A_55 : memref<1x8x128xi32, #tpu.memory_space<hbm>> -> memref<8x128xi32, #tpu.memory_space<hbm>>
    %dma_start3A_57 = arith.constant 0 : i32
    %dma_start3A_58 = tpu.memref_slice %arg3[%select_n3A, %add3A_46, %dma_start3A_57] : memref<4x512x512xi32, #tpu.memory_space<hbm>> -> memref<1x8x128xi32, #tpu.memory_space<hbm>>
    %dma_start3A_59 = tpu.memref_squeeze %dma_start3A_58 : memref<1x8x128xi32, #tpu.memory_space<hbm>> -> memref<8x128xi32, #tpu.memory_space<hbm>>
    tpu.enqueue_dma source(%dma_start3A_59 : memref<8x128xi32, #tpu.memory_space<hbm>>) target(%arg10 : memref<8x128xi32, #tpu.memory_space<vmem>>) target_semaphore(%arg13 : memref<!tpu.dma_semaphore, #tpu.memory_space<semaphore_mem>>)
    %add3A_60 = arith.constant 0 : i32
    %add3A_61 = arith.addi %mul3A_32, %add3A_60 : i32
    %dma_start3A_62 = arith.constant 0 : i32
    %dma_start3A_63 = arith.constant 128 : i32
    %dma_start3A_64 = tpu.memref_slice %arg2[%select_n3A, %dma_start3A_62, %add3A_61, %dma_start3A_63] : memref<4x32x512x512xf32, #tpu.memory_space<hbm>> -> memref<1x32x8x128xf32, #tpu.memory_space<hbm>>
    %dma_start3A_65 = tpu.memref_squeeze %dma_start3A_64 : memref<1x32x8x128xf32, #tpu.memory_space<hbm>> -> memref<32x8x128xf32, #tpu.memory_space<hbm>>
    %dma_start3A_66 = arith.constant 0 : i32
    %dma_start3A_67 = arith.constant 128 : i32
    %dma_start3A_68 = tpu.memref_slice %arg2[%select_n3A, %dma_start3A_66, %add3A_61, %dma_start3A_67] : memref<4x32x512x512xf32, #tpu.memory_space<hbm>> -> memref<1x32x8x128xf32, #tpu.memory_space<hbm>>
    %dma_start3A_69 = tpu.memref_squeeze %dma_start3A_68 : memref<1x32x8x128xf32, #tpu.memory_space<hbm>> -> memref<32x8x128xf32, #tpu.memory_space<hbm>>
    tpu.enqueue_dma source(%dma_start3A_69 : memref<32x8x128xf32, #tpu.memory_space<hbm>>) target(%arg9 : memref<32x8x128xf32, #tpu.memory_space<vmem>>) target_semaphore(%arg14 : memref<!tpu.dma_semaphore, #tpu.memory_space<semaphore_mem>>)
    %dma_start3A_70 = arith.constant 128 : i32
    %dma_start3A_71 = tpu.memref_slice %arg3[%select_n3A, %add3A_61, %dma_start3A_70] : memref<4x512x512xi32, #tpu.memory_space<hbm>> -> memref<1x8x128xi32, #tpu.memory_space<hbm>>
    %dma_start3A_72 = tpu.memref_squeeze %dma_start3A_71 : memref<1x8x128xi32, #tpu.memory_space<hbm>> -> memref<8x128xi32, #tpu.memory_space<hbm>>
    %dma_start3A_73 = arith.constant 128 : i32
    %dma_start3A_74 = tpu.memref_slice %arg3[%select_n3A, %add3A_61, %dma_start3A_73] : memref<4x512x512xi32, #tpu.memory_space<hbm>> -> memref<1x8x128xi32, #tpu.memory_space<hbm>>
    %dma_start3A_75 = tpu.memref_squeeze %dma_start3A_74 : memref<1x8x128xi32, #tpu.memory_space<hbm>> -> memref<8x128xi32, #tpu.memory_space<hbm>>
    tpu.enqueue_dma source(%dma_start3A_75 : memref<8x128xi32, #tpu.memory_space<hbm>>) target(%arg11 : memref<8x128xi32, #tpu.memory_space<vmem>>) target_semaphore(%arg15 : memref<!tpu.dma_semaphore, #tpu.memory_space<semaphore_mem>>)
    %scan3A_76 = arith.constant 0 : i32
    %scan3A_77 = arith.constant 0 : i32
    %scan3A_78 = arith.constant 16 : i32
    %scan3A_79 = arith.addi %scan3A_77, %scan3A_78 : i32
    %scan3A_80 = arith.constant 1 : i32
    scf.for %scan3A_88 = %scan3A_77 to %scan3A_79 step %scan3A_80  : i32 {
      %mul3A_89 = arith.constant 2 : i32
      %mul3A_90 = arith.muli %scan3A_88, %mul3A_89 : i32
      %dma_wait3A = arith.constant 0 : i32
      %dma_wait3A_91 = arith.constant 0 : i32
      %dma_wait3A_92 = tpu.memref_slice %arg2[%select_n3A, %dma_wait3A, %mul3A_32, %dma_wait3A_91] : memref<4x32x512x512xf32, #tpu.memory_space<hbm>> -> memref<1x32x8x128xf32, #tpu.memory_space<hbm>>
      %dma_wait3A_93 = tpu.memref_squeeze %dma_wait3A_92 : memref<1x32x8x128xf32, #tpu.memory_space<hbm>> -> memref<32x8x128xf32, #tpu.memory_space<hbm>>
      %dma_wait3A_94 = arith.constant 0 : i32
      %dma_wait3A_95 = arith.constant 0 : i32
      %dma_wait3A_96 = tpu.memref_slice %arg2[%select_n3A, %dma_wait3A_94, %mul3A_32, %dma_wait3A_95] : memref<4x32x512x512xf32, #tpu.memory_space<hbm>> -> memref<1x32x8x128xf32, #tpu.memory_space<hbm>>
      %dma_wait3A_97 = tpu.memref_squeeze %dma_wait3A_96 : memref<1x32x8x128xf32, #tpu.memory_space<hbm>> -> memref<32x8x128xf32, #tpu.memory_space<hbm>>
      tpu.wait_dma2 semaphore(%arg12 : memref<!tpu.dma_semaphore, #tpu.memory_space<semaphore_mem>>) src(%dma_wait3A_97 : memref<32x8x128xf32, #tpu.memory_space<hbm>>) dst(%arg8 : memref<32x8x128xf32, #tpu.memory_space<vmem>>)
      %dma_wait3A_98 = arith.constant 0 : i32
      %dma_wait3A_99 = tpu.memref_slice %arg3[%select_n3A, %mul3A_32, %dma_wait3A_98] : memref<4x512x512xi32, #tpu.memory_space<hbm>> -> memref<1x8x128xi32, #tpu.memory_space<hbm>>
      %dma_wait3A_100 = tpu.memref_squeeze %dma_wait3A_99 : memref<1x8x128xi32, #tpu.memory_space<hbm>> -> memref<8x128xi32, #tpu.memory_space<hbm>>
      %dma_wait3A_101 = arith.constant 0 : i32
      %dma_wait3A_102 = tpu.memref_slice %arg3[%select_n3A, %mul3A_32, %dma_wait3A_101] : memref<4x512x512xi32, #tpu.memory_space<hbm>> -> memref<1x8x128xi32, #tpu.memory_space<hbm>>
      %dma_wait3A_103 = tpu.memref_squeeze %dma_wait3A_102 : memref<1x8x128xi32, #tpu.memory_space<hbm>> -> memref<8x128xi32, #tpu.memory_space<hbm>>
      tpu.wait_dma2 semaphore(%arg13 : memref<!tpu.dma_semaphore, #tpu.memory_space<semaphore_mem>>) src(%dma_wait3A_103 : memref<8x128xi32, #tpu.memory_space<hbm>>) dst(%arg10 : memref<8x128xi32, #tpu.memory_space<vmem>>)
      %parallel_loop3A = arith.constant 0 : i32
      %parallel_loop3A_104 = arith.constant 64 : i32
      %parallel_loop3A_105 = arith.constant 1 : i32
      scf.for %parallel_loop3A_135 = %parallel_loop3A to %parallel_loop3A_104 step %parallel_loop3A_105  : i32 {
        %parallel_loop3A_136 = arith.constant 8 : i32
        %parallel_loop3A_137 = arith.divsi %parallel_loop3A_135, %parallel_loop3A_136 : i32
        %parallel_loop3A_138 = arith.constant 0 : i32
        %parallel_loop3A_139 = arith.cmpi sgt, %parallel_loop3A_135, %parallel_loop3A_138 : i32
        %parallel_loop3A_140 = arith.extui %parallel_loop3A_139 : i1 to i32
        %parallel_loop3A_141 = arith.constant 0 : i32
        %parallel_loop3A_142 = arith.cmpi slt, %parallel_loop3A_135, %parallel_loop3A_141 : i32
        %parallel_loop3A_143 = arith.extui %parallel_loop3A_142 : i1 to i32
        %parallel_loop3A_144 = arith.subi %parallel_loop3A_140, %parallel_loop3A_143 : i32
        %parallel_loop3A_145 = arith.constant 0 : i32
        %parallel_loop3A_146 = arith.cmpi sgt, %parallel_loop3A_136, %parallel_loop3A_145 : i32
        %parallel_loop3A_147 = arith.extui %parallel_loop3A_146 : i1 to i32
        %parallel_loop3A_148 = arith.constant 0 : i32
        %parallel_loop3A_149 = arith.cmpi slt, %parallel_loop3A_136, %parallel_loop3A_148 : i32
        %parallel_loop3A_150 = arith.extui %parallel_loop3A_149 : i1 to i32
        %parallel_loop3A_151 = arith.subi %parallel_loop3A_147, %parallel_loop3A_150 : i32
        %parallel_loop3A_152 = arith.cmpi ne, %parallel_loop3A_144, %parallel_loop3A_151 : i32
        %parallel_loop3A_153 = arith.remsi %parallel_loop3A_135, %parallel_loop3A_136 : i32
        %parallel_loop3A_154 = arith.constant 0 : i32
        %parallel_loop3A_155 = arith.cmpi ne, %parallel_loop3A_153, %parallel_loop3A_154 : i32
        %parallel_loop3A_156 = arith.andi %parallel_loop3A_152, %parallel_loop3A_155 : i1
        %parallel_loop3A_157 = arith.constant 1 : i32
        %parallel_loop3A_158 = arith.subi %parallel_loop3A_137, %parallel_loop3A_157 : i32
        %parallel_loop3A_159 = arith.select %parallel_loop3A_156, %parallel_loop3A_158, %parallel_loop3A_137 : i32
        %parallel_loop3A_160 = arith.constant 8 : i32
        %parallel_loop3A_161 = arith.constant 0 : i32
        %parallel_loop3A_162 = arith.cmpi eq, %parallel_loop3A_160, %parallel_loop3A_161 : i32
        %parallel_loop3A_163 = arith.constant 1 : i32
        %parallel_loop3A_164 = arith.select %parallel_loop3A_162, %parallel_loop3A_163, %parallel_loop3A_160 : i32
        %parallel_loop3A_165 = arith.remsi %parallel_loop3A_135, %parallel_loop3A_164 : i32
        %parallel_loop3A_166 = arith.constant 0 : i32
        %parallel_loop3A_167 = arith.cmpi ne, %parallel_loop3A_165, %parallel_loop3A_166 : i32
        %parallel_loop3A_168 = arith.constant 0 : i32
        %parallel_loop3A_169 = arith.cmpi slt, %parallel_loop3A_165, %parallel_loop3A_168 : i32
        %parallel_loop3A_170 = arith.constant 0 : i32
        %parallel_loop3A_171 = arith.cmpi slt, %parallel_loop3A_164, %parallel_loop3A_170 : i32
        %parallel_loop3A_172 = arith.xori %parallel_loop3A_169, %parallel_loop3A_171 : i1
        %parallel_loop3A_173 = arith.andi %parallel_loop3A_172, %parallel_loop3A_167 : i1
        %parallel_loop3A_174 = arith.addi %parallel_loop3A_165, %parallel_loop3A_164 : i32
        %parallel_loop3A_175 = arith.select %parallel_loop3A_173, %parallel_loop3A_174, %parallel_loop3A_165 : i32
        %parallel_loop3A_176 = arith.constant 16 : i32
        %parallel_loop3A_177 = arith.muli %parallel_loop3A_175, %parallel_loop3A_176 : i32
        %parallel_loop3A_178 = arith.index_cast %parallel_loop3A_159 : i32 to index
        %parallel_loop3A_179 = arith.index_cast %parallel_loop3A_177 : i32 to index
        %parallel_loop3A_180 = tpu.vector_load %arg10[%parallel_loop3A_178, %parallel_loop3A_179] {strides = array<i32>} : memref<8x128xi32, #tpu.memory_space<vmem>>, vector<16xi32>,
        %parallel_loop3A_181 = arith.constant 0 : index
        %parallel_loop3A_182 = tpu.vector_load %arg7[%parallel_loop3A_181] {strides = array<i32>} : memref<16xi32, #tpu.memory_space<vmem>>, vector<16xi32>,
        %parallel_loop3A_183 = arith.constant 64 : i32
        %parallel_loop3A_184 = vector.broadcast %parallel_loop3A_183 : i32 to vector<16xi32>
        %parallel_loop3A_185 = arith.muli %parallel_loop3A_180, %parallel_loop3A_184 : vector<16xi32>
        %parallel_loop3A_186 = arith.addi %parallel_loop3A_182, %parallel_loop3A_185 : vector<16xi32>
        %parallel_loop3A_187 = arith.constant 0 : i32
        %parallel_loop3A_188 = arith.index_cast %parallel_loop3A_187 : i32 to index
        %parallel_loop3A_189 = arith.index_cast %parallel_loop3A_159 : i32 to index
        %parallel_loop3A_190 = arith.index_cast %parallel_loop3A_177 : i32 to index
        %parallel_loop3A_191 = tpu.vector_load %arg8[%parallel_loop3A_188, %parallel_loop3A_189, %parallel_loop3A_190] {strides = array<i32>} : memref<32x8x128xf32, #tpu.memory_space<vmem>>, vector<16xf32>,
        %parallel_loop3A_192 = arith.constant 1 : i32
        %parallel_loop3A_193 = arith.index_cast %parallel_loop3A_192 : i32 to index
        %parallel_loop3A_194 = arith.index_cast %parallel_loop3A_159 : i32 to index
        %parallel_loop3A_195 = arith.index_cast %parallel_loop3A_177 : i32 to index
        %parallel_loop3A_196 = tpu.vector_load %arg8[%parallel_loop3A_193, %parallel_loop3A_194, %parallel_loop3A_195] {strides = array<i32>} : memref<32x8x128xf32, #tpu.memory_space<vmem>>, vector<16xf32>,
        %parallel_loop3A_197 = arith.constant 2 : i32
        %parallel_loop3A_198 = arith.index_cast %parallel_loop3A_197 : i32 to index
        %parallel_loop3A_199 = arith.index_cast %parallel_loop3A_159 : i32 to index
        %parallel_loop3A_200 = arith.index_cast %parallel_loop3A_177 : i32 to index
        %parallel_loop3A_201 = tpu.vector_load %arg8[%parallel_loop3A_198, %parallel_loop3A_199, %parallel_loop3A_200] {strides = array<i32>} : memref<32x8x128xf32, #tpu.memory_space<vmem>>, vector<16xf32>,
        %parallel_loop3A_202 = arith.constant 3 : i32
        %parallel_loop3A_203 = arith.index_cast %parallel_loop3A_202 : i32 to index
        %parallel_loop3A_204 = arith.index_cast %parallel_loop3A_159 : i32 to index
        %parallel_loop3A_205 = arith.index_cast %parallel_loop3A_177 : i32 to index
        %parallel_loop3A_206 = tpu.vector_load %arg8[%parallel_loop3A_203, %parallel_loop3A_204, %parallel_loop3A_205] {strides = array<i32>} : memref<32x8x128xf32, #tpu.memory_space<vmem>>, vector<16xf32>,
        %parallel_loop3A_207 = arith.constant 4 : i32
        %parallel_loop3A_208 = arith.index_cast %parallel_loop3A_207 : i32 to index
        %parallel_loop3A_209 = arith.index_cast %parallel_loop3A_159 : i32 to index
        %parallel_loop3A_210 = arith.index_cast %parallel_loop3A_177 : i32 to index
        %parallel_loop3A_211 = tpu.vector_load %arg8[%parallel_loop3A_208, %parallel_loop3A_209, %parallel_loop3A_210] {strides = array<i32>} : memref<32x8x128xf32, #tpu.memory_space<vmem>>, vector<16xf32>,
        %parallel_loop3A_212 = arith.constant 5 : i32
        %parallel_loop3A_213 = arith.index_cast %parallel_loop3A_212 : i32 to index
        %parallel_loop3A_214 = arith.index_cast %parallel_loop3A_159 : i32 to index
        %parallel_loop3A_215 = arith.index_cast %parallel_loop3A_177 : i32 to index
        %parallel_loop3A_216 = tpu.vector_load %arg8[%parallel_loop3A_213, %parallel_loop3A_214, %parallel_loop3A_215] {strides = array<i32>} : memref<32x8x128xf32, #tpu.memory_space<vmem>>, vector<16xf32>,
        %parallel_loop3A_217 = arith.constant 6 : i32
        %parallel_loop3A_218 = arith.index_cast %parallel_loop3A_217 : i32 to index
        %parallel_loop3A_219 = arith.index_cast %parallel_loop3A_159 : i32 to index
        %parallel_loop3A_220 = arith.index_cast %parallel_loop3A_177 : i32 to index
        %parallel_loop3A_221 = tpu.vector_load %arg8[%parallel_loop3A_218, %parallel_loop3A_219, %parallel_loop3A_220] {strides = array<i32>} : memref<32x8x128xf32, #tpu.memory_space<vmem>>, vector<16xf32>,
        %parallel_loop3A_222 = arith.constant 7 : i32
        %parallel_loop3A_223 = arith.index_cast %parallel_loop3A_222 : i32 to index
        %parallel_loop3A_224 = arith.index_cast %parallel_loop3A_159 : i32 to index
        %parallel_loop3A_225 = arith.index_cast %parallel_loop3A_177 : i32 to index
        %parallel_loop3A_226 = tpu.vector_load %arg8[%parallel_loop3A_223, %parallel_loop3A_224, %parallel_loop3A_225] {strides = array<i32>} : memref<32x8x128xf32, #tpu.memory_space<vmem>>, vector<16xf32>,
        %parallel_loop3A_227 = arith.constant 8 : i32
        %parallel_loop3A_228 = arith.index_cast %parallel_loop3A_227 : i32 to index
        %parallel_loop3A_229 = arith.index_cast %parallel_loop3A_159 : i32 to index
        %parallel_loop3A_230 = arith.index_cast %parallel_loop3A_177 : i32 to index
        %parallel_loop3A_231 = tpu.vector_load %arg8[%parallel_loop3A_228, %parallel_loop3A_229, %parallel_loop3A_230] {strides = array<i32>} : memref<32x8x128xf32, #tpu.memory_space<vmem>>, vector<16xf32>,
        %parallel_loop3A_232 = arith.mulf %parallel_loop3A_191, %parallel_loop3A_191 : vector<16xf32>
        %parallel_loop3A_233 = arith.addf %broadcast_in_dim3A_33, %parallel_loop3A_232 : vector<16xf32>
        %parallel_loop3A_234 = arith.constant 0 : i32
        %parallel_loop3A_235 = vector.broadcast %parallel_loop3A_234 : i32 to vector<16xi32>
        %parallel_loop3A_236 = arith.addi %parallel_loop3A_186, %parallel_loop3A_235 : vector<16xi32>
        tpu.vector_store_idx %arg5[%parallel_loop3A_236], %parallel_loop3A_191 {add = true} : memref<16512xf32, #tpu.memory_space<vmem>>[vector<16xi32>], vector<16xf32>,
        %parallel_loop3A_237 = arith.constant 9 : i32
        %parallel_loop3A_238 = arith.index_cast %parallel_loop3A_237 : i32 to index
        %parallel_loop3A_239 = arith.index_cast %parallel_loop3A_159 : i32 to index
        %parallel_loop3A_240 = arith.index_cast %parallel_loop3A_177 : i32 to index
        %parallel_loop3A_241 = tpu.vector_load %arg8[%parallel_loop3A_238, %parallel_loop3A_239, %parallel_loop3A_240] {strides = array<i32>} : memref<32x8x128xf32, #tpu.memory_space<vmem>>, vector<16xf32>,
        %parallel_loop3A_242 = arith.mulf %parallel_loop3A_196, %parallel_loop3A_196 : vector<16xf32>
        %parallel_loop3A_243 = arith.addf %broadcast_in_dim3A_33, %parallel_loop3A_242 : vector<16xf32>
        %parallel_loop3A_244 = arith.constant 1 : i32
        %parallel_loop3A_245 = vector.broadcast %parallel_loop3A_244 : i32 to vector<16xi32>
        %parallel_loop3A_246 = arith.addi %parallel_loop3A_186, %parallel_loop3A_245 : vector<16xi32>
        tpu.vector_store_idx %arg5[%parallel_loop3A_246], %parallel_loop3A_196 {add = true} : memref<16512xf32, #tpu.memory_space<vmem>>[vector<16xi32>], vector<16xf32>,
        %parallel_loop3A_247 = arith.constant 10 : i32
        %parallel_loop3A_248 = arith.index_cast %parallel_loop3A_247 : i32 to index
        %parallel_loop3A_249 = arith.index_cast %parallel_loop3A_159 : i32 to index
        %parallel_loop3A_250 = arith.index_cast %parallel_loop3A_177 : i32 to index
        %parallel_loop3A_251 = tpu.vector_load %arg8[%parallel_loop3A_248, %parallel_loop3A_249, %parallel_loop3A_250] {strides = array<i32>} : memref<32x8x128xf32, #tpu.memory_space<vmem>>, vector<16xf32>,
        %parallel_loop3A_252 = arith.mulf %parallel_loop3A_201, %parallel_loop3A_201 : vector<16xf32>
        %parallel_loop3A_253 = arith.addf %broadcast_in_dim3A_33, %parallel_loop3A_252 : vector<16xf32>
        %parallel_loop3A_254 = arith.constant 2 : i32
        %parallel_loop3A_255 = vector.broadcast %parallel_loop3A_254 : i32 to vector<16xi32>
        %parallel_loop3A_256 = arith.addi %parallel_loop3A_186, %parallel_loop3A_255 : vector<16xi32>
        tpu.vector_store_idx %arg5[%parallel_loop3A_256], %parallel_loop3A_201 {add = true} : memref<16512xf32, #tpu.memory_space<vmem>>[vector<16xi32>], vector<16xf32>,
        %parallel_loop3A_257 = arith.constant 11 : i32
        %parallel_loop3A_258 = arith.index_cast %parallel_loop3A_257 : i32 to index
        %parallel_loop3A_259 = arith.index_cast %parallel_loop3A_159 : i32 to index
        %parallel_loop3A_260 = arith.index_cast %parallel_loop3A_177 : i32 to index
        %parallel_loop3A_261 = tpu.vector_load %arg8[%parallel_loop3A_258, %parallel_loop3A_259, %parallel_loop3A_260] {strides = array<i32>} : memref<32x8x128xf32, #tpu.memory_space<vmem>>, vector<16xf32>,
        %parallel_loop3A_262 = arith.mulf %parallel_loop3A_206, %parallel_loop3A_206 : vector<16xf32>
        %parallel_loop3A_263 = arith.addf %broadcast_in_dim3A_33, %parallel_loop3A_262 : vector<16xf32>
        %parallel_loop3A_264 = arith.constant 3 : i32
        %parallel_loop3A_265 = vector.broadcast %parallel_loop3A_264 : i32 to vector<16xi32>
        %parallel_loop3A_266 = arith.addi %parallel_loop3A_186, %parallel_loop3A_265 : vector<16xi32>
        tpu.vector_store_idx %arg5[%parallel_loop3A_266], %parallel_loop3A_206 {add = true} : memref<16512xf32, #tpu.memory_space<vmem>>[vector<16xi32>], vector<16xf32>,
        %parallel_loop3A_267 = arith.constant 12 : i32
        %parallel_loop3A_268 = arith.index_cast %parallel_loop3A_267 : i32 to index
        %parallel_loop3A_269 = arith.index_cast %parallel_loop3A_159 : i32 to index
        %parallel_loop3A_270 = arith.index_cast %parallel_loop3A_177 : i32 to index
        %parallel_loop3A_271 = tpu.vector_load %arg8[%parallel_loop3A_268, %parallel_loop3A_269, %parallel_loop3A_270] {strides = array<i32>} : memref<32x8x128xf32, #tpu.memory_space<vmem>>, vector<16xf32>,
        %parallel_loop3A_272 = arith.mulf %parallel_loop3A_211, %parallel_loop3A_211 : vector<16xf32>
        %parallel_loop3A_273 = arith.addf %parallel_loop3A_233, %parallel_loop3A_272 : vector<16xf32>
        %parallel_loop3A_274 = arith.constant 4 : i32
        %parallel_loop3A_275 = vector.broadcast %parallel_loop3A_274 : i32 to vector<16xi32>
        %parallel_loop3A_276 = arith.addi %parallel_loop3A_186, %parallel_loop3A_275 : vector<16xi32>
        tpu.vector_store_idx %arg5[%parallel_loop3A_276], %parallel_loop3A_211 {add = true} : memref<16512xf32, #tpu.memory_space<vmem>>[vector<16xi32>], vector<16xf32>,
        %parallel_loop3A_277 = arith.constant 13 : i32
        %parallel_loop3A_278 = arith.index_cast %parallel_loop3A_277 : i32 to index
        %parallel_loop3A_279 = arith.index_cast %parallel_loop3A_159 : i32 to index
        %parallel_loop3A_280 = arith.index_cast %parallel_loop3A_177 : i32 to index
        %parallel_loop3A_281 = tpu.vector_load %arg8[%parallel_loop3A_278, %parallel_loop3A_279, %parallel_loop3A_280] {strides = array<i32>} : memref<32x8x128xf32, #tpu.memory_space<vmem>>, vector<16xf32>,
        %parallel_loop3A_282 = arith.mulf %parallel_loop3A_216, %parallel_loop3A_216 : vector<16xf32>
        %parallel_loop3A_283 = arith.addf %parallel_loop3A_243, %parallel_loop3A_282 : vector<16xf32>
        %parallel_loop3A_284 = arith.constant 5 : i32
        %parallel_loop3A_285 = vector.broadcast %parallel_loop3A_284 : i32 to vector<16xi32>
        %parallel_loop3A_286 = arith.addi %parallel_loop3A_186, %parallel_loop3A_285 : vector<16xi32>
        tpu.vector_store_idx %arg5[%parallel_loop3A_286], %parallel_loop3A_216 {add = true} : memref<16512xf32, #tpu.memory_space<vmem>>[vector<16xi32>], vector<16xf32>,
        %parallel_loop3A_287 = arith.constant 14 : i32
        %parallel_loop3A_288 = arith.index_cast %parallel_loop3A_287 : i32 to index
        %parallel_loop3A_289 = arith.index_cast %parallel_loop3A_159 : i32 to index
        %parallel_loop3A_290 = arith.index_cast %parallel_loop3A_177 : i32 to index
        %parallel_loop3A_291 = tpu.vector_load %arg8[%parallel_loop3A_288, %parallel_loop3A_289, %parallel_loop3A_290] {strides = array<i32>} : memref<32x8x128xf32, #tpu.memory_space<vmem>>, vector<16xf32>,
        %parallel_loop3A_292 = arith.mulf %parallel_loop3A_221, %parallel_loop3A_221 : vector<16xf32>
        %parallel_loop3A_293 = arith.addf %parallel_loop3A_253, %parallel_loop3A_292 : vector<16xf32>
        %parallel_loop3A_294 = arith.constant 6 : i32
        %parallel_loop3A_295 = vector.broadcast %parallel_loop3A_294 : i32 to vector<16xi32>
        %parallel_loop3A_296 = arith.addi %parallel_loop3A_186, %parallel_loop3A_295 : vector<16xi32>
        tpu.vector_store_idx %arg5[%parallel_loop3A_296], %parallel_loop3A_221 {add = true} : memref<16512xf32, #tpu.memory_space<vmem>>[vector<16xi32>], vector<16xf32>,
        %parallel_loop3A_297 = arith.constant 15 : i32
        %parallel_loop3A_298 = arith.index_cast %parallel_loop3A_297 : i32 to index
        %parallel_loop3A_299 = arith.index_cast %parallel_loop3A_159 : i32 to index
        %parallel_loop3A_300 = arith.index_cast %parallel_loop3A_177 : i32 to index
        %parallel_loop3A_301 = tpu.vector_load %arg8[%parallel_loop3A_298, %parallel_loop3A_299, %parallel_loop3A_300] {strides = array<i32>} : memref<32x8x128xf32, #tpu.memory_space<vmem>>, vector<16xf32>,
        %parallel_loop3A_302 = arith.mulf %parallel_loop3A_226, %parallel_loop3A_226 : vector<16xf32>
        %parallel_loop3A_303 = arith.addf %parallel_loop3A_263, %parallel_loop3A_302 : vector<16xf32>
        %parallel_loop3A_304 = arith.constant 7 : i32
        %parallel_loop3A_305 = vector.broadcast %parallel_loop3A_304 : i32 to vector<16xi32>
        %parallel_loop3A_306 = arith.addi %parallel_loop3A_186, %parallel_loop3A_305 : vector<16xi32>
        tpu.vector_store_idx %arg5[%parallel_loop3A_306], %parallel_loop3A_226 {add = true} : memref<16512xf32, #tpu.memory_space<vmem>>[vector<16xi32>], vector<16xf32>,
        %parallel_loop3A_307 = arith.constant 16 : i32
        %parallel_loop3A_308 = arith.index_cast %parallel_loop3A_307 : i32 to index
        %parallel_loop3A_309 = arith.index_cast %parallel_loop3A_159 : i32 to index
        %parallel_loop3A_310 = arith.index_cast %parallel_loop3A_177 : i32 to index
        %parallel_loop3A_311 = tpu.vector_load %arg8[%parallel_loop3A_308, %parallel_loop3A_309, %parallel_loop3A_310] {strides = array<i32>} : memref<32x8x128xf32, #tpu.memory_space<vmem>>, vector<16xf32>,
        %parallel_loop3A_312 = arith.mulf %parallel_loop3A_231, %parallel_loop3A_231 : vector<16xf32>
        %parallel_loop3A_313 = arith.addf %parallel_loop3A_273, %parallel_loop3A_312 : vector<16xf32>
        %parallel_loop3A_314 = arith.constant 8 : i32
        %parallel_loop3A_315 = vector.broadcast %parallel_loop3A_314 : i32 to vector<16xi32>
        %parallel_loop3A_316 = arith.addi %parallel_loop3A_186, %parallel_loop3A_315 : vector<16xi32>
        tpu.vector_store_idx %arg5[%parallel_loop3A_316], %parallel_loop3A_231 {add = true} : memref<16512xf32, #tpu.memory_space<vmem>>[vector<16xi32>], vector<16xf32>,
        %parallel_loop3A_317 = arith.constant 17 : i32
        %parallel_loop3A_318 = arith.index_cast %parallel_loop3A_317 : i32 to index
        %parallel_loop3A_319 = arith.index_cast %parallel_loop3A_159 : i32 to index
        %parallel_loop3A_320 = arith.index_cast %parallel_loop3A_177 : i32 to index
        %parallel_loop3A_321 = tpu.vector_load %arg8[%parallel_loop3A_318, %parallel_loop3A_319, %parallel_loop3A_320] {strides = array<i32>} : memref<32x8x128xf32, #tpu.memory_space<vmem>>, vector<16xf32>,
        %parallel_loop3A_322 = arith.mulf %parallel_loop3A_241, %parallel_loop3A_241 : vector<16xf32>
        %parallel_loop3A_323 = arith.addf %parallel_loop3A_283, %parallel_loop3A_322 : vector<16xf32>
        %parallel_loop3A_324 = arith.constant 9 : i32
        %parallel_loop3A_325 = vector.broadcast %parallel_loop3A_324 : i32 to vector<16xi32>
        %parallel_loop3A_326 = arith.addi %parallel_loop3A_186, %parallel_loop3A_325 : vector<16xi32>
        tpu.vector_store_idx %arg5[%parallel_loop3A_326], %parallel_loop3A_241 {add = true} : memref<16512xf32, #tpu.memory_space<vmem>>[vector<16xi32>], vector<16xf32>,
        %parallel_loop3A_327 = arith.constant 18 : i32
        %parallel_loop3A_328 = arith.index_cast %parallel_loop3A_327 : i32 to index
        %parallel_loop3A_329 = arith.index_cast %parallel_loop3A_159 : i32 to index
        %parallel_loop3A_330 = arith.index_cast %parallel_loop3A_177 : i32 to index
        %parallel_loop3A_331 = tpu.vector_load %arg8[%parallel_loop3A_328, %parallel_loop3A_329, %parallel_loop3A_330] {strides = array<i32>} : memref<32x8x128xf32, #tpu.memory_space<vmem>>, vector<16xf32>,
        %parallel_loop3A_332 = arith.mulf %parallel_loop3A_251, %parallel_loop3A_251 : vector<16xf32>
        %parallel_loop3A_333 = arith.addf %parallel_loop3A_293, %parallel_loop3A_332 : vector<16xf32>
        %parallel_loop3A_334 = arith.constant 10 : i32
        %parallel_loop3A_335 = vector.broadcast %parallel_loop3A_334 : i32 to vector<16xi32>
        %parallel_loop3A_336 = arith.addi %parallel_loop3A_186, %parallel_loop3A_335 : vector<16xi32>
        tpu.vector_store_idx %arg5[%parallel_loop3A_336], %parallel_loop3A_251 {add = true} : memref<16512xf32, #tpu.memory_space<vmem>>[vector<16xi32>], vector<16xf32>,
        %parallel_loop3A_337 = arith.constant 19 : i32
        %parallel_loop3A_338 = arith.index_cast %parallel_loop3A_337 : i32 to index
        %parallel_loop3A_339 = arith.index_cast %parallel_loop3A_159 : i32 to index
        %parallel_loop3A_340 = arith.index_cast %parallel_loop3A_177 : i32 to index
        %parallel_loop3A_341 = tpu.vector_load %arg8[%parallel_loop3A_338, %parallel_loop3A_339, %parallel_loop3A_340] {strides = array<i32>} : memref<32x8x128xf32, #tpu.memory_space<vmem>>, vector<16xf32>,
        %parallel_loop3A_342 = arith.mulf %parallel_loop3A_261, %parallel_loop3A_261 : vector<16xf32>
        %parallel_loop3A_343 = arith.addf %parallel_loop3A_303, %parallel_loop3A_342 : vector<16xf32>
        %parallel_loop3A_344 = arith.constant 11 : i32
        %parallel_loop3A_345 = vector.broadcast %parallel_loop3A_344 : i32 to vector<16xi32>
        %parallel_loop3A_346 = arith.addi %parallel_loop3A_186, %parallel_loop3A_345 : vector<16xi32>
        tpu.vector_store_idx %arg5[%parallel_loop3A_346], %parallel_loop3A_261 {add = true} : memref<16512xf32, #tpu.memory_space<vmem>>[vector<16xi32>], vector<16xf32>,
        %parallel_loop3A_347 = arith.constant 20 : i32
        %parallel_loop3A_348 = arith.index_cast %parallel_loop3A_347 : i32 to index
        %parallel_loop3A_349 = arith.index_cast %parallel_loop3A_159 : i32 to index
        %parallel_loop3A_350 = arith.index_cast %parallel_loop3A_177 : i32 to index
        %parallel_loop3A_351 = tpu.vector_load %arg8[%parallel_loop3A_348, %parallel_loop3A_349, %parallel_loop3A_350] {strides = array<i32>} : memref<32x8x128xf32, #tpu.memory_space<vmem>>, vector<16xf32>,
        %parallel_loop3A_352 = arith.mulf %parallel_loop3A_271, %parallel_loop3A_271 : vector<16xf32>
        %parallel_loop3A_353 = arith.addf %parallel_loop3A_313, %parallel_loop3A_352 : vector<16xf32>
        %parallel_loop3A_354 = arith.constant 12 : i32
        %parallel_loop3A_355 = vector.broadcast %parallel_loop3A_354 : i32 to vector<16xi32>
        %parallel_loop3A_356 = arith.addi %parallel_loop3A_186, %parallel_loop3A_355 : vector<16xi32>
        tpu.vector_store_idx %arg5[%parallel_loop3A_356], %parallel_loop3A_271 {add = true} : memref<16512xf32, #tpu.memory_space<vmem>>[vector<16xi32>], vector<16xf32>,
        %parallel_loop3A_357 = arith.constant 21 : i32
        %parallel_loop3A_358 = arith.index_cast %parallel_loop3A_357 : i32 to index
        %parallel_loop3A_359 = arith.index_cast %parallel_loop3A_159 : i32 to index
        %parallel_loop3A_360 = arith.index_cast %parallel_loop3A_177 : i32 to index
        %parallel_loop3A_361 = tpu.vector_load %arg8[%parallel_loop3A_358, %parallel_loop3A_359, %parallel_loop3A_360] {strides = array<i32>} : memref<32x8x128xf32, #tpu.memory_space<vmem>>, vector<16xf32>,
        %parallel_loop3A_362 = arith.mulf %parallel_loop3A_281, %parallel_loop3A_281 : vector<16xf32>
        %parallel_loop3A_363 = arith.addf %parallel_loop3A_323, %parallel_loop3A_362 : vector<16xf32>
        %parallel_loop3A_364 = arith.constant 13 : i32
        %parallel_loop3A_365 = vector.broadcast %parallel_loop3A_364 : i32 to vector<16xi32>
        %parallel_loop3A_366 = arith.addi %parallel_loop3A_186, %parallel_loop3A_365 : vector<16xi32>
        tpu.vector_store_idx %arg5[%parallel_loop3A_366], %parallel_loop3A_281 {add = true} : memref<16512xf32, #tpu.memory_space<vmem>>[vector<16xi32>], vector<16xf32>,
        %parallel_loop3A_367 = arith.constant 22 : i32
        %parallel_loop3A_368 = arith.index_cast %parallel_loop3A_367 : i32 to index
        %parallel_loop3A_369 = arith.index_cast %parallel_loop3A_159 : i32 to index
        %parallel_loop3A_370 = arith.index_cast %parallel_loop3A_177 : i32 to index
        %parallel_loop3A_371 = tpu.vector_load %arg8[%parallel_loop3A_368, %parallel_loop3A_369, %parallel_loop3A_370] {strides = array<i32>} : memref<32x8x128xf32, #tpu.memory_space<vmem>>, vector<16xf32>,
        %parallel_loop3A_372 = arith.mulf %parallel_loop3A_291, %parallel_loop3A_291 : vector<16xf32>
        %parallel_loop3A_373 = arith.addf %parallel_loop3A_333, %parallel_loop3A_372 : vector<16xf32>
        %parallel_loop3A_374 = arith.constant 14 : i32
        %parallel_loop3A_375 = vector.broadcast %parallel_loop3A_374 : i32 to vector<16xi32>
        %parallel_loop3A_376 = arith.addi %parallel_loop3A_186, %parallel_loop3A_375 : vector<16xi32>
        tpu.vector_store_idx %arg5[%parallel_loop3A_376], %parallel_loop3A_291 {add = true} : memref<16512xf32, #tpu.memory_space<vmem>>[vector<16xi32>], vector<16xf32>,
        %parallel_loop3A_377 = arith.constant 23 : i32
        %parallel_loop3A_378 = arith.index_cast %parallel_loop3A_377 : i32 to index
        %parallel_loop3A_379 = arith.index_cast %parallel_loop3A_159 : i32 to index
        %parallel_loop3A_380 = arith.index_cast %parallel_loop3A_177 : i32 to index
        %parallel_loop3A_381 = tpu.vector_load %arg8[%parallel_loop3A_378, %parallel_loop3A_379, %parallel_loop3A_380] {strides = array<i32>} : memref<32x8x128xf32, #tpu.memory_space<vmem>>, vector<16xf32>,
        %parallel_loop3A_382 = arith.mulf %parallel_loop3A_301, %parallel_loop3A_301 : vector<16xf32>
        %parallel_loop3A_383 = arith.addf %parallel_loop3A_343, %parallel_loop3A_382 : vector<16xf32>
        %parallel_loop3A_384 = arith.constant 15 : i32
        %parallel_loop3A_385 = vector.broadcast %parallel_loop3A_384 : i32 to vector<16xi32>
        %parallel_loop3A_386 = arith.addi %parallel_loop3A_186, %parallel_loop3A_385 : vector<16xi32>
        tpu.vector_store_idx %arg5[%parallel_loop3A_386], %parallel_loop3A_301 {add = true} : memref<16512xf32, #tpu.memory_space<vmem>>[vector<16xi32>], vector<16xf32>,
        %parallel_loop3A_387 = arith.constant 24 : i32
        %parallel_loop3A_388 = arith.index_cast %parallel_loop3A_387 : i32 to index
        %parallel_loop3A_389 = arith.index_cast %parallel_loop3A_159 : i32 to index
        %parallel_loop3A_390 = arith.index_cast %parallel_loop3A_177 : i32 to index
        %parallel_loop3A_391 = tpu.vector_load %arg8[%parallel_loop3A_388, %parallel_loop3A_389, %parallel_loop3A_390] {strides = array<i32>} : memref<32x8x128xf32, #tpu.memory_space<vmem>>, vector<16xf32>,
        %parallel_loop3A_392 = arith.mulf %parallel_loop3A_311, %parallel_loop3A_311 : vector<16xf32>
        %parallel_loop3A_393 = arith.addf %parallel_loop3A_353, %parallel_loop3A_392 : vector<16xf32>
        %parallel_loop3A_394 = arith.constant 16 : i32
        %parallel_loop3A_395 = vector.broadcast %parallel_loop3A_394 : i32 to vector<16xi32>
        %parallel_loop3A_396 = arith.addi %parallel_loop3A_186, %parallel_loop3A_395 : vector<16xi32>
        tpu.vector_store_idx %arg5[%parallel_loop3A_396], %parallel_loop3A_311 {add = true} : memref<16512xf32, #tpu.memory_space<vmem>>[vector<16xi32>], vector<16xf32>,
        %parallel_loop3A_397 = arith.constant 25 : i32
        %parallel_loop3A_398 = arith.index_cast %parallel_loop3A_397 : i32 to index
        %parallel_loop3A_399 = arith.index_cast %parallel_loop3A_159 : i32 to index
        %parallel_loop3A_400 = arith.index_cast %parallel_loop3A_177 : i32 to index
        %parallel_loop3A_401 = tpu.vector_load %arg8[%parallel_loop3A_398, %parallel_loop3A_399, %parallel_loop3A_400] {strides = array<i32>} : memref<32x8x128xf32, #tpu.memory_space<vmem>>, vector<16xf32>,
        %parallel_loop3A_402 = arith.mulf %parallel_loop3A_321, %parallel_loop3A_321 : vector<16xf32>
        %parallel_loop3A_403 = arith.addf %parallel_loop3A_363, %parallel_loop3A_402 : vector<16xf32>
        %parallel_loop3A_404 = arith.constant 17 : i32
        %parallel_loop3A_405 = vector.broadcast %parallel_loop3A_404 : i32 to vector<16xi32>
        %parallel_loop3A_406 = arith.addi %parallel_loop3A_186, %parallel_loop3A_405 : vector<16xi32>
        tpu.vector_store_idx %arg5[%parallel_loop3A_406], %parallel_loop3A_321 {add = true} : memref<16512xf32, #tpu.memory_space<vmem>>[vector<16xi32>], vector<16xf32>,
        %parallel_loop3A_407 = arith.constant 26 : i32
        %parallel_loop3A_408 = arith.index_cast %parallel_loop3A_407 : i32 to index
        %parallel_loop3A_409 = arith.index_cast %parallel_loop3A_159 : i32 to index
        %parallel_loop3A_410 = arith.index_cast %parallel_loop3A_177 : i32 to index
        %parallel_loop3A_411 = tpu.vector_load %arg8[%parallel_loop3A_408, %parallel_loop3A_409, %parallel_loop3A_410] {strides = array<i32>} : memref<32x8x128xf32, #tpu.memory_space<vmem>>, vector<16xf32>,
        %parallel_loop3A_412 = arith.mulf %parallel_loop3A_331, %parallel_loop3A_331 : vector<16xf32>
        %parallel_loop3A_413 = arith.addf %parallel_loop3A_373, %parallel_loop3A_412 : vector<16xf32>
        %parallel_loop3A_414 = arith.constant 18 : i32
        %parallel_loop3A_415 = vector.broadcast %parallel_loop3A_414 : i32 to vector<16xi32>
        %parallel_loop3A_416 = arith.addi %parallel_loop3A_186, %parallel_loop3A_415 : vector<16xi32>
        tpu.vector_store_idx %arg5[%parallel_loop3A_416], %parallel_loop3A_331 {add = true} : memref<16512xf32, #tpu.memory_space<vmem>>[vector<16xi32>], vector<16xf32>,
        %parallel_loop3A_417 = arith.constant 27 : i32
        %parallel_loop3A_418 = arith.index_cast %parallel_loop3A_417 : i32 to index
        %parallel_loop3A_419 = arith.index_cast %parallel_loop3A_159 : i32 to index
        %parallel_loop3A_420 = arith.index_cast %parallel_loop3A_177 : i32 to index
        %parallel_loop3A_421 = tpu.vector_load %arg8[%parallel_loop3A_418, %parallel_loop3A_419, %parallel_loop3A_420] {strides = array<i32>} : memref<32x8x128xf32, #tpu.memory_space<vmem>>, vector<16xf32>,
        %parallel_loop3A_422 = arith.mulf %parallel_loop3A_341, %parallel_loop3A_341 : vector<16xf32>
        %parallel_loop3A_423 = arith.addf %parallel_loop3A_383, %parallel_loop3A_422 : vector<16xf32>
        %parallel_loop3A_424 = arith.constant 19 : i32
        %parallel_loop3A_425 = vector.broadcast %parallel_loop3A_424 : i32 to vector<16xi32>
        %parallel_loop3A_426 = arith.addi %parallel_loop3A_186, %parallel_loop3A_425 : vector<16xi32>
        tpu.vector_store_idx %arg5[%parallel_loop3A_426], %parallel_loop3A_341 {add = true} : memref<16512xf32, #tpu.memory_space<vmem>>[vector<16xi32>], vector<16xf32>,
        %parallel_loop3A_427 = arith.constant 28 : i32
        %parallel_loop3A_428 = arith.index_cast %parallel_loop3A_427 : i32 to index
        %parallel_loop3A_429 = arith.index_cast %parallel_loop3A_159 : i32 to index
        %parallel_loop3A_430 = arith.index_cast %parallel_loop3A_177 : i32 to index
        %parallel_loop3A_431 = tpu.vector_load %arg8[%parallel_loop3A_428, %parallel_loop3A_429, %parallel_loop3A_430] {strides = array<i32>} : memref<32x8x128xf32, #tpu.memory_space<vmem>>, vector<16xf32>,
        %parallel_loop3A_432 = arith.mulf %parallel_loop3A_351, %parallel_loop3A_351 : vector<16xf32>
        %parallel_loop3A_433 = arith.addf %parallel_loop3A_393, %parallel_loop3A_432 : vector<16xf32>
        %parallel_loop3A_434 = arith.constant 20 : i32
        %parallel_loop3A_435 = vector.broadcast %parallel_loop3A_434 : i32 to vector<16xi32>
        %parallel_loop3A_436 = arith.addi %parallel_loop3A_186, %parallel_loop3A_435 : vector<16xi32>
        tpu.vector_store_idx %arg5[%parallel_loop3A_436], %parallel_loop3A_351 {add = true} : memref<16512xf32, #tpu.memory_space<vmem>>[vector<16xi32>], vector<16xf32>,
        %parallel_loop3A_437 = arith.constant 29 : i32
        %parallel_loop3A_438 = arith.index_cast %parallel_loop3A_437 : i32 to index
        %parallel_loop3A_439 = arith.index_cast %parallel_loop3A_159 : i32 to index
        %parallel_loop3A_440 = arith.index_cast %parallel_loop3A_177 : i32 to index
        %parallel_loop3A_441 = tpu.vector_load %arg8[%parallel_loop3A_438, %parallel_loop3A_439, %parallel_loop3A_440] {strides = array<i32>} : memref<32x8x128xf32, #tpu.memory_space<vmem>>, vector<16xf32>,
        %parallel_loop3A_442 = arith.mulf %parallel_loop3A_361, %parallel_loop3A_361 : vector<16xf32>
        %parallel_loop3A_443 = arith.addf %parallel_loop3A_403, %parallel_loop3A_442 : vector<16xf32>
        %parallel_loop3A_444 = arith.constant 21 : i32
        %parallel_loop3A_445 = vector.broadcast %parallel_loop3A_444 : i32 to vector<16xi32>
        %parallel_loop3A_446 = arith.addi %parallel_loop3A_186, %parallel_loop3A_445 : vector<16xi32>
        tpu.vector_store_idx %arg5[%parallel_loop3A_446], %parallel_loop3A_361 {add = true} : memref<16512xf32, #tpu.memory_space<vmem>>[vector<16xi32>], vector<16xf32>,
        %parallel_loop3A_447 = arith.constant 30 : i32
        %parallel_loop3A_448 = arith.index_cast %parallel_loop3A_447 : i32 to index
        %parallel_loop3A_449 = arith.index_cast %parallel_loop3A_159 : i32 to index
        %parallel_loop3A_450 = arith.index_cast %parallel_loop3A_177 : i32 to index
        %parallel_loop3A_451 = tpu.vector_load %arg8[%parallel_loop3A_448, %parallel_loop3A_449, %parallel_loop3A_450] {strides = array<i32>} : memref<32x8x128xf32, #tpu.memory_space<vmem>>, vector<16xf32>,
        %parallel_loop3A_452 = arith.mulf %parallel_loop3A_371, %parallel_loop3A_371 : vector<16xf32>
        %parallel_loop3A_453 = arith.addf %parallel_loop3A_413, %parallel_loop3A_452 : vector<16xf32>
        %parallel_loop3A_454 = arith.constant 22 : i32
        %parallel_loop3A_455 = vector.broadcast %parallel_loop3A_454 : i32 to vector<16xi32>
        %parallel_loop3A_456 = arith.addi %parallel_loop3A_186, %parallel_loop3A_455 : vector<16xi32>
        tpu.vector_store_idx %arg5[%parallel_loop3A_456], %parallel_loop3A_371 {add = true} : memref<16512xf32, #tpu.memory_space<vmem>>[vector<16xi32>], vector<16xf32>,
        %parallel_loop3A_457 = arith.constant 31 : i32
        %parallel_loop3A_458 = arith.index_cast %parallel_loop3A_457 : i32 to index
        %parallel_loop3A_459 = arith.index_cast %parallel_loop3A_159 : i32 to index
        %parallel_loop3A_460 = arith.index_cast %parallel_loop3A_177 : i32 to index
        %parallel_loop3A_461 = tpu.vector_load %arg8[%parallel_loop3A_458, %parallel_loop3A_459, %parallel_loop3A_460] {strides = array<i32>} : memref<32x8x128xf32, #tpu.memory_space<vmem>>, vector<16xf32>,
        %parallel_loop3A_462 = arith.mulf %parallel_loop3A_381, %parallel_loop3A_381 : vector<16xf32>
        %parallel_loop3A_463 = arith.addf %parallel_loop3A_423, %parallel_loop3A_462 : vector<16xf32>
        %parallel_loop3A_464 = arith.constant 23 : i32
        %parallel_loop3A_465 = vector.broadcast %parallel_loop3A_464 : i32 to vector<16xi32>
        %parallel_loop3A_466 = arith.addi %parallel_loop3A_186, %parallel_loop3A_465 : vector<16xi32>
        tpu.vector_store_idx %arg5[%parallel_loop3A_466], %parallel_loop3A_381 {add = true} : memref<16512xf32, #tpu.memory_space<vmem>>[vector<16xi32>], vector<16xf32>,
        %parallel_loop3A_467 = arith.mulf %parallel_loop3A_391, %parallel_loop3A_391 : vector<16xf32>
        %parallel_loop3A_468 = arith.addf %parallel_loop3A_433, %parallel_loop3A_467 : vector<16xf32>
        %parallel_loop3A_469 = arith.constant 24 : i32
        %parallel_loop3A_470 = vector.broadcast %parallel_loop3A_469 : i32 to vector<16xi32>
        %parallel_loop3A_471 = arith.addi %parallel_loop3A_186, %parallel_loop3A_470 : vector<16xi32>
        tpu.vector_store_idx %arg5[%parallel_loop3A_471], %parallel_loop3A_391 {add = true} : memref<16512xf32, #tpu.memory_space<vmem>>[vector<16xi32>], vector<16xf32>,
        %parallel_loop3A_472 = arith.mulf %parallel_loop3A_401, %parallel_loop3A_401 : vector<16xf32>
        %parallel_loop3A_473 = arith.addf %parallel_loop3A_443, %parallel_loop3A_472 : vector<16xf32>
        %parallel_loop3A_474 = arith.constant 25 : i32
        %parallel_loop3A_475 = vector.broadcast %parallel_loop3A_474 : i32 to vector<16xi32>
        %parallel_loop3A_476 = arith.addi %parallel_loop3A_186, %parallel_loop3A_475 : vector<16xi32>
        tpu.vector_store_idx %arg5[%parallel_loop3A_476], %parallel_loop3A_401 {add = true} : memref<16512xf32, #tpu.memory_space<vmem>>[vector<16xi32>], vector<16xf32>,
        %parallel_loop3A_477 = arith.mulf %parallel_loop3A_411, %parallel_loop3A_411 : vector<16xf32>
        %parallel_loop3A_478 = arith.addf %parallel_loop3A_453, %parallel_loop3A_477 : vector<16xf32>
        %parallel_loop3A_479 = arith.constant 26 : i32
        %parallel_loop3A_480 = vector.broadcast %parallel_loop3A_479 : i32 to vector<16xi32>
        %parallel_loop3A_481 = arith.addi %parallel_loop3A_186, %parallel_loop3A_480 : vector<16xi32>
        tpu.vector_store_idx %arg5[%parallel_loop3A_481], %parallel_loop3A_411 {add = true} : memref<16512xf32, #tpu.memory_space<vmem>>[vector<16xi32>], vector<16xf32>,
        %parallel_loop3A_482 = arith.mulf %parallel_loop3A_421, %parallel_loop3A_421 : vector<16xf32>
        %parallel_loop3A_483 = arith.addf %parallel_loop3A_463, %parallel_loop3A_482 : vector<16xf32>
        %parallel_loop3A_484 = arith.constant 27 : i32
        %parallel_loop3A_485 = vector.broadcast %parallel_loop3A_484 : i32 to vector<16xi32>
        %parallel_loop3A_486 = arith.addi %parallel_loop3A_186, %parallel_loop3A_485 : vector<16xi32>
        tpu.vector_store_idx %arg5[%parallel_loop3A_486], %parallel_loop3A_421 {add = true} : memref<16512xf32, #tpu.memory_space<vmem>>[vector<16xi32>], vector<16xf32>,
        %parallel_loop3A_487 = arith.mulf %parallel_loop3A_431, %parallel_loop3A_431 : vector<16xf32>
        %parallel_loop3A_488 = arith.addf %parallel_loop3A_468, %parallel_loop3A_487 : vector<16xf32>
        %parallel_loop3A_489 = arith.constant 28 : i32
        %parallel_loop3A_490 = vector.broadcast %parallel_loop3A_489 : i32 to vector<16xi32>
        %parallel_loop3A_491 = arith.addi %parallel_loop3A_186, %parallel_loop3A_490 : vector<16xi32>
        tpu.vector_store_idx %arg5[%parallel_loop3A_491], %parallel_loop3A_431 {add = true} : memref<16512xf32, #tpu.memory_space<vmem>>[vector<16xi32>], vector<16xf32>,
        %parallel_loop3A_492 = arith.mulf %parallel_loop3A_441, %parallel_loop3A_441 : vector<16xf32>
        %parallel_loop3A_493 = arith.addf %parallel_loop3A_473, %parallel_loop3A_492 : vector<16xf32>
        %parallel_loop3A_494 = arith.constant 29 : i32
        %parallel_loop3A_495 = vector.broadcast %parallel_loop3A_494 : i32 to vector<16xi32>
        %parallel_loop3A_496 = arith.addi %parallel_loop3A_186, %parallel_loop3A_495 : vector<16xi32>
        tpu.vector_store_idx %arg5[%parallel_loop3A_496], %parallel_loop3A_441 {add = true} : memref<16512xf32, #tpu.memory_space<vmem>>[vector<16xi32>], vector<16xf32>,
        %parallel_loop3A_497 = arith.mulf %parallel_loop3A_451, %parallel_loop3A_451 : vector<16xf32>
        %parallel_loop3A_498 = arith.addf %parallel_loop3A_478, %parallel_loop3A_497 : vector<16xf32>
        %parallel_loop3A_499 = arith.constant 30 : i32
        %parallel_loop3A_500 = vector.broadcast %parallel_loop3A_499 : i32 to vector<16xi32>
        %parallel_loop3A_501 = arith.addi %parallel_loop3A_186, %parallel_loop3A_500 : vector<16xi32>
        tpu.vector_store_idx %arg5[%parallel_loop3A_501], %parallel_loop3A_451 {add = true} : memref<16512xf32, #tpu.memory_space<vmem>>[vector<16xi32>], vector<16xf32>,
        %parallel_loop3A_502 = arith.mulf %parallel_loop3A_461, %parallel_loop3A_461 : vector<16xf32>
        %parallel_loop3A_503 = arith.addf %parallel_loop3A_483, %parallel_loop3A_502 : vector<16xf32>
        %parallel_loop3A_504 = arith.constant 31 : i32
        %parallel_loop3A_505 = vector.broadcast %parallel_loop3A_504 : i32 to vector<16xi32>
        %parallel_loop3A_506 = arith.addi %parallel_loop3A_186, %parallel_loop3A_505 : vector<16xi32>
        tpu.vector_store_idx %arg5[%parallel_loop3A_506], %parallel_loop3A_461 {add = true} : memref<16512xf32, #tpu.memory_space<vmem>>[vector<16xi32>], vector<16xf32>,
        %parallel_loop3A_507 = arith.constant 32 : i32
        %parallel_loop3A_508 = vector.broadcast %parallel_loop3A_507 : i32 to vector<16xi32>
        %parallel_loop3A_509 = arith.addi %parallel_loop3A_186, %parallel_loop3A_508 : vector<16xi32>
        %parallel_loop3A_510 = arith.addf %parallel_loop3A_488, %parallel_loop3A_493 : vector<16xf32>
        %parallel_loop3A_511 = arith.addf %parallel_loop3A_498, %parallel_loop3A_503 : vector<16xf32>
        %parallel_loop3A_512 = arith.addf %parallel_loop3A_510, %parallel_loop3A_511 : vector<16xf32>
        tpu.vector_store_idx %arg5[%parallel_loop3A_509], %parallel_loop3A_512 {add = true} : memref<16512xf32, #tpu.memory_space<vmem>>[vector<16xi32>], vector<16xf32>,
        %parallel_loop3A_513 = arith.constant 33 : i32
        %parallel_loop3A_514 = vector.broadcast %parallel_loop3A_513 : i32 to vector<16xi32>
        %parallel_loop3A_515 = arith.addi %parallel_loop3A_186, %parallel_loop3A_514 : vector<16xi32>
        tpu.vector_store_idx %arg5[%parallel_loop3A_515], %broadcast_in_dim3A_35 {add = true} : memref<16512xf32, #tpu.memory_space<vmem>>[vector<16xi32>], vector<16xf32>,
      } {sc.loop_unroll_factor = 2 : i64, sc.parallel_access}
      %add3A_106 = arith.constant 2 : i32
      %add3A_107 = arith.addi %mul3A_90, %add3A_106 : i32
      %lt3A_108 = arith.constant 32 : i32
      %lt3A_109 = arith.cmpi slt, %add3A_107, %lt3A_108 : i32
      %convert_element_type3A = arith.extui %lt3A_109 : i1 to i32
      %cond3A = arith.constant 0 : i32
      %cond3A_110 = arith.cmpi ne, %convert_element_type3A, %cond3A : i32
      scf.if %cond3A_110 {
        %add3A_135 = arith.constant 2 : i32
        %add3A_136 = arith.addi %mul3A_90, %add3A_135 : i32
        %jit3A_137 = arith.constant 4 : i32
        %div3A_138 = arith.divsi %add3A_136, %jit3A_137 : i32
        %sign3A_139 = arith.constant 0 : i32
        %sign3A_140 = arith.cmpi sgt, %add3A_136, %sign3A_139 : i32
        %sign3A_141 = arith.extui %sign3A_140 : i1 to i32
        %sign3A_142 = arith.constant 0 : i32
        %sign3A_143 = arith.cmpi slt, %add3A_136, %sign3A_142 : i32
        %sign3A_144 = arith.extui %sign3A_143 : i1 to i32
        %sign3A_145 = arith.subi %sign3A_141, %sign3A_144 : i32
        %sign3A_146 = arith.constant 0 : i32
        %sign3A_147 = arith.cmpi sgt, %jit3A_137, %sign3A_146 : i32
        %sign3A_148 = arith.extui %sign3A_147 : i1 to i32
        %sign3A_149 = arith.constant 0 : i32
        %sign3A_150 = arith.cmpi slt, %jit3A_137, %sign3A_149 : i32
        %sign3A_151 = arith.extui %sign3A_150 : i1 to i32
        %sign3A_152 = arith.subi %sign3A_148, %sign3A_151 : i32
        %ne3A_153 = arith.cmpi ne, %sign3A_145, %sign3A_152 : i32
        %rem3A_154 = arith.remsi %add3A_136, %jit3A_137 : i32
        %ne3A_155 = arith.constant 0 : i32
        %ne3A_156 = arith.cmpi ne, %rem3A_154, %ne3A_155 : i32
        %and3A_157 = arith.andi %ne3A_153, %ne3A_156 : i1
        %sub3A_158 = arith.constant 1 : i32
        %sub3A_159 = arith.subi %div3A_138, %sub3A_158 : i32
        %select_n3A_160 = arith.select %and3A_157, %sub3A_159, %div3A_138 : i32
        %mul3A_161 = arith.constant 8 : i32
        %mul3A_162 = arith.muli %select_n3A_160, %mul3A_161 : i32
        %add3A_163 = arith.addi %mul3A_32, %mul3A_162 : i32
        %jit3A_164 = arith.constant 4 : i32
        %eq3A_165 = arith.constant 0 : i32
        %eq3A_166 = arith.cmpi eq, %jit3A_164, %eq3A_165 : i32
        %jit3A_167 = arith.constant 1 : i32
        %select_n3A_168 = arith.select %eq3A_166, %jit3A_167, %jit3A_164 : i32
        %rem3A_169 = arith.remsi %add3A_136, %select_n3A_168 : i32
        %ne3A_170 = arith.constant 0 : i32
        %ne3A_171 = arith.cmpi ne, %rem3A_169, %ne3A_170 : i32
        %lt3A_172 = arith.constant 0 : i32
        %lt3A_173 = arith.cmpi slt, %rem3A_169, %lt3A_172 : i32
        %lt3A_174 = arith.constant 0 : i32
        %lt3A_175 = arith.cmpi slt, %select_n3A_168, %lt3A_174 : i32
        %ne3A_176 = arith.xori %lt3A_173, %lt3A_175 : i1
        %and3A_177 = arith.andi %ne3A_176, %ne3A_171 : i1
        %add3A_178 = arith.addi %rem3A_169, %select_n3A_168 : i32
        %select_n3A_179 = arith.select %and3A_177, %add3A_178, %rem3A_169 : i32
        %mul3A_180 = arith.constant 128 : i32
        %mul3A_181 = arith.muli %select_n3A_179, %mul3A_180 : i32
        %dma_start3A_182 = arith.constant 0 : i32
        %dma_start3A_183 = tpu.memref_slice %arg2[%select_n3A, %dma_start3A_182, %add3A_163, %mul3A_181] : memref<4x32x512x512xf32, #tpu.memory_space<hbm>> -> memref<1x32x8x128xf32, #tpu.memory_space<hbm>>
        %dma_start3A_184 = tpu.memref_squeeze %dma_start3A_183 : memref<1x32x8x128xf32, #tpu.memory_space<hbm>> -> memref<32x8x128xf32, #tpu.memory_space<hbm>>
        %dma_start3A_185 = arith.constant 0 : i32
        %dma_start3A_186 = tpu.memref_slice %arg2[%select_n3A, %dma_start3A_185, %add3A_163, %mul3A_181] : memref<4x32x512x512xf32, #tpu.memory_space<hbm>> -> memref<1x32x8x128xf32, #tpu.memory_space<hbm>>
        %dma_start3A_187 = tpu.memref_squeeze %dma_start3A_186 : memref<1x32x8x128xf32, #tpu.memory_space<hbm>> -> memref<32x8x128xf32, #tpu.memory_space<hbm>>
        tpu.enqueue_dma source(%dma_start3A_187 : memref<32x8x128xf32, #tpu.memory_space<hbm>>) target(%arg8 : memref<32x8x128xf32, #tpu.memory_space<vmem>>) target_semaphore(%arg12 : memref<!tpu.dma_semaphore, #tpu.memory_space<semaphore_mem>>)
        %dma_start3A_188 = tpu.memref_slice %arg3[%select_n3A, %add3A_163, %mul3A_181] : memref<4x512x512xi32, #tpu.memory_space<hbm>> -> memref<1x8x128xi32, #tpu.memory_space<hbm>>
        %dma_start3A_189 = tpu.memref_squeeze %dma_start3A_188 : memref<1x8x128xi32, #tpu.memory_space<hbm>> -> memref<8x128xi32, #tpu.memory_space<hbm>>
        %dma_start3A_190 = tpu.memref_slice %arg3[%select_n3A, %add3A_163, %mul3A_181] : memref<4x512x512xi32, #tpu.memory_space<hbm>> -> memref<1x8x128xi32, #tpu.memory_space<hbm>>
        %dma_start3A_191 = tpu.memref_squeeze %dma_start3A_190 : memref<1x8x128xi32, #tpu.memory_space<hbm>> -> memref<8x128xi32, #tpu.memory_space<hbm>>
        tpu.enqueue_dma source(%dma_start3A_191 : memref<8x128xi32, #tpu.memory_space<hbm>>) target(%arg10 : memref<8x128xi32, #tpu.memory_space<vmem>>) target_semaphore(%arg13 : memref<!tpu.dma_semaphore, #tpu.memory_space<semaphore_mem>>)
      } else {
      }
      %dma_wait3A_111 = arith.constant 0 : i32
      %dma_wait3A_112 = arith.constant 0 : i32
      %dma_wait3A_113 = tpu.memref_slice %arg2[%select_n3A, %dma_wait3A_111, %mul3A_32, %dma_wait3A_112] : memref<4x32x512x512xf32, #tpu.memory_space<hbm>> -> memref<1x32x8x128xf32, #tpu.memory_space<hbm>>
      %dma_wait3A_114 = tpu.memref_squeeze %dma_wait3A_113 : memref<1x32x8x128xf32, #tpu.memory_space<hbm>> -> memref<32x8x128xf32, #tpu.memory_space<hbm>>
      %dma_wait3A_115 = arith.constant 0 : i32
      %dma_wait3A_116 = arith.constant 0 : i32
      %dma_wait3A_117 = tpu.memref_slice %arg2[%select_n3A, %dma_wait3A_115, %mul3A_32, %dma_wait3A_116] : memref<4x32x512x512xf32, #tpu.memory_space<hbm>> -> memref<1x32x8x128xf32, #tpu.memory_space<hbm>>
      %dma_wait3A_118 = tpu.memref_squeeze %dma_wait3A_117 : memref<1x32x8x128xf32, #tpu.memory_space<hbm>> -> memref<32x8x128xf32, #tpu.memory_space<hbm>>
      tpu.wait_dma2 semaphore(%arg14 : memref<!tpu.dma_semaphore, #tpu.memory_space<semaphore_mem>>) src(%dma_wait3A_118 : memref<32x8x128xf32, #tpu.memory_space<hbm>>) dst(%arg9 : memref<32x8x128xf32, #tpu.memory_space<vmem>>)
      %dma_wait3A_119 = arith.constant 0 : i32
      %dma_wait3A_120 = tpu.memref_slice %arg3[%select_n3A, %mul3A_32, %dma_wait3A_119] : memref<4x512x512xi32, #tpu.memory_space<hbm>> -> memref<1x8x128xi32, #tpu.memory_space<hbm>>
      %dma_wait3A_121 = tpu.memref_squeeze %dma_wait3A_120 : memref<1x8x128xi32, #tpu.memory_space<hbm>> -> memref<8x128xi32, #tpu.memory_space<hbm>>
      %dma_wait3A_122 = arith.constant 0 : i32
      %dma_wait3A_123 = tpu.memref_slice %arg3[%select_n3A, %mul3A_32, %dma_wait3A_122] : memref<4x512x512xi32, #tpu.memory_space<hbm>> -> memref<1x8x128xi32, #tpu.memory_space<hbm>>
      %dma_wait3A_124 = tpu.memref_squeeze %dma_wait3A_123 : memref<1x8x128xi32, #tpu.memory_space<hbm>> -> memref<8x128xi32, #tpu.memory_space<hbm>>
      tpu.wait_dma2 semaphore(%arg15 : memref<!tpu.dma_semaphore, #tpu.memory_space<semaphore_mem>>) src(%dma_wait3A_124 : memref<8x128xi32, #tpu.memory_space<hbm>>) dst(%arg11 : memref<8x128xi32, #tpu.memory_space<vmem>>)
      %parallel_loop3A_125 = arith.constant 0 : i32
      %parallel_loop3A_126 = arith.constant 64 : i32
      %parallel_loop3A_127 = arith.constant 1 : i32
      scf.for %parallel_loop3A_135 = %parallel_loop3A_125 to %parallel_loop3A_126 step %parallel_loop3A_127  : i32 {
        %parallel_loop3A_136 = arith.constant 8 : i32
        %parallel_loop3A_137 = arith.divsi %parallel_loop3A_135, %parallel_loop3A_136 : i32
        %parallel_loop3A_138 = arith.constant 0 : i32
        %parallel_loop3A_139 = arith.cmpi sgt, %parallel_loop3A_135, %parallel_loop3A_138 : i32
        %parallel_loop3A_140 = arith.extui %parallel_loop3A_139 : i1 to i32
        %parallel_loop3A_141 = arith.constant 0 : i32
        %parallel_loop3A_142 = arith.cmpi slt, %parallel_loop3A_135, %parallel_loop3A_141 : i32
        %parallel_loop3A_143 = arith.extui %parallel_loop3A_142 : i1 to i32
        %parallel_loop3A_144 = arith.subi %parallel_loop3A_140, %parallel_loop3A_143 : i32
        %parallel_loop3A_145 = arith.constant 0 : i32
        %parallel_loop3A_146 = arith.cmpi sgt, %parallel_loop3A_136, %parallel_loop3A_145 : i32
        %parallel_loop3A_147 = arith.extui %parallel_loop3A_146 : i1 to i32
        %parallel_loop3A_148 = arith.constant 0 : i32
        %parallel_loop3A_149 = arith.cmpi slt, %parallel_loop3A_136, %parallel_loop3A_148 : i32
        %parallel_loop3A_150 = arith.extui %parallel_loop3A_149 : i1 to i32
        %parallel_loop3A_151 = arith.subi %parallel_loop3A_147, %parallel_loop3A_150 : i32
        %parallel_loop3A_152 = arith.cmpi ne, %parallel_loop3A_144, %parallel_loop3A_151 : i32
        %parallel_loop3A_153 = arith.remsi %parallel_loop3A_135, %parallel_loop3A_136 : i32
        %parallel_loop3A_154 = arith.constant 0 : i32
        %parallel_loop3A_155 = arith.cmpi ne, %parallel_loop3A_153, %parallel_loop3A_154 : i32
        %parallel_loop3A_156 = arith.andi %parallel_loop3A_152, %parallel_loop3A_155 : i1
        %parallel_loop3A_157 = arith.constant 1 : i32
        %parallel_loop3A_158 = arith.subi %parallel_loop3A_137, %parallel_loop3A_157 : i32
        %parallel_loop3A_159 = arith.select %parallel_loop3A_156, %parallel_loop3A_158, %parallel_loop3A_137 : i32
        %parallel_loop3A_160 = arith.constant 8 : i32
        %parallel_loop3A_161 = arith.constant 0 : i32
        %parallel_loop3A_162 = arith.cmpi eq, %parallel_loop3A_160, %parallel_loop3A_161 : i32
        %parallel_loop3A_163 = arith.constant 1 : i32
        %parallel_loop3A_164 = arith.select %parallel_loop3A_162, %parallel_loop3A_163, %parallel_loop3A_160 : i32
        %parallel_loop3A_165 = arith.remsi %parallel_loop3A_135, %parallel_loop3A_164 : i32
        %parallel_loop3A_166 = arith.constant 0 : i32
        %parallel_loop3A_167 = arith.cmpi ne, %parallel_loop3A_165, %parallel_loop3A_166 : i32
        %parallel_loop3A_168 = arith.constant 0 : i32
        %parallel_loop3A_169 = arith.cmpi slt, %parallel_loop3A_165, %parallel_loop3A_168 : i32
        %parallel_loop3A_170 = arith.constant 0 : i32
        %parallel_loop3A_171 = arith.cmpi slt, %parallel_loop3A_164, %parallel_loop3A_170 : i32
        %parallel_loop3A_172 = arith.xori %parallel_loop3A_169, %parallel_loop3A_171 : i1
        %parallel_loop3A_173 = arith.andi %parallel_loop3A_172, %parallel_loop3A_167 : i1
        %parallel_loop3A_174 = arith.addi %parallel_loop3A_165, %parallel_loop3A_164 : i32
        %parallel_loop3A_175 = arith.select %parallel_loop3A_173, %parallel_loop3A_174, %parallel_loop3A_165 : i32
        %parallel_loop3A_176 = arith.constant 16 : i32
        %parallel_loop3A_177 = arith.muli %parallel_loop3A_175, %parallel_loop3A_176 : i32
        %parallel_loop3A_178 = arith.index_cast %parallel_loop3A_159 : i32 to index
        %parallel_loop3A_179 = arith.index_cast %parallel_loop3A_177 : i32 to index
        %parallel_loop3A_180 = tpu.vector_load %arg11[%parallel_loop3A_178, %parallel_loop3A_179] {strides = array<i32>} : memref<8x128xi32, #tpu.memory_space<vmem>>, vector<16xi32>,
        %parallel_loop3A_181 = arith.constant 0 : index
        %parallel_loop3A_182 = tpu.vector_load %arg7[%parallel_loop3A_181] {strides = array<i32>} : memref<16xi32, #tpu.memory_space<vmem>>, vector<16xi32>,
        %parallel_loop3A_183 = arith.constant 64 : i32
        %parallel_loop3A_184 = vector.broadcast %parallel_loop3A_183 : i32 to vector<16xi32>
        %parallel_loop3A_185 = arith.muli %parallel_loop3A_180, %parallel_loop3A_184 : vector<16xi32>
        %parallel_loop3A_186 = arith.addi %parallel_loop3A_182, %parallel_loop3A_185 : vector<16xi32>
        %parallel_loop3A_187 = arith.constant 0 : i32
        %parallel_loop3A_188 = arith.index_cast %parallel_loop3A_187 : i32 to index
        %parallel_loop3A_189 = arith.index_cast %parallel_loop3A_159 : i32 to index
        %parallel_loop3A_190 = arith.index_cast %parallel_loop3A_177 : i32 to index
        %parallel_loop3A_191 = tpu.vector_load %arg9[%parallel_loop3A_188, %parallel_loop3A_189, %parallel_loop3A_190] {strides = array<i32>} : memref<32x8x128xf32, #tpu.memory_space<vmem>>, vector<16xf32>,
        %parallel_loop3A_192 = arith.constant 1 : i32
        %parallel_loop3A_193 = arith.index_cast %parallel_loop3A_192 : i32 to index
        %parallel_loop3A_194 = arith.index_cast %parallel_loop3A_159 : i32 to index
        %parallel_loop3A_195 = arith.index_cast %parallel_loop3A_177 : i32 to index
        %parallel_loop3A_196 = tpu.vector_load %arg9[%parallel_loop3A_193, %parallel_loop3A_194, %parallel_loop3A_195] {strides = array<i32>} : memref<32x8x128xf32, #tpu.memory_space<vmem>>, vector<16xf32>,
        %parallel_loop3A_197 = arith.constant 2 : i32
        %parallel_loop3A_198 = arith.index_cast %parallel_loop3A_197 : i32 to index
        %parallel_loop3A_199 = arith.index_cast %parallel_loop3A_159 : i32 to index
        %parallel_loop3A_200 = arith.index_cast %parallel_loop3A_177 : i32 to index
        %parallel_loop3A_201 = tpu.vector_load %arg9[%parallel_loop3A_198, %parallel_loop3A_199, %parallel_loop3A_200] {strides = array<i32>} : memref<32x8x128xf32, #tpu.memory_space<vmem>>, vector<16xf32>,
        %parallel_loop3A_202 = arith.constant 3 : i32
        %parallel_loop3A_203 = arith.index_cast %parallel_loop3A_202 : i32 to index
        %parallel_loop3A_204 = arith.index_cast %parallel_loop3A_159 : i32 to index
        %parallel_loop3A_205 = arith.index_cast %parallel_loop3A_177 : i32 to index
        %parallel_loop3A_206 = tpu.vector_load %arg9[%parallel_loop3A_203, %parallel_loop3A_204, %parallel_loop3A_205] {strides = array<i32>} : memref<32x8x128xf32, #tpu.memory_space<vmem>>, vector<16xf32>,
        %parallel_loop3A_207 = arith.constant 4 : i32
        %parallel_loop3A_208 = arith.index_cast %parallel_loop3A_207 : i32 to index
        %parallel_loop3A_209 = arith.index_cast %parallel_loop3A_159 : i32 to index
        %parallel_loop3A_210 = arith.index_cast %parallel_loop3A_177 : i32 to index
        %parallel_loop3A_211 = tpu.vector_load %arg9[%parallel_loop3A_208, %parallel_loop3A_209, %parallel_loop3A_210] {strides = array<i32>} : memref<32x8x128xf32, #tpu.memory_space<vmem>>, vector<16xf32>,
        %parallel_loop3A_212 = arith.constant 5 : i32
        %parallel_loop3A_213 = arith.index_cast %parallel_loop3A_212 : i32 to index
        %parallel_loop3A_214 = arith.index_cast %parallel_loop3A_159 : i32 to index
        %parallel_loop3A_215 = arith.index_cast %parallel_loop3A_177 : i32 to index
        %parallel_loop3A_216 = tpu.vector_load %arg9[%parallel_loop3A_213, %parallel_loop3A_214, %parallel_loop3A_215] {strides = array<i32>} : memref<32x8x128xf32, #tpu.memory_space<vmem>>, vector<16xf32>,
        %parallel_loop3A_217 = arith.constant 6 : i32
        %parallel_loop3A_218 = arith.index_cast %parallel_loop3A_217 : i32 to index
        %parallel_loop3A_219 = arith.index_cast %parallel_loop3A_159 : i32 to index
        %parallel_loop3A_220 = arith.index_cast %parallel_loop3A_177 : i32 to index
        %parallel_loop3A_221 = tpu.vector_load %arg9[%parallel_loop3A_218, %parallel_loop3A_219, %parallel_loop3A_220] {strides = array<i32>} : memref<32x8x128xf32, #tpu.memory_space<vmem>>, vector<16xf32>,
        %parallel_loop3A_222 = arith.constant 7 : i32
        %parallel_loop3A_223 = arith.index_cast %parallel_loop3A_222 : i32 to index
        %parallel_loop3A_224 = arith.index_cast %parallel_loop3A_159 : i32 to index
        %parallel_loop3A_225 = arith.index_cast %parallel_loop3A_177 : i32 to index
        %parallel_loop3A_226 = tpu.vector_load %arg9[%parallel_loop3A_223, %parallel_loop3A_224, %parallel_loop3A_225] {strides = array<i32>} : memref<32x8x128xf32, #tpu.memory_space<vmem>>, vector<16xf32>,
        %parallel_loop3A_227 = arith.constant 8 : i32
        %parallel_loop3A_228 = arith.index_cast %parallel_loop3A_227 : i32 to index
        %parallel_loop3A_229 = arith.index_cast %parallel_loop3A_159 : i32 to index
        %parallel_loop3A_230 = arith.index_cast %parallel_loop3A_177 : i32 to index
        %parallel_loop3A_231 = tpu.vector_load %arg9[%parallel_loop3A_228, %parallel_loop3A_229, %parallel_loop3A_230] {strides = array<i32>} : memref<32x8x128xf32, #tpu.memory_space<vmem>>, vector<16xf32>,
        %parallel_loop3A_232 = arith.mulf %parallel_loop3A_191, %parallel_loop3A_191 : vector<16xf32>
        %parallel_loop3A_233 = arith.addf %broadcast_in_dim3A_33, %parallel_loop3A_232 : vector<16xf32>
        %parallel_loop3A_234 = arith.constant 0 : i32
        %parallel_loop3A_235 = vector.broadcast %parallel_loop3A_234 : i32 to vector<16xi32>
        %parallel_loop3A_236 = arith.addi %parallel_loop3A_186, %parallel_loop3A_235 : vector<16xi32>
        tpu.vector_store_idx %arg5[%parallel_loop3A_236], %parallel_loop3A_191 {add = true} : memref<16512xf32, #tpu.memory_space<vmem>>[vector<16xi32>], vector<16xf32>,
        %parallel_loop3A_237 = arith.constant 9 : i32
        %parallel_loop3A_238 = arith.index_cast %parallel_loop3A_237 : i32 to index
        %parallel_loop3A_239 = arith.index_cast %parallel_loop3A_159 : i32 to index
        %parallel_loop3A_240 = arith.index_cast %parallel_loop3A_177 : i32 to index
        %parallel_loop3A_241 = tpu.vector_load %arg9[%parallel_loop3A_238, %parallel_loop3A_239, %parallel_loop3A_240] {strides = array<i32>} : memref<32x8x128xf32, #tpu.memory_space<vmem>>, vector<16xf32>,
        %parallel_loop3A_242 = arith.mulf %parallel_loop3A_196, %parallel_loop3A_196 : vector<16xf32>
        %parallel_loop3A_243 = arith.addf %broadcast_in_dim3A_33, %parallel_loop3A_242 : vector<16xf32>
        %parallel_loop3A_244 = arith.constant 1 : i32
        %parallel_loop3A_245 = vector.broadcast %parallel_loop3A_244 : i32 to vector<16xi32>
        %parallel_loop3A_246 = arith.addi %parallel_loop3A_186, %parallel_loop3A_245 : vector<16xi32>
        tpu.vector_store_idx %arg5[%parallel_loop3A_246], %parallel_loop3A_196 {add = true} : memref<16512xf32, #tpu.memory_space<vmem>>[vector<16xi32>], vector<16xf32>,
        %parallel_loop3A_247 = arith.constant 10 : i32
        %parallel_loop3A_248 = arith.index_cast %parallel_loop3A_247 : i32 to index
        %parallel_loop3A_249 = arith.index_cast %parallel_loop3A_159 : i32 to index
        %parallel_loop3A_250 = arith.index_cast %parallel_loop3A_177 : i32 to index
        %parallel_loop3A_251 = tpu.vector_load %arg9[%parallel_loop3A_248, %parallel_loop3A_249, %parallel_loop3A_250] {strides = array<i32>} : memref<32x8x128xf32, #tpu.memory_space<vmem>>, vector<16xf32>,
        %parallel_loop3A_252 = arith.mulf %parallel_loop3A_201, %parallel_loop3A_201 : vector<16xf32>
        %parallel_loop3A_253 = arith.addf %broadcast_in_dim3A_33, %parallel_loop3A_252 : vector<16xf32>
        %parallel_loop3A_254 = arith.constant 2 : i32
        %parallel_loop3A_255 = vector.broadcast %parallel_loop3A_254 : i32 to vector<16xi32>
        %parallel_loop3A_256 = arith.addi %parallel_loop3A_186, %parallel_loop3A_255 : vector<16xi32>
        tpu.vector_store_idx %arg5[%parallel_loop3A_256], %parallel_loop3A_201 {add = true} : memref<16512xf32, #tpu.memory_space<vmem>>[vector<16xi32>], vector<16xf32>,
        %parallel_loop3A_257 = arith.constant 11 : i32
        %parallel_loop3A_258 = arith.index_cast %parallel_loop3A_257 : i32 to index
        %parallel_loop3A_259 = arith.index_cast %parallel_loop3A_159 : i32 to index
        %parallel_loop3A_260 = arith.index_cast %parallel_loop3A_177 : i32 to index
        %parallel_loop3A_261 = tpu.vector_load %arg9[%parallel_loop3A_258, %parallel_loop3A_259, %parallel_loop3A_260] {strides = array<i32>} : memref<32x8x128xf32, #tpu.memory_space<vmem>>, vector<16xf32>,
        %parallel_loop3A_262 = arith.mulf %parallel_loop3A_206, %parallel_loop3A_206 : vector<16xf32>
        %parallel_loop3A_263 = arith.addf %broadcast_in_dim3A_33, %parallel_loop3A_262 : vector<16xf32>
        %parallel_loop3A_264 = arith.constant 3 : i32
        %parallel_loop3A_265 = vector.broadcast %parallel_loop3A_264 : i32 to vector<16xi32>
        %parallel_loop3A_266 = arith.addi %parallel_loop3A_186, %parallel_loop3A_265 : vector<16xi32>
        tpu.vector_store_idx %arg5[%parallel_loop3A_266], %parallel_loop3A_206 {add = true} : memref<16512xf32, #tpu.memory_space<vmem>>[vector<16xi32>], vector<16xf32>,
        %parallel_loop3A_267 = arith.constant 12 : i32
        %parallel_loop3A_268 = arith.index_cast %parallel_loop3A_267 : i32 to index
        %parallel_loop3A_269 = arith.index_cast %parallel_loop3A_159 : i32 to index
        %parallel_loop3A_270 = arith.index_cast %parallel_loop3A_177 : i32 to index
        %parallel_loop3A_271 = tpu.vector_load %arg9[%parallel_loop3A_268, %parallel_loop3A_269, %parallel_loop3A_270] {strides = array<i32>} : memref<32x8x128xf32, #tpu.memory_space<vmem>>, vector<16xf32>,
        %parallel_loop3A_272 = arith.mulf %parallel_loop3A_211, %parallel_loop3A_211 : vector<16xf32>
        %parallel_loop3A_273 = arith.addf %parallel_loop3A_233, %parallel_loop3A_272 : vector<16xf32>
        %parallel_loop3A_274 = arith.constant 4 : i32
        %parallel_loop3A_275 = vector.broadcast %parallel_loop3A_274 : i32 to vector<16xi32>
        %parallel_loop3A_276 = arith.addi %parallel_loop3A_186, %parallel_loop3A_275 : vector<16xi32>
        tpu.vector_store_idx %arg5[%parallel_loop3A_276], %parallel_loop3A_211 {add = true} : memref<16512xf32, #tpu.memory_space<vmem>>[vector<16xi32>], vector<16xf32>,
        %parallel_loop3A_277 = arith.constant 13 : i32
        %parallel_loop3A_278 = arith.index_cast %parallel_loop3A_277 : i32 to index
        %parallel_loop3A_279 = arith.index_cast %parallel_loop3A_159 : i32 to index
        %parallel_loop3A_280 = arith.index_cast %parallel_loop3A_177 : i32 to index
        %parallel_loop3A_281 = tpu.vector_load %arg9[%parallel_loop3A_278, %parallel_loop3A_279, %parallel_loop3A_280] {strides = array<i32>} : memref<32x8x128xf32, #tpu.memory_space<vmem>>, vector<16xf32>,
        %parallel_loop3A_282 = arith.mulf %parallel_loop3A_216, %parallel_loop3A_216 : vector<16xf32>
        %parallel_loop3A_283 = arith.addf %parallel_loop3A_243, %parallel_loop3A_282 : vector<16xf32>
        %parallel_loop3A_284 = arith.constant 5 : i32
        %parallel_loop3A_285 = vector.broadcast %parallel_loop3A_284 : i32 to vector<16xi32>
        %parallel_loop3A_286 = arith.addi %parallel_loop3A_186, %parallel_loop3A_285 : vector<16xi32>
        tpu.vector_store_idx %arg5[%parallel_loop3A_286], %parallel_loop3A_216 {add = true} : memref<16512xf32, #tpu.memory_space<vmem>>[vector<16xi32>], vector<16xf32>,
        %parallel_loop3A_287 = arith.constant 14 : i32
        %parallel_loop3A_288 = arith.index_cast %parallel_loop3A_287 : i32 to index
        %parallel_loop3A_289 = arith.index_cast %parallel_loop3A_159 : i32 to index
        %parallel_loop3A_290 = arith.index_cast %parallel_loop3A_177 : i32 to index
        %parallel_loop3A_291 = tpu.vector_load %arg9[%parallel_loop3A_288, %parallel_loop3A_289, %parallel_loop3A_290] {strides = array<i32>} : memref<32x8x128xf32, #tpu.memory_space<vmem>>, vector<16xf32>,
        %parallel_loop3A_292 = arith.mulf %parallel_loop3A_221, %parallel_loop3A_221 : vector<16xf32>
        %parallel_loop3A_293 = arith.addf %parallel_loop3A_253, %parallel_loop3A_292 : vector<16xf32>
        %parallel_loop3A_294 = arith.constant 6 : i32
        %parallel_loop3A_295 = vector.broadcast %parallel_loop3A_294 : i32 to vector<16xi32>
        %parallel_loop3A_296 = arith.addi %parallel_loop3A_186, %parallel_loop3A_295 : vector<16xi32>
        tpu.vector_store_idx %arg5[%parallel_loop3A_296], %parallel_loop3A_221 {add = true} : memref<16512xf32, #tpu.memory_space<vmem>>[vector<16xi32>], vector<16xf32>,
        %parallel_loop3A_297 = arith.constant 15 : i32
        %parallel_loop3A_298 = arith.index_cast %parallel_loop3A_297 : i32 to index
        %parallel_loop3A_299 = arith.index_cast %parallel_loop3A_159 : i32 to index
        %parallel_loop3A_300 = arith.index_cast %parallel_loop3A_177 : i32 to index
        %parallel_loop3A_301 = tpu.vector_load %arg9[%parallel_loop3A_298, %parallel_loop3A_299, %parallel_loop3A_300] {strides = array<i32>} : memref<32x8x128xf32, #tpu.memory_space<vmem>>, vector<16xf32>,
        %parallel_loop3A_302 = arith.mulf %parallel_loop3A_226, %parallel_loop3A_226 : vector<16xf32>
        %parallel_loop3A_303 = arith.addf %parallel_loop3A_263, %parallel_loop3A_302 : vector<16xf32>
        %parallel_loop3A_304 = arith.constant 7 : i32
        %parallel_loop3A_305 = vector.broadcast %parallel_loop3A_304 : i32 to vector<16xi32>
        %parallel_loop3A_306 = arith.addi %parallel_loop3A_186, %parallel_loop3A_305 : vector<16xi32>
        tpu.vector_store_idx %arg5[%parallel_loop3A_306], %parallel_loop3A_226 {add = true} : memref<16512xf32, #tpu.memory_space<vmem>>[vector<16xi32>], vector<16xf32>,
        %parallel_loop3A_307 = arith.constant 16 : i32
        %parallel_loop3A_308 = arith.index_cast %parallel_loop3A_307 : i32 to index
        %parallel_loop3A_309 = arith.index_cast %parallel_loop3A_159 : i32 to index
        %parallel_loop3A_310 = arith.index_cast %parallel_loop3A_177 : i32 to index
        %parallel_loop3A_311 = tpu.vector_load %arg9[%parallel_loop3A_308, %parallel_loop3A_309, %parallel_loop3A_310] {strides = array<i32>} : memref<32x8x128xf32, #tpu.memory_space<vmem>>, vector<16xf32>,
        %parallel_loop3A_312 = arith.mulf %parallel_loop3A_231, %parallel_loop3A_231 : vector<16xf32>
        %parallel_loop3A_313 = arith.addf %parallel_loop3A_273, %parallel_loop3A_312 : vector<16xf32>
        %parallel_loop3A_314 = arith.constant 8 : i32
        %parallel_loop3A_315 = vector.broadcast %parallel_loop3A_314 : i32 to vector<16xi32>
        %parallel_loop3A_316 = arith.addi %parallel_loop3A_186, %parallel_loop3A_315 : vector<16xi32>
        tpu.vector_store_idx %arg5[%parallel_loop3A_316], %parallel_loop3A_231 {add = true} : memref<16512xf32, #tpu.memory_space<vmem>>[vector<16xi32>], vector<16xf32>,
        %parallel_loop3A_317 = arith.constant 17 : i32
        %parallel_loop3A_318 = arith.index_cast %parallel_loop3A_317 : i32 to index
        %parallel_loop3A_319 = arith.index_cast %parallel_loop3A_159 : i32 to index
        %parallel_loop3A_320 = arith.index_cast %parallel_loop3A_177 : i32 to index
        %parallel_loop3A_321 = tpu.vector_load %arg9[%parallel_loop3A_318, %parallel_loop3A_319, %parallel_loop3A_320] {strides = array<i32>} : memref<32x8x128xf32, #tpu.memory_space<vmem>>, vector<16xf32>,
        %parallel_loop3A_322 = arith.mulf %parallel_loop3A_241, %parallel_loop3A_241 : vector<16xf32>
        %parallel_loop3A_323 = arith.addf %parallel_loop3A_283, %parallel_loop3A_322 : vector<16xf32>
        %parallel_loop3A_324 = arith.constant 9 : i32
        %parallel_loop3A_325 = vector.broadcast %parallel_loop3A_324 : i32 to vector<16xi32>
        %parallel_loop3A_326 = arith.addi %parallel_loop3A_186, %parallel_loop3A_325 : vector<16xi32>
        tpu.vector_store_idx %arg5[%parallel_loop3A_326], %parallel_loop3A_241 {add = true} : memref<16512xf32, #tpu.memory_space<vmem>>[vector<16xi32>], vector<16xf32>,
        %parallel_loop3A_327 = arith.constant 18 : i32
        %parallel_loop3A_328 = arith.index_cast %parallel_loop3A_327 : i32 to index
        %parallel_loop3A_329 = arith.index_cast %parallel_loop3A_159 : i32 to index
        %parallel_loop3A_330 = arith.index_cast %parallel_loop3A_177 : i32 to index
        %parallel_loop3A_331 = tpu.vector_load %arg9[%parallel_loop3A_328, %parallel_loop3A_329, %parallel_loop3A_330] {strides = array<i32>} : memref<32x8x128xf32, #tpu.memory_space<vmem>>, vector<16xf32>,
        %parallel_loop3A_332 = arith.mulf %parallel_loop3A_251, %parallel_loop3A_251 : vector<16xf32>
        %parallel_loop3A_333 = arith.addf %parallel_loop3A_293, %parallel_loop3A_332 : vector<16xf32>
        %parallel_loop3A_334 = arith.constant 10 : i32
        %parallel_loop3A_335 = vector.broadcast %parallel_loop3A_334 : i32 to vector<16xi32>
        %parallel_loop3A_336 = arith.addi %parallel_loop3A_186, %parallel_loop3A_335 : vector<16xi32>
        tpu.vector_store_idx %arg5[%parallel_loop3A_336], %parallel_loop3A_251 {add = true} : memref<16512xf32, #tpu.memory_space<vmem>>[vector<16xi32>], vector<16xf32>,
        %parallel_loop3A_337 = arith.constant 19 : i32
        %parallel_loop3A_338 = arith.index_cast %parallel_loop3A_337 : i32 to index
        %parallel_loop3A_339 = arith.index_cast %parallel_loop3A_159 : i32 to index
        %parallel_loop3A_340 = arith.index_cast %parallel_loop3A_177 : i32 to index
        %parallel_loop3A_341 = tpu.vector_load %arg9[%parallel_loop3A_338, %parallel_loop3A_339, %parallel_loop3A_340] {strides = array<i32>} : memref<32x8x128xf32, #tpu.memory_space<vmem>>, vector<16xf32>,
        %parallel_loop3A_342 = arith.mulf %parallel_loop3A_261, %parallel_loop3A_261 : vector<16xf32>
        %parallel_loop3A_343 = arith.addf %parallel_loop3A_303, %parallel_loop3A_342 : vector<16xf32>
        %parallel_loop3A_344 = arith.constant 11 : i32
        %parallel_loop3A_345 = vector.broadcast %parallel_loop3A_344 : i32 to vector<16xi32>
        %parallel_loop3A_346 = arith.addi %parallel_loop3A_186, %parallel_loop3A_345 : vector<16xi32>
        tpu.vector_store_idx %arg5[%parallel_loop3A_346], %parallel_loop3A_261 {add = true} : memref<16512xf32, #tpu.memory_space<vmem>>[vector<16xi32>], vector<16xf32>,
        %parallel_loop3A_347 = arith.constant 20 : i32
        %parallel_loop3A_348 = arith.index_cast %parallel_loop3A_347 : i32 to index
        %parallel_loop3A_349 = arith.index_cast %parallel_loop3A_159 : i32 to index
        %parallel_loop3A_350 = arith.index_cast %parallel_loop3A_177 : i32 to index
        %parallel_loop3A_351 = tpu.vector_load %arg9[%parallel_loop3A_348, %parallel_loop3A_349, %parallel_loop3A_350] {strides = array<i32>} : memref<32x8x128xf32, #tpu.memory_space<vmem>>, vector<16xf32>,
        %parallel_loop3A_352 = arith.mulf %parallel_loop3A_271, %parallel_loop3A_271 : vector<16xf32>
        %parallel_loop3A_353 = arith.addf %parallel_loop3A_313, %parallel_loop3A_352 : vector<16xf32>
        %parallel_loop3A_354 = arith.constant 12 : i32
        %parallel_loop3A_355 = vector.broadcast %parallel_loop3A_354 : i32 to vector<16xi32>
        %parallel_loop3A_356 = arith.addi %parallel_loop3A_186, %parallel_loop3A_355 : vector<16xi32>
        tpu.vector_store_idx %arg5[%parallel_loop3A_356], %parallel_loop3A_271 {add = true} : memref<16512xf32, #tpu.memory_space<vmem>>[vector<16xi32>], vector<16xf32>,
        %parallel_loop3A_357 = arith.constant 21 : i32
        %parallel_loop3A_358 = arith.index_cast %parallel_loop3A_357 : i32 to index
        %parallel_loop3A_359 = arith.index_cast %parallel_loop3A_159 : i32 to index
        %parallel_loop3A_360 = arith.index_cast %parallel_loop3A_177 : i32 to index
        %parallel_loop3A_361 = tpu.vector_load %arg9[%parallel_loop3A_358, %parallel_loop3A_359, %parallel_loop3A_360] {strides = array<i32>} : memref<32x8x128xf32, #tpu.memory_space<vmem>>, vector<16xf32>,
        %parallel_loop3A_362 = arith.mulf %parallel_loop3A_281, %parallel_loop3A_281 : vector<16xf32>
        %parallel_loop3A_363 = arith.addf %parallel_loop3A_323, %parallel_loop3A_362 : vector<16xf32>
        %parallel_loop3A_364 = arith.constant 13 : i32
        %parallel_loop3A_365 = vector.broadcast %parallel_loop3A_364 : i32 to vector<16xi32>
        %parallel_loop3A_366 = arith.addi %parallel_loop3A_186, %parallel_loop3A_365 : vector<16xi32>
        tpu.vector_store_idx %arg5[%parallel_loop3A_366], %parallel_loop3A_281 {add = true} : memref<16512xf32, #tpu.memory_space<vmem>>[vector<16xi32>], vector<16xf32>,
        %parallel_loop3A_367 = arith.constant 22 : i32
        %parallel_loop3A_368 = arith.index_cast %parallel_loop3A_367 : i32 to index
        %parallel_loop3A_369 = arith.index_cast %parallel_loop3A_159 : i32 to index
        %parallel_loop3A_370 = arith.index_cast %parallel_loop3A_177 : i32 to index
        %parallel_loop3A_371 = tpu.vector_load %arg9[%parallel_loop3A_368, %parallel_loop3A_369, %parallel_loop3A_370] {strides = array<i32>} : memref<32x8x128xf32, #tpu.memory_space<vmem>>, vector<16xf32>,
        %parallel_loop3A_372 = arith.mulf %parallel_loop3A_291, %parallel_loop3A_291 : vector<16xf32>
        %parallel_loop3A_373 = arith.addf %parallel_loop3A_333, %parallel_loop3A_372 : vector<16xf32>
        %parallel_loop3A_374 = arith.constant 14 : i32
        %parallel_loop3A_375 = vector.broadcast %parallel_loop3A_374 : i32 to vector<16xi32>
        %parallel_loop3A_376 = arith.addi %parallel_loop3A_186, %parallel_loop3A_375 : vector<16xi32>
        tpu.vector_store_idx %arg5[%parallel_loop3A_376], %parallel_loop3A_291 {add = true} : memref<16512xf32, #tpu.memory_space<vmem>>[vector<16xi32>], vector<16xf32>,
        %parallel_loop3A_377 = arith.constant 23 : i32
        %parallel_loop3A_378 = arith.index_cast %parallel_loop3A_377 : i32 to index
        %parallel_loop3A_379 = arith.index_cast %parallel_loop3A_159 : i32 to index
        %parallel_loop3A_380 = arith.index_cast %parallel_loop3A_177 : i32 to index
        %parallel_loop3A_381 = tpu.vector_load %arg9[%parallel_loop3A_378, %parallel_loop3A_379, %parallel_loop3A_380] {strides = array<i32>} : memref<32x8x128xf32, #tpu.memory_space<vmem>>, vector<16xf32>,
        %parallel_loop3A_382 = arith.mulf %parallel_loop3A_301, %parallel_loop3A_301 : vector<16xf32>
        %parallel_loop3A_383 = arith.addf %parallel_loop3A_343, %parallel_loop3A_382 : vector<16xf32>
        %parallel_loop3A_384 = arith.constant 15 : i32
        %parallel_loop3A_385 = vector.broadcast %parallel_loop3A_384 : i32 to vector<16xi32>
        %parallel_loop3A_386 = arith.addi %parallel_loop3A_186, %parallel_loop3A_385 : vector<16xi32>
        tpu.vector_store_idx %arg5[%parallel_loop3A_386], %parallel_loop3A_301 {add = true} : memref<16512xf32, #tpu.memory_space<vmem>>[vector<16xi32>], vector<16xf32>,
        %parallel_loop3A_387 = arith.constant 24 : i32
        %parallel_loop3A_388 = arith.index_cast %parallel_loop3A_387 : i32 to index
        %parallel_loop3A_389 = arith.index_cast %parallel_loop3A_159 : i32 to index
        %parallel_loop3A_390 = arith.index_cast %parallel_loop3A_177 : i32 to index
        %parallel_loop3A_391 = tpu.vector_load %arg9[%parallel_loop3A_388, %parallel_loop3A_389, %parallel_loop3A_390] {strides = array<i32>} : memref<32x8x128xf32, #tpu.memory_space<vmem>>, vector<16xf32>,
        %parallel_loop3A_392 = arith.mulf %parallel_loop3A_311, %parallel_loop3A_311 : vector<16xf32>
        %parallel_loop3A_393 = arith.addf %parallel_loop3A_353, %parallel_loop3A_392 : vector<16xf32>
        %parallel_loop3A_394 = arith.constant 16 : i32
        %parallel_loop3A_395 = vector.broadcast %parallel_loop3A_394 : i32 to vector<16xi32>
        %parallel_loop3A_396 = arith.addi %parallel_loop3A_186, %parallel_loop3A_395 : vector<16xi32>
        tpu.vector_store_idx %arg5[%parallel_loop3A_396], %parallel_loop3A_311 {add = true} : memref<16512xf32, #tpu.memory_space<vmem>>[vector<16xi32>], vector<16xf32>,
        %parallel_loop3A_397 = arith.constant 25 : i32
        %parallel_loop3A_398 = arith.index_cast %parallel_loop3A_397 : i32 to index
        %parallel_loop3A_399 = arith.index_cast %parallel_loop3A_159 : i32 to index
        %parallel_loop3A_400 = arith.index_cast %parallel_loop3A_177 : i32 to index
        %parallel_loop3A_401 = tpu.vector_load %arg9[%parallel_loop3A_398, %parallel_loop3A_399, %parallel_loop3A_400] {strides = array<i32>} : memref<32x8x128xf32, #tpu.memory_space<vmem>>, vector<16xf32>,
        %parallel_loop3A_402 = arith.mulf %parallel_loop3A_321, %parallel_loop3A_321 : vector<16xf32>
        %parallel_loop3A_403 = arith.addf %parallel_loop3A_363, %parallel_loop3A_402 : vector<16xf32>
        %parallel_loop3A_404 = arith.constant 17 : i32
        %parallel_loop3A_405 = vector.broadcast %parallel_loop3A_404 : i32 to vector<16xi32>
        %parallel_loop3A_406 = arith.addi %parallel_loop3A_186, %parallel_loop3A_405 : vector<16xi32>
        tpu.vector_store_idx %arg5[%parallel_loop3A_406], %parallel_loop3A_321 {add = true} : memref<16512xf32, #tpu.memory_space<vmem>>[vector<16xi32>], vector<16xf32>,
        %parallel_loop3A_407 = arith.constant 26 : i32
        %parallel_loop3A_408 = arith.index_cast %parallel_loop3A_407 : i32 to index
        %parallel_loop3A_409 = arith.index_cast %parallel_loop3A_159 : i32 to index
        %parallel_loop3A_410 = arith.index_cast %parallel_loop3A_177 : i32 to index
        %parallel_loop3A_411 = tpu.vector_load %arg9[%parallel_loop3A_408, %parallel_loop3A_409, %parallel_loop3A_410] {strides = array<i32>} : memref<32x8x128xf32, #tpu.memory_space<vmem>>, vector<16xf32>,
        %parallel_loop3A_412 = arith.mulf %parallel_loop3A_331, %parallel_loop3A_331 : vector<16xf32>
        %parallel_loop3A_413 = arith.addf %parallel_loop3A_373, %parallel_loop3A_412 : vector<16xf32>
        %parallel_loop3A_414 = arith.constant 18 : i32
        %parallel_loop3A_415 = vector.broadcast %parallel_loop3A_414 : i32 to vector<16xi32>
        %parallel_loop3A_416 = arith.addi %parallel_loop3A_186, %parallel_loop3A_415 : vector<16xi32>
        tpu.vector_store_idx %arg5[%parallel_loop3A_416], %parallel_loop3A_331 {add = true} : memref<16512xf32, #tpu.memory_space<vmem>>[vector<16xi32>], vector<16xf32>,
        %parallel_loop3A_417 = arith.constant 27 : i32
        %parallel_loop3A_418 = arith.index_cast %parallel_loop3A_417 : i32 to index
        %parallel_loop3A_419 = arith.index_cast %parallel_loop3A_159 : i32 to index
        %parallel_loop3A_420 = arith.index_cast %parallel_loop3A_177 : i32 to index
        %parallel_loop3A_421 = tpu.vector_load %arg9[%parallel_loop3A_418, %parallel_loop3A_419, %parallel_loop3A_420] {strides = array<i32>} : memref<32x8x128xf32, #tpu.memory_space<vmem>>, vector<16xf32>,
        %parallel_loop3A_422 = arith.mulf %parallel_loop3A_341, %parallel_loop3A_341 : vector<16xf32>
        %parallel_loop3A_423 = arith.addf %parallel_loop3A_383, %parallel_loop3A_422 : vector<16xf32>
        %parallel_loop3A_424 = arith.constant 19 : i32
        %parallel_loop3A_425 = vector.broadcast %parallel_loop3A_424 : i32 to vector<16xi32>
        %parallel_loop3A_426 = arith.addi %parallel_loop3A_186, %parallel_loop3A_425 : vector<16xi32>
        tpu.vector_store_idx %arg5[%parallel_loop3A_426], %parallel_loop3A_341 {add = true} : memref<16512xf32, #tpu.memory_space<vmem>>[vector<16xi32>], vector<16xf32>,
        %parallel_loop3A_427 = arith.constant 28 : i32
        %parallel_loop3A_428 = arith.index_cast %parallel_loop3A_427 : i32 to index
        %parallel_loop3A_429 = arith.index_cast %parallel_loop3A_159 : i32 to index
        %parallel_loop3A_430 = arith.index_cast %parallel_loop3A_177 : i32 to index
        %parallel_loop3A_431 = tpu.vector_load %arg9[%parallel_loop3A_428, %parallel_loop3A_429, %parallel_loop3A_430] {strides = array<i32>} : memref<32x8x128xf32, #tpu.memory_space<vmem>>, vector<16xf32>,
        %parallel_loop3A_432 = arith.mulf %parallel_loop3A_351, %parallel_loop3A_351 : vector<16xf32>
        %parallel_loop3A_433 = arith.addf %parallel_loop3A_393, %parallel_loop3A_432 : vector<16xf32>
        %parallel_loop3A_434 = arith.constant 20 : i32
        %parallel_loop3A_435 = vector.broadcast %parallel_loop3A_434 : i32 to vector<16xi32>
        %parallel_loop3A_436 = arith.addi %parallel_loop3A_186, %parallel_loop3A_435 : vector<16xi32>
        tpu.vector_store_idx %arg5[%parallel_loop3A_436], %parallel_loop3A_351 {add = true} : memref<16512xf32, #tpu.memory_space<vmem>>[vector<16xi32>], vector<16xf32>,
        %parallel_loop3A_437 = arith.constant 29 : i32
        %parallel_loop3A_438 = arith.index_cast %parallel_loop3A_437 : i32 to index
        %parallel_loop3A_439 = arith.index_cast %parallel_loop3A_159 : i32 to index
        %parallel_loop3A_440 = arith.index_cast %parallel_loop3A_177 : i32 to index
        %parallel_loop3A_441 = tpu.vector_load %arg9[%parallel_loop3A_438, %parallel_loop3A_439, %parallel_loop3A_440] {strides = array<i32>} : memref<32x8x128xf32, #tpu.memory_space<vmem>>, vector<16xf32>,
        %parallel_loop3A_442 = arith.mulf %parallel_loop3A_361, %parallel_loop3A_361 : vector<16xf32>
        %parallel_loop3A_443 = arith.addf %parallel_loop3A_403, %parallel_loop3A_442 : vector<16xf32>
        %parallel_loop3A_444 = arith.constant 21 : i32
        %parallel_loop3A_445 = vector.broadcast %parallel_loop3A_444 : i32 to vector<16xi32>
        %parallel_loop3A_446 = arith.addi %parallel_loop3A_186, %parallel_loop3A_445 : vector<16xi32>
        tpu.vector_store_idx %arg5[%parallel_loop3A_446], %parallel_loop3A_361 {add = true} : memref<16512xf32, #tpu.memory_space<vmem>>[vector<16xi32>], vector<16xf32>,
        %parallel_loop3A_447 = arith.constant 30 : i32
        %parallel_loop3A_448 = arith.index_cast %parallel_loop3A_447 : i32 to index
        %parallel_loop3A_449 = arith.index_cast %parallel_loop3A_159 : i32 to index
        %parallel_loop3A_450 = arith.index_cast %parallel_loop3A_177 : i32 to index
        %parallel_loop3A_451 = tpu.vector_load %arg9[%parallel_loop3A_448, %parallel_loop3A_449, %parallel_loop3A_450] {strides = array<i32>} : memref<32x8x128xf32, #tpu.memory_space<vmem>>, vector<16xf32>,
        %parallel_loop3A_452 = arith.mulf %parallel_loop3A_371, %parallel_loop3A_371 : vector<16xf32>
        %parallel_loop3A_453 = arith.addf %parallel_loop3A_413, %parallel_loop3A_452 : vector<16xf32>
        %parallel_loop3A_454 = arith.constant 22 : i32
        %parallel_loop3A_455 = vector.broadcast %parallel_loop3A_454 : i32 to vector<16xi32>
        %parallel_loop3A_456 = arith.addi %parallel_loop3A_186, %parallel_loop3A_455 : vector<16xi32>
        tpu.vector_store_idx %arg5[%parallel_loop3A_456], %parallel_loop3A_371 {add = true} : memref<16512xf32, #tpu.memory_space<vmem>>[vector<16xi32>], vector<16xf32>,
        %parallel_loop3A_457 = arith.constant 31 : i32
        %parallel_loop3A_458 = arith.index_cast %parallel_loop3A_457 : i32 to index
        %parallel_loop3A_459 = arith.index_cast %parallel_loop3A_159 : i32 to index
        %parallel_loop3A_460 = arith.index_cast %parallel_loop3A_177 : i32 to index
        %parallel_loop3A_461 = tpu.vector_load %arg9[%parallel_loop3A_458, %parallel_loop3A_459, %parallel_loop3A_460] {strides = array<i32>} : memref<32x8x128xf32, #tpu.memory_space<vmem>>, vector<16xf32>,
        %parallel_loop3A_462 = arith.mulf %parallel_loop3A_381, %parallel_loop3A_381 : vector<16xf32>
        %parallel_loop3A_463 = arith.addf %parallel_loop3A_423, %parallel_loop3A_462 : vector<16xf32>
        %parallel_loop3A_464 = arith.constant 23 : i32
        %parallel_loop3A_465 = vector.broadcast %parallel_loop3A_464 : i32 to vector<16xi32>
        %parallel_loop3A_466 = arith.addi %parallel_loop3A_186, %parallel_loop3A_465 : vector<16xi32>
        tpu.vector_store_idx %arg5[%parallel_loop3A_466], %parallel_loop3A_381 {add = true} : memref<16512xf32, #tpu.memory_space<vmem>>[vector<16xi32>], vector<16xf32>,
        %parallel_loop3A_467 = arith.mulf %parallel_loop3A_391, %parallel_loop3A_391 : vector<16xf32>
        %parallel_loop3A_468 = arith.addf %parallel_loop3A_433, %parallel_loop3A_467 : vector<16xf32>
        %parallel_loop3A_469 = arith.constant 24 : i32
        %parallel_loop3A_470 = vector.broadcast %parallel_loop3A_469 : i32 to vector<16xi32>
        %parallel_loop3A_471 = arith.addi %parallel_loop3A_186, %parallel_loop3A_470 : vector<16xi32>
        tpu.vector_store_idx %arg5[%parallel_loop3A_471], %parallel_loop3A_391 {add = true} : memref<16512xf32, #tpu.memory_space<vmem>>[vector<16xi32>], vector<16xf32>,
        %parallel_loop3A_472 = arith.mulf %parallel_loop3A_401, %parallel_loop3A_401 : vector<16xf32>
        %parallel_loop3A_473 = arith.addf %parallel_loop3A_443, %parallel_loop3A_472 : vector<16xf32>
        %parallel_loop3A_474 = arith.constant 25 : i32
        %parallel_loop3A_475 = vector.broadcast %parallel_loop3A_474 : i32 to vector<16xi32>
        %parallel_loop3A_476 = arith.addi %parallel_loop3A_186, %parallel_loop3A_475 : vector<16xi32>
        tpu.vector_store_idx %arg5[%parallel_loop3A_476], %parallel_loop3A_401 {add = true} : memref<16512xf32, #tpu.memory_space<vmem>>[vector<16xi32>], vector<16xf32>,
        %parallel_loop3A_477 = arith.mulf %parallel_loop3A_411, %parallel_loop3A_411 : vector<16xf32>
        %parallel_loop3A_478 = arith.addf %parallel_loop3A_453, %parallel_loop3A_477 : vector<16xf32>
        %parallel_loop3A_479 = arith.constant 26 : i32
        %parallel_loop3A_480 = vector.broadcast %parallel_loop3A_479 : i32 to vector<16xi32>
        %parallel_loop3A_481 = arith.addi %parallel_loop3A_186, %parallel_loop3A_480 : vector<16xi32>
        tpu.vector_store_idx %arg5[%parallel_loop3A_481], %parallel_loop3A_411 {add = true} : memref<16512xf32, #tpu.memory_space<vmem>>[vector<16xi32>], vector<16xf32>,
        %parallel_loop3A_482 = arith.mulf %parallel_loop3A_421, %parallel_loop3A_421 : vector<16xf32>
        %parallel_loop3A_483 = arith.addf %parallel_loop3A_463, %parallel_loop3A_482 : vector<16xf32>
        %parallel_loop3A_484 = arith.constant 27 : i32
        %parallel_loop3A_485 = vector.broadcast %parallel_loop3A_484 : i32 to vector<16xi32>
        %parallel_loop3A_486 = arith.addi %parallel_loop3A_186, %parallel_loop3A_485 : vector<16xi32>
        tpu.vector_store_idx %arg5[%parallel_loop3A_486], %parallel_loop3A_421 {add = true} : memref<16512xf32, #tpu.memory_space<vmem>>[vector<16xi32>], vector<16xf32>,
        %parallel_loop3A_487 = arith.mulf %parallel_loop3A_431, %parallel_loop3A_431 : vector<16xf32>
        %parallel_loop3A_488 = arith.addf %parallel_loop3A_468, %parallel_loop3A_487 : vector<16xf32>
        %parallel_loop3A_489 = arith.constant 28 : i32
        %parallel_loop3A_490 = vector.broadcast %parallel_loop3A_489 : i32 to vector<16xi32>
        %parallel_loop3A_491 = arith.addi %parallel_loop3A_186, %parallel_loop3A_490 : vector<16xi32>
        tpu.vector_store_idx %arg5[%parallel_loop3A_491], %parallel_loop3A_431 {add = true} : memref<16512xf32, #tpu.memory_space<vmem>>[vector<16xi32>], vector<16xf32>,
        %parallel_loop3A_492 = arith.mulf %parallel_loop3A_441, %parallel_loop3A_441 : vector<16xf32>
        %parallel_loop3A_493 = arith.addf %parallel_loop3A_473, %parallel_loop3A_492 : vector<16xf32>
        %parallel_loop3A_494 = arith.constant 29 : i32
        %parallel_loop3A_495 = vector.broadcast %parallel_loop3A_494 : i32 to vector<16xi32>
        %parallel_loop3A_496 = arith.addi %parallel_loop3A_186, %parallel_loop3A_495 : vector<16xi32>
        tpu.vector_store_idx %arg5[%parallel_loop3A_496], %parallel_loop3A_441 {add = true} : memref<16512xf32, #tpu.memory_space<vmem>>[vector<16xi32>], vector<16xf32>,
        %parallel_loop3A_497 = arith.mulf %parallel_loop3A_451, %parallel_loop3A_451 : vector<16xf32>
        %parallel_loop3A_498 = arith.addf %parallel_loop3A_478, %parallel_loop3A_497 : vector<16xf32>
        %parallel_loop3A_499 = arith.constant 30 : i32
        %parallel_loop3A_500 = vector.broadcast %parallel_loop3A_499 : i32 to vector<16xi32>
        %parallel_loop3A_501 = arith.addi %parallel_loop3A_186, %parallel_loop3A_500 : vector<16xi32>
        tpu.vector_store_idx %arg5[%parallel_loop3A_501], %parallel_loop3A_451 {add = true} : memref<16512xf32, #tpu.memory_space<vmem>>[vector<16xi32>], vector<16xf32>,
        %parallel_loop3A_502 = arith.mulf %parallel_loop3A_461, %parallel_loop3A_461 : vector<16xf32>
        %parallel_loop3A_503 = arith.addf %parallel_loop3A_483, %parallel_loop3A_502 : vector<16xf32>
        %parallel_loop3A_504 = arith.constant 31 : i32
        %parallel_loop3A_505 = vector.broadcast %parallel_loop3A_504 : i32 to vector<16xi32>
        %parallel_loop3A_506 = arith.addi %parallel_loop3A_186, %parallel_loop3A_505 : vector<16xi32>
        tpu.vector_store_idx %arg5[%parallel_loop3A_506], %parallel_loop3A_461 {add = true} : memref<16512xf32, #tpu.memory_space<vmem>>[vector<16xi32>], vector<16xf32>,
        %parallel_loop3A_507 = arith.constant 32 : i32
        %parallel_loop3A_508 = vector.broadcast %parallel_loop3A_507 : i32 to vector<16xi32>
        %parallel_loop3A_509 = arith.addi %parallel_loop3A_186, %parallel_loop3A_508 : vector<16xi32>
        %parallel_loop3A_510 = arith.addf %parallel_loop3A_488, %parallel_loop3A_493 : vector<16xf32>
        %parallel_loop3A_511 = arith.addf %parallel_loop3A_498, %parallel_loop3A_503 : vector<16xf32>
        %parallel_loop3A_512 = arith.addf %parallel_loop3A_510, %parallel_loop3A_511 : vector<16xf32>
        tpu.vector_store_idx %arg5[%parallel_loop3A_509], %parallel_loop3A_512 {add = true} : memref<16512xf32, #tpu.memory_space<vmem>>[vector<16xi32>], vector<16xf32>,
        %parallel_loop3A_513 = arith.constant 33 : i32
        %parallel_loop3A_514 = vector.broadcast %parallel_loop3A_513 : i32 to vector<16xi32>
        %parallel_loop3A_515 = arith.addi %parallel_loop3A_186, %parallel_loop3A_514 : vector<16xi32>
        tpu.vector_store_idx %arg5[%parallel_loop3A_515], %broadcast_in_dim3A_35 {add = true} : memref<16512xf32, #tpu.memory_space<vmem>>[vector<16xi32>], vector<16xf32>,
      } {sc.loop_unroll_factor = 2 : i64, sc.parallel_access}
      %add3A_128 = arith.constant 3 : i32
      %add3A_129 = arith.addi %mul3A_90, %add3A_128 : i32
      %lt3A_130 = arith.constant 32 : i32
      %lt3A_131 = arith.cmpi slt, %add3A_129, %lt3A_130 : i32
      %convert_element_type3A_132 = arith.extui %lt3A_131 : i1 to i32
      %cond3A_133 = arith.constant 0 : i32
      %cond3A_134 = arith.cmpi ne, %convert_element_type3A_132, %cond3A_133 : i32
      scf.if %cond3A_134 {
        %add3A_135 = arith.constant 3 : i32
        %add3A_136 = arith.addi %mul3A_90, %add3A_135 : i32
        %jit3A_137 = arith.constant 4 : i32
        %div3A_138 = arith.divsi %add3A_136, %jit3A_137 : i32
        %sign3A_139 = arith.constant 0 : i32
        %sign3A_140 = arith.cmpi sgt, %add3A_136, %sign3A_139 : i32
        %sign3A_141 = arith.extui %sign3A_140 : i1 to i32
        %sign3A_142 = arith.constant 0 : i32
        %sign3A_143 = arith.cmpi slt, %add3A_136, %sign3A_142 : i32
        %sign3A_144 = arith.extui %sign3A_143 : i1 to i32
        %sign3A_145 = arith.subi %sign3A_141, %sign3A_144 : i32
        %sign3A_146 = arith.constant 0 : i32
        %sign3A_147 = arith.cmpi sgt, %jit3A_137, %sign3A_146 : i32
        %sign3A_148 = arith.extui %sign3A_147 : i1 to i32
        %sign3A_149 = arith.constant 0 : i32
        %sign3A_150 = arith.cmpi slt, %jit3A_137, %sign3A_149 : i32
        %sign3A_151 = arith.extui %sign3A_150 : i1 to i32
        %sign3A_152 = arith.subi %sign3A_148, %sign3A_151 : i32
        %ne3A_153 = arith.cmpi ne, %sign3A_145, %sign3A_152 : i32
        %rem3A_154 = arith.remsi %add3A_136, %jit3A_137 : i32
        %ne3A_155 = arith.constant 0 : i32
        %ne3A_156 = arith.cmpi ne, %rem3A_154, %ne3A_155 : i32
        %and3A_157 = arith.andi %ne3A_153, %ne3A_156 : i1
        %sub3A_158 = arith.constant 1 : i32
        %sub3A_159 = arith.subi %div3A_138, %sub3A_158 : i32
        %select_n3A_160 = arith.select %and3A_157, %sub3A_159, %div3A_138 : i32
        %mul3A_161 = arith.constant 8 : i32
        %mul3A_162 = arith.muli %select_n3A_160, %mul3A_161 : i32
        %add3A_163 = arith.addi %mul3A_32, %mul3A_162 : i32
        %jit3A_164 = arith.constant 4 : i32
        %eq3A_165 = arith.constant 0 : i32
        %eq3A_166 = arith.cmpi eq, %jit3A_164, %eq3A_165 : i32
        %jit3A_167 = arith.constant 1 : i32
        %select_n3A_168 = arith.select %eq3A_166, %jit3A_167, %jit3A_164 : i32
        %rem3A_169 = arith.remsi %add3A_136, %select_n3A_168 : i32
        %ne3A_170 = arith.constant 0 : i32
        %ne3A_171 = arith.cmpi ne, %rem3A_169, %ne3A_170 : i32
        %lt3A_172 = arith.constant 0 : i32
        %lt3A_173 = arith.cmpi slt, %rem3A_169, %lt3A_172 : i32
        %lt3A_174 = arith.constant 0 : i32
        %lt3A_175 = arith.cmpi slt, %select_n3A_168, %lt3A_174 : i32
        %ne3A_176 = arith.xori %lt3A_173, %lt3A_175 : i1
        %and3A_177 = arith.andi %ne3A_176, %ne3A_171 : i1
        %add3A_178 = arith.addi %rem3A_169, %select_n3A_168 : i32
        %select_n3A_179 = arith.select %and3A_177, %add3A_178, %rem3A_169 : i32
        %mul3A_180 = arith.constant 128 : i32
        %mul3A_181 = arith.muli %select_n3A_179, %mul3A_180 : i32
        %dma_start3A_182 = arith.constant 0 : i32
        %dma_start3A_183 = tpu.memref_slice %arg2[%select_n3A, %dma_start3A_182, %add3A_163, %mul3A_181] : memref<4x32x512x512xf32, #tpu.memory_space<hbm>> -> memref<1x32x8x128xf32, #tpu.memory_space<hbm>>
        %dma_start3A_184 = tpu.memref_squeeze %dma_start3A_183 : memref<1x32x8x128xf32, #tpu.memory_space<hbm>> -> memref<32x8x128xf32, #tpu.memory_space<hbm>>
        %dma_start3A_185 = arith.constant 0 : i32
        %dma_start3A_186 = tpu.memref_slice %arg2[%select_n3A, %dma_start3A_185, %add3A_163, %mul3A_181] : memref<4x32x512x512xf32, #tpu.memory_space<hbm>> -> memref<1x32x8x128xf32, #tpu.memory_space<hbm>>
        %dma_start3A_187 = tpu.memref_squeeze %dma_start3A_186 : memref<1x32x8x128xf32, #tpu.memory_space<hbm>> -> memref<32x8x128xf32, #tpu.memory_space<hbm>>
        tpu.enqueue_dma source(%dma_start3A_187 : memref<32x8x128xf32, #tpu.memory_space<hbm>>) target(%arg9 : memref<32x8x128xf32, #tpu.memory_space<vmem>>) target_semaphore(%arg14 : memref<!tpu.dma_semaphore, #tpu.memory_space<semaphore_mem>>)
        %dma_start3A_188 = tpu.memref_slice %arg3[%select_n3A, %add3A_163, %mul3A_181] : memref<4x512x512xi32, #tpu.memory_space<hbm>> -> memref<1x8x128xi32, #tpu.memory_space<hbm>>
        %dma_start3A_189 = tpu.memref_squeeze %dma_start3A_188 : memref<1x8x128xi32, #tpu.memory_space<hbm>> -> memref<8x128xi32, #tpu.memory_space<hbm>>
        %dma_start3A_190 = tpu.memref_slice %arg3[%select_n3A, %add3A_163, %mul3A_181] : memref<4x512x512xi32, #tpu.memory_space<hbm>> -> memref<1x8x128xi32, #tpu.memory_space<hbm>>
        %dma_start3A_191 = tpu.memref_squeeze %dma_start3A_190 : memref<1x8x128xi32, #tpu.memory_space<hbm>> -> memref<8x128xi32, #tpu.memory_space<hbm>>
        tpu.enqueue_dma source(%dma_start3A_191 : memref<8x128xi32, #tpu.memory_space<hbm>>) target(%arg11 : memref<8x128xi32, #tpu.memory_space<vmem>>) target_semaphore(%arg15 : memref<!tpu.dma_semaphore, #tpu.memory_space<semaphore_mem>>)
      } else {
      }
    }
    %scan3A_81 = arith.constant 16 : i32
    %scan3A_82 = arith.constant 0 : i32
    %scan3A_83 = arith.constant 0 : i32
    %scan3A_84 = arith.constant 64 : i32
    %scan3A_85 = arith.addi %scan3A_83, %scan3A_84 : i32
    %scan3A_86 = arith.constant 1 : i32
    scf.for %scan3A_88 = %scan3A_83 to %scan3A_85 step %scan3A_86  : i32 {
      %mul3A_89 = arith.constant 16 : i32
      %mul3A_90 = arith.muli %scan3A_88, %mul3A_89 : i32
      %get3A = arith.index_cast %mul3A_90 : i32 to index
      %get3A_91 = tpu.vector_load %arg5[%get3A] {strides = array<i32>} : memref<16512xf32, #tpu.memory_space<vmem>>, vector<16xf32>,
      %mul3A_92 = arith.constant 16 : i32
      %mul3A_93 = arith.muli %scan3A_88, %mul3A_92 : i32
      %add3A_94 = arith.constant 1025 : i32
      %add3A_95 = arith.addi %add3A_94, %mul3A_93 : i32
      %get3A_96 = arith.index_cast %add3A_95 : i32 to index
      %get3A_97 = tpu.vector_load %arg5[%get3A_96] {strides = array<i32>} : memref<16512xf32, #tpu.memory_space<vmem>>, vector<16xf32>,
      %add3A_98 = arith.addf %get3A_91, %get3A_97 : vector<16xf32>
      %mul3A_99 = arith.constant 16 : i32
      %mul3A_100 = arith.muli %scan3A_88, %mul3A_99 : i32
      %add3A_101 = arith.constant 2050 : i32
      %add3A_102 = arith.addi %add3A_101, %mul3A_100 : i32
      %get3A_103 = arith.index_cast %add3A_102 : i32 to index
      %get3A_104 = tpu.vector_load %arg5[%get3A_103] {strides = array<i32>} : memref<16512xf32, #tpu.memory_space<vmem>>, vector<16xf32>,
      %add3A_105 = arith.addf %add3A_98, %get3A_104 : vector<16xf32>
      %mul3A_106 = arith.constant 16 : i32
      %mul3A_107 = arith.muli %scan3A_88, %mul3A_106 : i32
      %add3A_108 = arith.constant 3075 : i32
      %add3A_109 = arith.addi %add3A_108, %mul3A_107 : i32
      %get3A_110 = arith.index_cast %add3A_109 : i32 to index
      %get3A_111 = tpu.vector_load %arg5[%get3A_110] {strides = array<i32>} : memref<16512xf32, #tpu.memory_space<vmem>>, vector<16xf32>,
      %add3A_112 = arith.addf %add3A_105, %get3A_111 : vector<16xf32>
      %mul3A_113 = arith.constant 16 : i32
      %mul3A_114 = arith.muli %scan3A_88, %mul3A_113 : i32
      %add3A_115 = arith.constant 4100 : i32
      %add3A_116 = arith.addi %add3A_115, %mul3A_114 : i32
      %get3A_117 = arith.index_cast %add3A_116 : i32 to index
      %get3A_118 = tpu.vector_load %arg5[%get3A_117] {strides = array<i32>} : memref<16512xf32, #tpu.memory_space<vmem>>, vector<16xf32>,
      %add3A_119 = arith.addf %add3A_112, %get3A_118 : vector<16xf32>
      %mul3A_120 = arith.constant 16 : i32
      %mul3A_121 = arith.muli %scan3A_88, %mul3A_120 : i32
      %add3A_122 = arith.constant 5125 : i32
      %add3A_123 = arith.addi %add3A_122, %mul3A_121 : i32
      %get3A_124 = arith.index_cast %add3A_123 : i32 to index
      %get3A_125 = tpu.vector_load %arg5[%get3A_124] {strides = array<i32>} : memref<16512xf32, #tpu.memory_space<vmem>>, vector<16xf32>,
      %add3A_126 = arith.addf %add3A_119, %get3A_125 : vector<16xf32>
      %mul3A_127 = arith.constant 16 : i32
      %mul3A_128 = arith.muli %scan3A_88, %mul3A_127 : i32
      %add3A_129 = arith.constant 6150 : i32
      %add3A_130 = arith.addi %add3A_129, %mul3A_128 : i32
      %get3A_131 = arith.index_cast %add3A_130 : i32 to index
      %get3A_132 = tpu.vector_load %arg5[%get3A_131] {strides = array<i32>} : memref<16512xf32, #tpu.memory_space<vmem>>, vector<16xf32>,
      %add3A_133 = arith.addf %add3A_126, %get3A_132 : vector<16xf32>
      %mul3A_134 = arith.constant 16 : i32
      %mul3A_135 = arith.muli %scan3A_88, %mul3A_134 : i32
      %add3A_136 = arith.constant 7175 : i32
      %add3A_137 = arith.addi %add3A_136, %mul3A_135 : i32
      %get3A_138 = arith.index_cast %add3A_137 : i32 to index
      %get3A_139 = tpu.vector_load %arg5[%get3A_138] {strides = array<i32>} : memref<16512xf32, #tpu.memory_space<vmem>>, vector<16xf32>,
      %add3A_140 = arith.addf %add3A_133, %get3A_139 : vector<16xf32>
      %mul3A_141 = arith.constant 16 : i32
      %mul3A_142 = arith.muli %scan3A_88, %mul3A_141 : i32
      %add3A_143 = arith.constant 8200 : i32
      %add3A_144 = arith.addi %add3A_143, %mul3A_142 : i32
      %get3A_145 = arith.index_cast %add3A_144 : i32 to index
      %get3A_146 = tpu.vector_load %arg5[%get3A_145] {strides = array<i32>} : memref<16512xf32, #tpu.memory_space<vmem>>, vector<16xf32>,
      %add3A_147 = arith.addf %add3A_140, %get3A_146 : vector<16xf32>
      %mul3A_148 = arith.constant 16 : i32
      %mul3A_149 = arith.muli %scan3A_88, %mul3A_148 : i32
      %add3A_150 = arith.constant 9225 : i32
      %add3A_151 = arith.addi %add3A_150, %mul3A_149 : i32
      %get3A_152 = arith.index_cast %add3A_151 : i32 to index
      %get3A_153 = tpu.vector_load %arg5[%get3A_152] {strides = array<i32>} : memref<16512xf32, #tpu.memory_space<vmem>>, vector<16xf32>,
      %add3A_154 = arith.addf %add3A_147, %get3A_153 : vector<16xf32>
      %mul3A_155 = arith.constant 16 : i32
      %mul3A_156 = arith.muli %scan3A_88, %mul3A_155 : i32
      %add3A_157 = arith.constant 10250 : i32
      %add3A_158 = arith.addi %add3A_157, %mul3A_156 : i32
      %get3A_159 = arith.index_cast %add3A_158 : i32 to index
      %get3A_160 = tpu.vector_load %arg5[%get3A_159] {strides = array<i32>} : memref<16512xf32, #tpu.memory_space<vmem>>, vector<16xf32>,
      %add3A_161 = arith.addf %add3A_154, %get3A_160 : vector<16xf32>
      %mul3A_162 = arith.constant 16 : i32
      %mul3A_163 = arith.muli %scan3A_88, %mul3A_162 : i32
      %add3A_164 = arith.constant 11275 : i32
      %add3A_165 = arith.addi %add3A_164, %mul3A_163 : i32
      %get3A_166 = arith.index_cast %add3A_165 : i32 to index
      %get3A_167 = tpu.vector_load %arg5[%get3A_166] {strides = array<i32>} : memref<16512xf32, #tpu.memory_space<vmem>>, vector<16xf32>,
      %add3A_168 = arith.addf %add3A_161, %get3A_167 : vector<16xf32>
      %mul3A_169 = arith.constant 16 : i32
      %mul3A_170 = arith.muli %scan3A_88, %mul3A_169 : i32
      %add3A_171 = arith.constant 12300 : i32
      %add3A_172 = arith.addi %add3A_171, %mul3A_170 : i32
      %get3A_173 = arith.index_cast %add3A_172 : i32 to index
      %get3A_174 = tpu.vector_load %arg5[%get3A_173] {strides = array<i32>} : memref<16512xf32, #tpu.memory_space<vmem>>, vector<16xf32>,
      %add3A_175 = arith.addf %add3A_168, %get3A_174 : vector<16xf32>
      %mul3A_176 = arith.constant 16 : i32
      %mul3A_177 = arith.muli %scan3A_88, %mul3A_176 : i32
      %add3A_178 = arith.constant 13325 : i32
      %add3A_179 = arith.addi %add3A_178, %mul3A_177 : i32
      %get3A_180 = arith.index_cast %add3A_179 : i32 to index
      %get3A_181 = tpu.vector_load %arg5[%get3A_180] {strides = array<i32>} : memref<16512xf32, #tpu.memory_space<vmem>>, vector<16xf32>,
      %add3A_182 = arith.addf %add3A_175, %get3A_181 : vector<16xf32>
      %mul3A_183 = arith.constant 16 : i32
      %mul3A_184 = arith.muli %scan3A_88, %mul3A_183 : i32
      %add3A_185 = arith.constant 14350 : i32
      %add3A_186 = arith.addi %add3A_185, %mul3A_184 : i32
      %get3A_187 = arith.index_cast %add3A_186 : i32 to index
      %get3A_188 = tpu.vector_load %arg5[%get3A_187] {strides = array<i32>} : memref<16512xf32, #tpu.memory_space<vmem>>, vector<16xf32>,
      %add3A_189 = arith.addf %add3A_182, %get3A_188 : vector<16xf32>
      %mul3A_190 = arith.constant 16 : i32
      %mul3A_191 = arith.muli %scan3A_88, %mul3A_190 : i32
      %add3A_192 = arith.constant 15375 : i32
      %add3A_193 = arith.addi %add3A_192, %mul3A_191 : i32
      %get3A_194 = arith.index_cast %add3A_193 : i32 to index
      %get3A_195 = tpu.vector_load %arg5[%get3A_194] {strides = array<i32>} : memref<16512xf32, #tpu.memory_space<vmem>>, vector<16xf32>,
      %add3A_196 = arith.addf %add3A_189, %get3A_195 : vector<16xf32>
      %jit3A_197 = arith.constant 8 : i32
      %div3A_198 = arith.divsi %scan3A_88, %jit3A_197 : i32
      %sign3A_199 = arith.constant 0 : i32
      %sign3A_200 = arith.cmpi sgt, %scan3A_88, %sign3A_199 : i32
      %sign3A_201 = arith.extui %sign3A_200 : i1 to i32
      %sign3A_202 = arith.constant 0 : i32
      %sign3A_203 = arith.cmpi slt, %scan3A_88, %sign3A_202 : i32
      %sign3A_204 = arith.extui %sign3A_203 : i1 to i32
      %sign3A_205 = arith.subi %sign3A_201, %sign3A_204 : i32
      %sign3A_206 = arith.constant 0 : i32
      %sign3A_207 = arith.cmpi sgt, %jit3A_197, %sign3A_206 : i32
      %sign3A_208 = arith.extui %sign3A_207 : i1 to i32
      %sign3A_209 = arith.constant 0 : i32
      %sign3A_210 = arith.cmpi slt, %jit3A_197, %sign3A_209 : i32
      %sign3A_211 = arith.extui %sign3A_210 : i1 to i32
      %sign3A_212 = arith.subi %sign3A_208, %sign3A_211 : i32
      %ne3A_213 = arith.cmpi ne, %sign3A_205, %sign3A_212 : i32
      %rem3A_214 = arith.remsi %scan3A_88, %jit3A_197 : i32
      %ne3A_215 = arith.constant 0 : i32
      %ne3A_216 = arith.cmpi ne, %rem3A_214, %ne3A_215 : i32
      %and3A_217 = arith.andi %ne3A_213, %ne3A_216 : i1
      %sub3A_218 = arith.constant 1 : i32
      %sub3A_219 = arith.subi %div3A_198, %sub3A_218 : i32
      %select_n3A_220 = arith.select %and3A_217, %sub3A_219, %div3A_198 : i32
      %jit3A_221 = arith.constant 8 : i32
      %eq3A_222 = arith.constant 0 : i32
      %eq3A_223 = arith.cmpi eq, %jit3A_221, %eq3A_222 : i32
      %jit3A_224 = arith.constant 1 : i32
      %select_n3A_225 = arith.select %eq3A_223, %jit3A_224, %jit3A_221 : i32
      %rem3A_226 = arith.remsi %scan3A_88, %select_n3A_225 : i32
      %ne3A_227 = arith.constant 0 : i32
      %ne3A_228 = arith.cmpi ne, %rem3A_226, %ne3A_227 : i32
      %lt3A_229 = arith.constant 0 : i32
      %lt3A_230 = arith.cmpi slt, %rem3A_226, %lt3A_229 : i32
      %lt3A_231 = arith.constant 0 : i32
      %lt3A_232 = arith.cmpi slt, %select_n3A_225, %lt3A_231 : i32
      %ne3A_233 = arith.xori %lt3A_230, %lt3A_232 : i1
      %and3A_234 = arith.andi %ne3A_233, %ne3A_228 : i1
      %add3A_235 = arith.addi %rem3A_226, %select_n3A_225 : i32
      %select_n3A_236 = arith.select %and3A_234, %add3A_235, %rem3A_226 : i32
      %mul3A_237 = arith.constant 16 : i32
      %mul3A_238 = arith.muli %select_n3A_236, %mul3A_237 : i32
      %swap3A_239 = arith.index_cast %select_n3A_220 : i32 to index
      %swap3A_240 = arith.index_cast %mul3A_238 : i32 to index
      %swap3A_241 = tpu.vector_load %arg6[%swap3A_239, %swap3A_240] {strides = array<i32>} : memref<8x128xf32, #tpu.memory_space<vmem>>, vector<16xf32>,
      tpu.vector_store %arg6[%swap3A_239, %swap3A_240], %add3A_196 {strides = array<i32>} : memref<8x128xf32, #tpu.memory_space<vmem>>, vector<16xf32>,
    }
    %scan3A_87 = arith.constant 64 : i32
    "tpu.region"() ({
      %run_scoped3A = tpu.sem_alloc : memref<!tpu.dma_semaphore, #tpu.memory_space<semaphore_mem>>
      %dma_start3A_88 = arith.constant 0 : i32
      %dma_start3A_89 = arith.constant 0 : i32
      %dma_start3A_90 = tpu.memref_slice %arg4[%add3A, %dma_start3A_88, %dma_start3A_89] : memref<32x8x128xf32, #tpu.memory_space<hbm>> -> memref<1x8x128xf32, #tpu.memory_space<hbm>>
      %dma_start3A_91 = tpu.memref_squeeze %dma_start3A_90 : memref<1x8x128xf32, #tpu.memory_space<hbm>> -> memref<8x128xf32, #tpu.memory_space<hbm>>
      %dma_start3A_92 = arith.constant 0 : i32
      %dma_start3A_93 = arith.constant 0 : i32
      %dma_start3A_94 = tpu.memref_slice %arg4[%add3A, %dma_start3A_92, %dma_start3A_93] : memref<32x8x128xf32, #tpu.memory_space<hbm>> -> memref<1x8x128xf32, #tpu.memory_space<hbm>>
      %dma_start3A_95 = tpu.memref_squeeze %dma_start3A_94 : memref<1x8x128xf32, #tpu.memory_space<hbm>> -> memref<8x128xf32, #tpu.memory_space<hbm>>
      tpu.enqueue_dma source(%arg6 : memref<8x128xf32, #tpu.memory_space<vmem>>) target(%dma_start3A_95 : memref<8x128xf32, #tpu.memory_space<hbm>>) target_semaphore(%run_scoped3A : memref<!tpu.dma_semaphore, #tpu.memory_space<semaphore_mem>>)
      %dma_wait3A = arith.constant 0 : i32
      %dma_wait3A_96 = arith.constant 0 : i32
      %dma_wait3A_97 = tpu.memref_slice %arg4[%add3A, %dma_wait3A, %dma_wait3A_96] : memref<32x8x128xf32, #tpu.memory_space<hbm>> -> memref<1x8x128xf32, #tpu.memory_space<hbm>>
      %dma_wait3A_98 = tpu.memref_squeeze %dma_wait3A_97 : memref<1x8x128xf32, #tpu.memory_space<hbm>> -> memref<8x128xf32, #tpu.memory_space<hbm>>
      %dma_wait3A_99 = arith.constant 0 : i32
      %dma_wait3A_100 = arith.constant 0 : i32
      %dma_wait3A_101 = tpu.memref_slice %arg4[%add3A, %dma_wait3A_99, %dma_wait3A_100] : memref<32x8x128xf32, #tpu.memory_space<hbm>> -> memref<1x8x128xf32, #tpu.memory_space<hbm>>
      %dma_wait3A_102 = tpu.memref_squeeze %dma_wait3A_101 : memref<1x8x128xf32, #tpu.memory_space<hbm>> -> memref<8x128xf32, #tpu.memory_space<hbm>>
      tpu.wait_dma2 semaphore(%run_scoped3A : memref<!tpu.dma_semaphore, #tpu.memory_space<semaphore_mem>>) src(%arg6 : memref<8x128xf32, #tpu.memory_space<vmem>>) dst(%dma_wait3A_102 : memref<8x128xf32, #tpu.memory_space<hbm>>)
      tpu.yield
    }) : () -> ()
    return
  }
}

module attributes {stable_mosaic.version = 14 : i64} {
  func.func @_epilogue_body(%arg0: memref<32x16x64xf32, #tpu.memory_space<vmem>>, %arg1: memref<1x1xf32, #tpu.memory_space<vmem>>, %arg2: memref<1x16xf32, #tpu.memory_space<vmem>>, %arg3: memref<1x1xf32, #tpu.memory_space<vmem>>, %arg4: memref<1x16xf32, #tpu.memory_space<vmem>>, %arg5: memref<4x16x32xf32, #tpu.memory_space<vmem>>) attributes {dimension_semantics = [], scalar_prefetch = 0 : i64, scratch_operands = 0 : i64, tpu.core_type = #tpu.core_type<tc>} {
    %get3A = arith.constant 0 : index
    %get3A_0 = arith.constant 0 : index
    %get3A_1 = arith.constant 0 : index
    %get3A_2 = vector.load %arg0[%get3A, %get3A_0, %get3A_1] : memref<32x16x64xf32, #tpu.memory_space<vmem>>, vector<32x16x64xf32>
    %broadcast_in_dim3A = arith.constant 0.000000e+00 : f32
    %broadcast_in_dim3A_3 = vector.broadcast %broadcast_in_dim3A : f32 to vector<16x1xf32>
    %broadcast_in_dim3A_4 = arith.constant 0.000000e+00 : f32
    %broadcast_in_dim3A_5 = vector.broadcast %broadcast_in_dim3A_4 : f32 to vector<16x1xf32>
    %broadcast_in_dim3A_6 = arith.constant 0.000000e+00 : f32
    %broadcast_in_dim3A_7 = vector.broadcast %broadcast_in_dim3A_6 : f32 to vector<16x16xf32>
    %slice3A = vector.extract_strided_slice %get3A_2 {offsets = [0, 0, 0], sizes = [1, 16, 64], strides = [1, 1, 1]} : vector<32x16x64xf32> to vector<1x16x64xf32>
    %squeeze3A = vector.shape_cast %slice3A : vector<1x16x64xf32> to vector<16x64xf32>
    %slice3A_8 = vector.extract_strided_slice %get3A_2 {offsets = [1, 0, 0], sizes = [1, 16, 64], strides = [1, 1, 1]} : vector<32x16x64xf32> to vector<1x16x64xf32>
    %squeeze3A_9 = vector.shape_cast %slice3A_8 : vector<1x16x64xf32> to vector<16x64xf32>
    %add3A = arith.addf %squeeze3A, %squeeze3A_9 : vector<16x64xf32>
    %slice3A_10 = vector.extract_strided_slice %get3A_2 {offsets = [2, 0, 0], sizes = [1, 16, 64], strides = [1, 1, 1]} : vector<32x16x64xf32> to vector<1x16x64xf32>
    %squeeze3A_11 = vector.shape_cast %slice3A_10 : vector<1x16x64xf32> to vector<16x64xf32>
    %add3A_12 = arith.addf %add3A, %squeeze3A_11 : vector<16x64xf32>
    %slice3A_13 = vector.extract_strided_slice %get3A_2 {offsets = [3, 0, 0], sizes = [1, 16, 64], strides = [1, 1, 1]} : vector<32x16x64xf32> to vector<1x16x64xf32>
    %squeeze3A_14 = vector.shape_cast %slice3A_13 : vector<1x16x64xf32> to vector<16x64xf32>
    %add3A_15 = arith.addf %add3A_12, %squeeze3A_14 : vector<16x64xf32>
    %slice3A_16 = vector.extract_strided_slice %get3A_2 {offsets = [4, 0, 0], sizes = [1, 16, 64], strides = [1, 1, 1]} : vector<32x16x64xf32> to vector<1x16x64xf32>
    %squeeze3A_17 = vector.shape_cast %slice3A_16 : vector<1x16x64xf32> to vector<16x64xf32>
    %add3A_18 = arith.addf %add3A_15, %squeeze3A_17 : vector<16x64xf32>
    %slice3A_19 = vector.extract_strided_slice %get3A_2 {offsets = [5, 0, 0], sizes = [1, 16, 64], strides = [1, 1, 1]} : vector<32x16x64xf32> to vector<1x16x64xf32>
    %squeeze3A_20 = vector.shape_cast %slice3A_19 : vector<1x16x64xf32> to vector<16x64xf32>
    %add3A_21 = arith.addf %add3A_18, %squeeze3A_20 : vector<16x64xf32>
    %slice3A_22 = vector.extract_strided_slice %get3A_2 {offsets = [6, 0, 0], sizes = [1, 16, 64], strides = [1, 1, 1]} : vector<32x16x64xf32> to vector<1x16x64xf32>
    %squeeze3A_23 = vector.shape_cast %slice3A_22 : vector<1x16x64xf32> to vector<16x64xf32>
    %add3A_24 = arith.addf %add3A_21, %squeeze3A_23 : vector<16x64xf32>
    %slice3A_25 = vector.extract_strided_slice %get3A_2 {offsets = [7, 0, 0], sizes = [1, 16, 64], strides = [1, 1, 1]} : vector<32x16x64xf32> to vector<1x16x64xf32>
    %squeeze3A_26 = vector.shape_cast %slice3A_25 : vector<1x16x64xf32> to vector<16x64xf32>
    %add3A_27 = arith.addf %add3A_24, %squeeze3A_26 : vector<16x64xf32>
    %slice3A_28 = vector.extract_strided_slice %add3A_27 {offsets = [0, 0], sizes = [16, 32], strides = [1, 1]} : vector<16x64xf32> to vector<16x32xf32>
    %slice3A_29 = vector.extract_strided_slice %add3A_27 {offsets = [0, 32], sizes = [16, 1], strides = [1, 1]} : vector<16x64xf32> to vector<16x1xf32>
    %slice3A_30 = vector.extract_strided_slice %add3A_27 {offsets = [0, 33], sizes = [16, 1], strides = [1, 1]} : vector<16x64xf32> to vector<16x1xf32>
    %max3A = arith.constant 1.000000e+00 : f32
    %max3A_31 = vector.broadcast %max3A : f32 to vector<16x1xf32>
    %max3A_32 = arith.maximumf %slice3A_30, %max3A_31 : vector<16x1xf32>
    %div3A = vector.broadcast %max3A_32 : vector<16x1xf32> to vector<16x32xf32>
    %div3A_33 = arith.divf %slice3A_28, %div3A : vector<16x32xf32>
    %swap3A = arith.constant 0 : index
    %swap3A_34 = arith.constant 0 : index
    %swap3A_35 = arith.constant 0 : index
    %swap3A_36 = vector.load %arg5[%swap3A, %swap3A_34, %swap3A_35] : memref<4x16x32xf32, #tpu.memory_space<vmem>>, vector<1x16x32xf32>
    %swap3A_37 = vector.shape_cast %swap3A_36 : vector<1x16x32xf32> to vector<16x32xf32>
    %swap3A_38 = vector.shape_cast %div3A_33 : vector<16x32xf32> to vector<1x16x32xf32>
    tpu.vector_store %arg5[%swap3A, %swap3A_34, %swap3A_35], %swap3A_38 {strides = array<i32>} : memref<4x16x32xf32, #tpu.memory_space<vmem>>, vector<1x16x32xf32>,
    %mul3A = arith.mulf %div3A_33, %div3A_33 : vector<16x32xf32>
    %reduce_sum3A = arith.constant dense<0.000000e+00> : vector<16xf32>
    %reduce_sum3A_39 = vector.multi_reduction <add>, %mul3A, %reduce_sum3A [1] : vector<16x32xf32> to vector<16xf32>
    %broadcast_in_dim3A_40 = vector.shape_cast %reduce_sum3A_39 : vector<16xf32> to vector<16x1xf32>
    %mul3A_41 = arith.mulf %max3A_32, %broadcast_in_dim3A_40 : vector<16x1xf32>
    %sub3A = arith.subf %slice3A_29, %mul3A_41 : vector<16x1xf32>
    %mul3A_42 = arith.constant 3.200000e+01 : f32
    %mul3A_43 = vector.broadcast %mul3A_42 : f32 to vector<16x1xf32>
    %mul3A_44 = arith.mulf %mul3A_43, %max3A_32 : vector<16x1xf32>
    %div3A_45 = arith.divf %sub3A, %mul3A_44 : vector<16x1xf32>
    %sub3A_46 = arith.constant 2.000000e-01 : f32
    %sub3A_47 = vector.broadcast %sub3A_46 : f32 to vector<16x1xf32>
    %sub3A_48 = arith.subf %div3A_45, %sub3A_47 : vector<16x1xf32>
    %max3A_49 = arith.constant 0.000000e+00 : f32
    %max3A_50 = vector.broadcast %max3A_49 : f32 to vector<16x1xf32>
    %max3A_51 = arith.maximumf %sub3A_48, %max3A_50 : vector<16x1xf32>
    %add3A_52 = arith.addf %broadcast_in_dim3A_3, %max3A_51 : vector<16x1xf32>
    %add3A_53 = arith.constant 9.99999996E-13 : f32
    %add3A_54 = vector.broadcast %add3A_53 : f32 to vector<16x1xf32>
    %add3A_55 = arith.addf %broadcast_in_dim3A_40, %add3A_54 : vector<16x1xf32>
    %sqrt3A = math.sqrt %add3A_55 : vector<16x1xf32>
    %add3A_56 = arith.addf %broadcast_in_dim3A_5, %sqrt3A : vector<16x1xf32>
    %broadcast_in_dim3A_57 = vector.shape_cast %div3A_33 : vector<16x32xf32> to vector<16x1x32xf32>
    %broadcast_in_dim3A_58 = vector.shape_cast %div3A_33 : vector<16x32xf32> to vector<1x16x32xf32>
    %sub3A_59 = vector.broadcast %broadcast_in_dim3A_57 : vector<16x1x32xf32> to vector<16x16x32xf32>
    %sub3A_60 = vector.broadcast %broadcast_in_dim3A_58 : vector<1x16x32xf32> to vector<16x16x32xf32>
    %sub3A_61 = arith.subf %sub3A_59, %sub3A_60 : vector<16x16x32xf32>
    %mul3A_62 = arith.mulf %sub3A_61, %sub3A_61 : vector<16x16x32xf32>
    %reduce_sum3A_63 = arith.constant dense<0.000000e+00> : vector<16x16xf32>
    %reduce_sum3A_64 = vector.multi_reduction <add>, %mul3A_62, %reduce_sum3A_63 [2] : vector<16x16x32xf32> to vector<16x16xf32>
    %add3A_65 = arith.constant 9.99999996E-13 : f32
    %add3A_66 = vector.broadcast %add3A_65 : f32 to vector<16x16xf32>
    %add3A_67 = arith.addf %reduce_sum3A_64, %add3A_66 : vector<16x16xf32>
    %sqrt3A_68 = math.sqrt %add3A_67 : vector<16x16xf32>
    %sub3A_69 = arith.constant 4.000000e-01 : f32
    %sub3A_70 = vector.broadcast %sub3A_69 : f32 to vector<16x16xf32>
    %sub3A_71 = arith.subf %sub3A_70, %sqrt3A_68 : vector<16x16xf32>
    %max3A_72 = arith.constant 0.000000e+00 : f32
    %max3A_73 = vector.broadcast %max3A_72 : f32 to vector<16x16xf32>
    %max3A_74 = arith.maximumf %sub3A_71, %max3A_73 : vector<16x16xf32>
    %add3A_75 = arith.addf %broadcast_in_dim3A_7, %max3A_74 : vector<16x16xf32>
    %slice3A_76 = vector.extract_strided_slice %get3A_2 {offsets = [8, 0, 0], sizes = [1, 16, 64], strides = [1, 1, 1]} : vector<32x16x64xf32> to vector<1x16x64xf32>
    %squeeze3A_77 = vector.shape_cast %slice3A_76 : vector<1x16x64xf32> to vector<16x64xf32>
    %slice3A_78 = vector.extract_strided_slice %get3A_2 {offsets = [9, 0, 0], sizes = [1, 16, 64], strides = [1, 1, 1]} : vector<32x16x64xf32> to vector<1x16x64xf32>
    %squeeze3A_79 = vector.shape_cast %slice3A_78 : vector<1x16x64xf32> to vector<16x64xf32>
    %add3A_80 = arith.addf %squeeze3A_77, %squeeze3A_79 : vector<16x64xf32>
    %slice3A_81 = vector.extract_strided_slice %get3A_2 {offsets = [10, 0, 0], sizes = [1, 16, 64], strides = [1, 1, 1]} : vector<32x16x64xf32> to vector<1x16x64xf32>
    %squeeze3A_82 = vector.shape_cast %slice3A_81 : vector<1x16x64xf32> to vector<16x64xf32>
    %add3A_83 = arith.addf %add3A_80, %squeeze3A_82 : vector<16x64xf32>
    %slice3A_84 = vector.extract_strided_slice %get3A_2 {offsets = [11, 0, 0], sizes = [1, 16, 64], strides = [1, 1, 1]} : vector<32x16x64xf32> to vector<1x16x64xf32>
    %squeeze3A_85 = vector.shape_cast %slice3A_84 : vector<1x16x64xf32> to vector<16x64xf32>
    %add3A_86 = arith.addf %add3A_83, %squeeze3A_85 : vector<16x64xf32>
    %slice3A_87 = vector.extract_strided_slice %get3A_2 {offsets = [12, 0, 0], sizes = [1, 16, 64], strides = [1, 1, 1]} : vector<32x16x64xf32> to vector<1x16x64xf32>
    %squeeze3A_88 = vector.shape_cast %slice3A_87 : vector<1x16x64xf32> to vector<16x64xf32>
    %add3A_89 = arith.addf %add3A_86, %squeeze3A_88 : vector<16x64xf32>
    %slice3A_90 = vector.extract_strided_slice %get3A_2 {offsets = [13, 0, 0], sizes = [1, 16, 64], strides = [1, 1, 1]} : vector<32x16x64xf32> to vector<1x16x64xf32>
    %squeeze3A_91 = vector.shape_cast %slice3A_90 : vector<1x16x64xf32> to vector<16x64xf32>
    %add3A_92 = arith.addf %add3A_89, %squeeze3A_91 : vector<16x64xf32>
    %slice3A_93 = vector.extract_strided_slice %get3A_2 {offsets = [14, 0, 0], sizes = [1, 16, 64], strides = [1, 1, 1]} : vector<32x16x64xf32> to vector<1x16x64xf32>
    %squeeze3A_94 = vector.shape_cast %slice3A_93 : vector<1x16x64xf32> to vector<16x64xf32>
    %add3A_95 = arith.addf %add3A_92, %squeeze3A_94 : vector<16x64xf32>
    %slice3A_96 = vector.extract_strided_slice %get3A_2 {offsets = [15, 0, 0], sizes = [1, 16, 64], strides = [1, 1, 1]} : vector<32x16x64xf32> to vector<1x16x64xf32>
    %squeeze3A_97 = vector.shape_cast %slice3A_96 : vector<1x16x64xf32> to vector<16x64xf32>
    %add3A_98 = arith.addf %add3A_95, %squeeze3A_97 : vector<16x64xf32>
    %slice3A_99 = vector.extract_strided_slice %add3A_98 {offsets = [0, 0], sizes = [16, 32], strides = [1, 1]} : vector<16x64xf32> to vector<16x32xf32>
    %slice3A_100 = vector.extract_strided_slice %add3A_98 {offsets = [0, 32], sizes = [16, 1], strides = [1, 1]} : vector<16x64xf32> to vector<16x1xf32>
    %slice3A_101 = vector.extract_strided_slice %add3A_98 {offsets = [0, 33], sizes = [16, 1], strides = [1, 1]} : vector<16x64xf32> to vector<16x1xf32>
    %max3A_102 = arith.constant 1.000000e+00 : f32
    %max3A_103 = vector.broadcast %max3A_102 : f32 to vector<16x1xf32>
    %max3A_104 = arith.maximumf %slice3A_101, %max3A_103 : vector<16x1xf32>
    %div3A_105 = vector.broadcast %max3A_104 : vector<16x1xf32> to vector<16x32xf32>
    %div3A_106 = arith.divf %slice3A_99, %div3A_105 : vector<16x32xf32>
    %swap3A_107 = arith.constant 1 : index
    %swap3A_108 = arith.constant 0 : index
    %swap3A_109 = arith.constant 0 : index
    %swap3A_110 = vector.load %arg5[%swap3A_107, %swap3A_108, %swap3A_109] : memref<4x16x32xf32, #tpu.memory_space<vmem>>, vector<1x16x32xf32>
    %swap3A_111 = vector.shape_cast %swap3A_110 : vector<1x16x32xf32> to vector<16x32xf32>
    %swap3A_112 = vector.shape_cast %div3A_106 : vector<16x32xf32> to vector<1x16x32xf32>
    tpu.vector_store %arg5[%swap3A_107, %swap3A_108, %swap3A_109], %swap3A_112 {strides = array<i32>} : memref<4x16x32xf32, #tpu.memory_space<vmem>>, vector<1x16x32xf32>,
    %mul3A_113 = arith.mulf %div3A_106, %div3A_106 : vector<16x32xf32>
    %reduce_sum3A_114 = arith.constant dense<0.000000e+00> : vector<16xf32>
    %reduce_sum3A_115 = vector.multi_reduction <add>, %mul3A_113, %reduce_sum3A_114 [1] : vector<16x32xf32> to vector<16xf32>
    %broadcast_in_dim3A_116 = vector.shape_cast %reduce_sum3A_115 : vector<16xf32> to vector<16x1xf32>
    %mul3A_117 = arith.mulf %max3A_104, %broadcast_in_dim3A_116 : vector<16x1xf32>
    %sub3A_118 = arith.subf %slice3A_100, %mul3A_117 : vector<16x1xf32>
    %mul3A_119 = arith.constant 3.200000e+01 : f32
    %mul3A_120 = vector.broadcast %mul3A_119 : f32 to vector<16x1xf32>
    %mul3A_121 = arith.mulf %mul3A_120, %max3A_104 : vector<16x1xf32>
    %div3A_122 = arith.divf %sub3A_118, %mul3A_121 : vector<16x1xf32>
    %sub3A_123 = arith.constant 2.000000e-01 : f32
    %sub3A_124 = vector.broadcast %sub3A_123 : f32 to vector<16x1xf32>
    %sub3A_125 = arith.subf %div3A_122, %sub3A_124 : vector<16x1xf32>
    %max3A_126 = arith.constant 0.000000e+00 : f32
    %max3A_127 = vector.broadcast %max3A_126 : f32 to vector<16x1xf32>
    %max3A_128 = arith.maximumf %sub3A_125, %max3A_127 : vector<16x1xf32>
    %add3A_129 = arith.addf %add3A_52, %max3A_128 : vector<16x1xf32>
    %add3A_130 = arith.constant 9.99999996E-13 : f32
    %add3A_131 = vector.broadcast %add3A_130 : f32 to vector<16x1xf32>
    %add3A_132 = arith.addf %broadcast_in_dim3A_116, %add3A_131 : vector<16x1xf32>
    %sqrt3A_133 = math.sqrt %add3A_132 : vector<16x1xf32>
    %add3A_134 = arith.addf %add3A_56, %sqrt3A_133 : vector<16x1xf32>
    %broadcast_in_dim3A_135 = vector.shape_cast %div3A_106 : vector<16x32xf32> to vector<16x1x32xf32>
    %broadcast_in_dim3A_136 = vector.shape_cast %div3A_106 : vector<16x32xf32> to vector<1x16x32xf32>
    %sub3A_137 = vector.broadcast %broadcast_in_dim3A_135 : vector<16x1x32xf32> to vector<16x16x32xf32>
    %sub3A_138 = vector.broadcast %broadcast_in_dim3A_136 : vector<1x16x32xf32> to vector<16x16x32xf32>
    %sub3A_139 = arith.subf %sub3A_137, %sub3A_138 : vector<16x16x32xf32>
    %mul3A_140 = arith.mulf %sub3A_139, %sub3A_139 : vector<16x16x32xf32>
    %reduce_sum3A_141 = arith.constant dense<0.000000e+00> : vector<16x16xf32>
    %reduce_sum3A_142 = vector.multi_reduction <add>, %mul3A_140, %reduce_sum3A_141 [2] : vector<16x16x32xf32> to vector<16x16xf32>
    %add3A_143 = arith.constant 9.99999996E-13 : f32
    %add3A_144 = vector.broadcast %add3A_143 : f32 to vector<16x16xf32>
    %add3A_145 = arith.addf %reduce_sum3A_142, %add3A_144 : vector<16x16xf32>
    %sqrt3A_146 = math.sqrt %add3A_145 : vector<16x16xf32>
    %sub3A_147 = arith.constant 4.000000e-01 : f32
    %sub3A_148 = vector.broadcast %sub3A_147 : f32 to vector<16x16xf32>
    %sub3A_149 = arith.subf %sub3A_148, %sqrt3A_146 : vector<16x16xf32>
    %max3A_150 = arith.constant 0.000000e+00 : f32
    %max3A_151 = vector.broadcast %max3A_150 : f32 to vector<16x16xf32>
    %max3A_152 = arith.maximumf %sub3A_149, %max3A_151 : vector<16x16xf32>
    %add3A_153 = arith.addf %add3A_75, %max3A_152 : vector<16x16xf32>
    %slice3A_154 = vector.extract_strided_slice %get3A_2 {offsets = [16, 0, 0], sizes = [1, 16, 64], strides = [1, 1, 1]} : vector<32x16x64xf32> to vector<1x16x64xf32>
    %squeeze3A_155 = vector.shape_cast %slice3A_154 : vector<1x16x64xf32> to vector<16x64xf32>
    %slice3A_156 = vector.extract_strided_slice %get3A_2 {offsets = [17, 0, 0], sizes = [1, 16, 64], strides = [1, 1, 1]} : vector<32x16x64xf32> to vector<1x16x64xf32>
    %squeeze3A_157 = vector.shape_cast %slice3A_156 : vector<1x16x64xf32> to vector<16x64xf32>
    %add3A_158 = arith.addf %squeeze3A_155, %squeeze3A_157 : vector<16x64xf32>
    %slice3A_159 = vector.extract_strided_slice %get3A_2 {offsets = [18, 0, 0], sizes = [1, 16, 64], strides = [1, 1, 1]} : vector<32x16x64xf32> to vector<1x16x64xf32>
    %squeeze3A_160 = vector.shape_cast %slice3A_159 : vector<1x16x64xf32> to vector<16x64xf32>
    %add3A_161 = arith.addf %add3A_158, %squeeze3A_160 : vector<16x64xf32>
    %slice3A_162 = vector.extract_strided_slice %get3A_2 {offsets = [19, 0, 0], sizes = [1, 16, 64], strides = [1, 1, 1]} : vector<32x16x64xf32> to vector<1x16x64xf32>
    %squeeze3A_163 = vector.shape_cast %slice3A_162 : vector<1x16x64xf32> to vector<16x64xf32>
    %add3A_164 = arith.addf %add3A_161, %squeeze3A_163 : vector<16x64xf32>
    %slice3A_165 = vector.extract_strided_slice %get3A_2 {offsets = [20, 0, 0], sizes = [1, 16, 64], strides = [1, 1, 1]} : vector<32x16x64xf32> to vector<1x16x64xf32>
    %squeeze3A_166 = vector.shape_cast %slice3A_165 : vector<1x16x64xf32> to vector<16x64xf32>
    %add3A_167 = arith.addf %add3A_164, %squeeze3A_166 : vector<16x64xf32>
    %slice3A_168 = vector.extract_strided_slice %get3A_2 {offsets = [21, 0, 0], sizes = [1, 16, 64], strides = [1, 1, 1]} : vector<32x16x64xf32> to vector<1x16x64xf32>
    %squeeze3A_169 = vector.shape_cast %slice3A_168 : vector<1x16x64xf32> to vector<16x64xf32>
    %add3A_170 = arith.addf %add3A_167, %squeeze3A_169 : vector<16x64xf32>
    %slice3A_171 = vector.extract_strided_slice %get3A_2 {offsets = [22, 0, 0], sizes = [1, 16, 64], strides = [1, 1, 1]} : vector<32x16x64xf32> to vector<1x16x64xf32>
    %squeeze3A_172 = vector.shape_cast %slice3A_171 : vector<1x16x64xf32> to vector<16x64xf32>
    %add3A_173 = arith.addf %add3A_170, %squeeze3A_172 : vector<16x64xf32>
    %slice3A_174 = vector.extract_strided_slice %get3A_2 {offsets = [23, 0, 0], sizes = [1, 16, 64], strides = [1, 1, 1]} : vector<32x16x64xf32> to vector<1x16x64xf32>
    %squeeze3A_175 = vector.shape_cast %slice3A_174 : vector<1x16x64xf32> to vector<16x64xf32>
    %add3A_176 = arith.addf %add3A_173, %squeeze3A_175 : vector<16x64xf32>
    %slice3A_177 = vector.extract_strided_slice %add3A_176 {offsets = [0, 0], sizes = [16, 32], strides = [1, 1]} : vector<16x64xf32> to vector<16x32xf32>
    %slice3A_178 = vector.extract_strided_slice %add3A_176 {offsets = [0, 32], sizes = [16, 1], strides = [1, 1]} : vector<16x64xf32> to vector<16x1xf32>
    %slice3A_179 = vector.extract_strided_slice %add3A_176 {offsets = [0, 33], sizes = [16, 1], strides = [1, 1]} : vector<16x64xf32> to vector<16x1xf32>
    %max3A_180 = arith.constant 1.000000e+00 : f32
    %max3A_181 = vector.broadcast %max3A_180 : f32 to vector<16x1xf32>
    %max3A_182 = arith.maximumf %slice3A_179, %max3A_181 : vector<16x1xf32>
    %div3A_183 = vector.broadcast %max3A_182 : vector<16x1xf32> to vector<16x32xf32>
    %div3A_184 = arith.divf %slice3A_177, %div3A_183 : vector<16x32xf32>
    %swap3A_185 = arith.constant 2 : index
    %swap3A_186 = arith.constant 0 : index
    %swap3A_187 = arith.constant 0 : index
    %swap3A_188 = vector.load %arg5[%swap3A_185, %swap3A_186, %swap3A_187] : memref<4x16x32xf32, #tpu.memory_space<vmem>>, vector<1x16x32xf32>
    %swap3A_189 = vector.shape_cast %swap3A_188 : vector<1x16x32xf32> to vector<16x32xf32>
    %swap3A_190 = vector.shape_cast %div3A_184 : vector<16x32xf32> to vector<1x16x32xf32>
    tpu.vector_store %arg5[%swap3A_185, %swap3A_186, %swap3A_187], %swap3A_190 {strides = array<i32>} : memref<4x16x32xf32, #tpu.memory_space<vmem>>, vector<1x16x32xf32>,
    %mul3A_191 = arith.mulf %div3A_184, %div3A_184 : vector<16x32xf32>
    %reduce_sum3A_192 = arith.constant dense<0.000000e+00> : vector<16xf32>
    %reduce_sum3A_193 = vector.multi_reduction <add>, %mul3A_191, %reduce_sum3A_192 [1] : vector<16x32xf32> to vector<16xf32>
    %broadcast_in_dim3A_194 = vector.shape_cast %reduce_sum3A_193 : vector<16xf32> to vector<16x1xf32>
    %mul3A_195 = arith.mulf %max3A_182, %broadcast_in_dim3A_194 : vector<16x1xf32>
    %sub3A_196 = arith.subf %slice3A_178, %mul3A_195 : vector<16x1xf32>
    %mul3A_197 = arith.constant 3.200000e+01 : f32
    %mul3A_198 = vector.broadcast %mul3A_197 : f32 to vector<16x1xf32>
    %mul3A_199 = arith.mulf %mul3A_198, %max3A_182 : vector<16x1xf32>
    %div3A_200 = arith.divf %sub3A_196, %mul3A_199 : vector<16x1xf32>
    %sub3A_201 = arith.constant 2.000000e-01 : f32
    %sub3A_202 = vector.broadcast %sub3A_201 : f32 to vector<16x1xf32>
    %sub3A_203 = arith.subf %div3A_200, %sub3A_202 : vector<16x1xf32>
    %max3A_204 = arith.constant 0.000000e+00 : f32
    %max3A_205 = vector.broadcast %max3A_204 : f32 to vector<16x1xf32>
    %max3A_206 = arith.maximumf %sub3A_203, %max3A_205 : vector<16x1xf32>
    %add3A_207 = arith.addf %add3A_129, %max3A_206 : vector<16x1xf32>
    %add3A_208 = arith.constant 9.99999996E-13 : f32
    %add3A_209 = vector.broadcast %add3A_208 : f32 to vector<16x1xf32>
    %add3A_210 = arith.addf %broadcast_in_dim3A_194, %add3A_209 : vector<16x1xf32>
    %sqrt3A_211 = math.sqrt %add3A_210 : vector<16x1xf32>
    %add3A_212 = arith.addf %add3A_134, %sqrt3A_211 : vector<16x1xf32>
    %broadcast_in_dim3A_213 = vector.shape_cast %div3A_184 : vector<16x32xf32> to vector<16x1x32xf32>
    %broadcast_in_dim3A_214 = vector.shape_cast %div3A_184 : vector<16x32xf32> to vector<1x16x32xf32>
    %sub3A_215 = vector.broadcast %broadcast_in_dim3A_213 : vector<16x1x32xf32> to vector<16x16x32xf32>
    %sub3A_216 = vector.broadcast %broadcast_in_dim3A_214 : vector<1x16x32xf32> to vector<16x16x32xf32>
    %sub3A_217 = arith.subf %sub3A_215, %sub3A_216 : vector<16x16x32xf32>
    %mul3A_218 = arith.mulf %sub3A_217, %sub3A_217 : vector<16x16x32xf32>
    %reduce_sum3A_219 = arith.constant dense<0.000000e+00> : vector<16x16xf32>
    %reduce_sum3A_220 = vector.multi_reduction <add>, %mul3A_218, %reduce_sum3A_219 [2] : vector<16x16x32xf32> to vector<16x16xf32>
    %add3A_221 = arith.constant 9.99999996E-13 : f32
    %add3A_222 = vector.broadcast %add3A_221 : f32 to vector<16x16xf32>
    %add3A_223 = arith.addf %reduce_sum3A_220, %add3A_222 : vector<16x16xf32>
    %sqrt3A_224 = math.sqrt %add3A_223 : vector<16x16xf32>
    %sub3A_225 = arith.constant 4.000000e-01 : f32
    %sub3A_226 = vector.broadcast %sub3A_225 : f32 to vector<16x16xf32>
    %sub3A_227 = arith.subf %sub3A_226, %sqrt3A_224 : vector<16x16xf32>
    %max3A_228 = arith.constant 0.000000e+00 : f32
    %max3A_229 = vector.broadcast %max3A_228 : f32 to vector<16x16xf32>
    %max3A_230 = arith.maximumf %sub3A_227, %max3A_229 : vector<16x16xf32>
    %add3A_231 = arith.addf %add3A_153, %max3A_230 : vector<16x16xf32>
    %slice3A_232 = vector.extract_strided_slice %get3A_2 {offsets = [24, 0, 0], sizes = [1, 16, 64], strides = [1, 1, 1]} : vector<32x16x64xf32> to vector<1x16x64xf32>
    %squeeze3A_233 = vector.shape_cast %slice3A_232 : vector<1x16x64xf32> to vector<16x64xf32>
    %slice3A_234 = vector.extract_strided_slice %get3A_2 {offsets = [25, 0, 0], sizes = [1, 16, 64], strides = [1, 1, 1]} : vector<32x16x64xf32> to vector<1x16x64xf32>
    %squeeze3A_235 = vector.shape_cast %slice3A_234 : vector<1x16x64xf32> to vector<16x64xf32>
    %add3A_236 = arith.addf %squeeze3A_233, %squeeze3A_235 : vector<16x64xf32>
    %slice3A_237 = vector.extract_strided_slice %get3A_2 {offsets = [26, 0, 0], sizes = [1, 16, 64], strides = [1, 1, 1]} : vector<32x16x64xf32> to vector<1x16x64xf32>
    %squeeze3A_238 = vector.shape_cast %slice3A_237 : vector<1x16x64xf32> to vector<16x64xf32>
    %add3A_239 = arith.addf %add3A_236, %squeeze3A_238 : vector<16x64xf32>
    %slice3A_240 = vector.extract_strided_slice %get3A_2 {offsets = [27, 0, 0], sizes = [1, 16, 64], strides = [1, 1, 1]} : vector<32x16x64xf32> to vector<1x16x64xf32>
    %squeeze3A_241 = vector.shape_cast %slice3A_240 : vector<1x16x64xf32> to vector<16x64xf32>
    %add3A_242 = arith.addf %add3A_239, %squeeze3A_241 : vector<16x64xf32>
    %slice3A_243 = vector.extract_strided_slice %get3A_2 {offsets = [28, 0, 0], sizes = [1, 16, 64], strides = [1, 1, 1]} : vector<32x16x64xf32> to vector<1x16x64xf32>
    %squeeze3A_244 = vector.shape_cast %slice3A_243 : vector<1x16x64xf32> to vector<16x64xf32>
    %add3A_245 = arith.addf %add3A_242, %squeeze3A_244 : vector<16x64xf32>
    %slice3A_246 = vector.extract_strided_slice %get3A_2 {offsets = [29, 0, 0], sizes = [1, 16, 64], strides = [1, 1, 1]} : vector<32x16x64xf32> to vector<1x16x64xf32>
    %squeeze3A_247 = vector.shape_cast %slice3A_246 : vector<1x16x64xf32> to vector<16x64xf32>
    %add3A_248 = arith.addf %add3A_245, %squeeze3A_247 : vector<16x64xf32>
    %slice3A_249 = vector.extract_strided_slice %get3A_2 {offsets = [30, 0, 0], sizes = [1, 16, 64], strides = [1, 1, 1]} : vector<32x16x64xf32> to vector<1x16x64xf32>
    %squeeze3A_250 = vector.shape_cast %slice3A_249 : vector<1x16x64xf32> to vector<16x64xf32>
    %add3A_251 = arith.addf %add3A_248, %squeeze3A_250 : vector<16x64xf32>
    %slice3A_252 = vector.extract_strided_slice %get3A_2 {offsets = [31, 0, 0], sizes = [1, 16, 64], strides = [1, 1, 1]} : vector<32x16x64xf32> to vector<1x16x64xf32>
    %squeeze3A_253 = vector.shape_cast %slice3A_252 : vector<1x16x64xf32> to vector<16x64xf32>
    %add3A_254 = arith.addf %add3A_251, %squeeze3A_253 : vector<16x64xf32>
    %slice3A_255 = vector.extract_strided_slice %add3A_254 {offsets = [0, 0], sizes = [16, 32], strides = [1, 1]} : vector<16x64xf32> to vector<16x32xf32>
    %slice3A_256 = vector.extract_strided_slice %add3A_254 {offsets = [0, 32], sizes = [16, 1], strides = [1, 1]} : vector<16x64xf32> to vector<16x1xf32>
    %slice3A_257 = vector.extract_strided_slice %add3A_254 {offsets = [0, 33], sizes = [16, 1], strides = [1, 1]} : vector<16x64xf32> to vector<16x1xf32>
    %max3A_258 = arith.constant 1.000000e+00 : f32
    %max3A_259 = vector.broadcast %max3A_258 : f32 to vector<16x1xf32>
    %max3A_260 = arith.maximumf %slice3A_257, %max3A_259 : vector<16x1xf32>
    %div3A_261 = vector.broadcast %max3A_260 : vector<16x1xf32> to vector<16x32xf32>
    %div3A_262 = arith.divf %slice3A_255, %div3A_261 : vector<16x32xf32>
    %swap3A_263 = arith.constant 3 : index
    %swap3A_264 = arith.constant 0 : index
    %swap3A_265 = arith.constant 0 : index
    %swap3A_266 = vector.load %arg5[%swap3A_263, %swap3A_264, %swap3A_265] : memref<4x16x32xf32, #tpu.memory_space<vmem>>, vector<1x16x32xf32>
    %swap3A_267 = vector.shape_cast %swap3A_266 : vector<1x16x32xf32> to vector<16x32xf32>
    %swap3A_268 = vector.shape_cast %div3A_262 : vector<16x32xf32> to vector<1x16x32xf32>
    tpu.vector_store %arg5[%swap3A_263, %swap3A_264, %swap3A_265], %swap3A_268 {strides = array<i32>} : memref<4x16x32xf32, #tpu.memory_space<vmem>>, vector<1x16x32xf32>,
    %mul3A_269 = arith.mulf %div3A_262, %div3A_262 : vector<16x32xf32>
    %reduce_sum3A_270 = arith.constant dense<0.000000e+00> : vector<16xf32>
    %reduce_sum3A_271 = vector.multi_reduction <add>, %mul3A_269, %reduce_sum3A_270 [1] : vector<16x32xf32> to vector<16xf32>
    %broadcast_in_dim3A_272 = vector.shape_cast %reduce_sum3A_271 : vector<16xf32> to vector<16x1xf32>
    %mul3A_273 = arith.mulf %max3A_260, %broadcast_in_dim3A_272 : vector<16x1xf32>
    %sub3A_274 = arith.subf %slice3A_256, %mul3A_273 : vector<16x1xf32>
    %mul3A_275 = arith.constant 3.200000e+01 : f32
    %mul3A_276 = vector.broadcast %mul3A_275 : f32 to vector<16x1xf32>
    %mul3A_277 = arith.mulf %mul3A_276, %max3A_260 : vector<16x1xf32>
    %div3A_278 = arith.divf %sub3A_274, %mul3A_277 : vector<16x1xf32>
    %sub3A_279 = arith.constant 2.000000e-01 : f32
    %sub3A_280 = vector.broadcast %sub3A_279 : f32 to vector<16x1xf32>
    %sub3A_281 = arith.subf %div3A_278, %sub3A_280 : vector<16x1xf32>
    %max3A_282 = arith.constant 0.000000e+00 : f32
    %max3A_283 = vector.broadcast %max3A_282 : f32 to vector<16x1xf32>
    %max3A_284 = arith.maximumf %sub3A_281, %max3A_283 : vector<16x1xf32>
    %add3A_285 = arith.addf %add3A_207, %max3A_284 : vector<16x1xf32>
    %add3A_286 = arith.constant 9.99999996E-13 : f32
    %add3A_287 = vector.broadcast %add3A_286 : f32 to vector<16x1xf32>
    %add3A_288 = arith.addf %broadcast_in_dim3A_272, %add3A_287 : vector<16x1xf32>
    %sqrt3A_289 = math.sqrt %add3A_288 : vector<16x1xf32>
    %add3A_290 = arith.addf %add3A_212, %sqrt3A_289 : vector<16x1xf32>
    %broadcast_in_dim3A_291 = vector.shape_cast %div3A_262 : vector<16x32xf32> to vector<16x1x32xf32>
    %broadcast_in_dim3A_292 = vector.shape_cast %div3A_262 : vector<16x32xf32> to vector<1x16x32xf32>
    %sub3A_293 = vector.broadcast %broadcast_in_dim3A_291 : vector<16x1x32xf32> to vector<16x16x32xf32>
    %sub3A_294 = vector.broadcast %broadcast_in_dim3A_292 : vector<1x16x32xf32> to vector<16x16x32xf32>
    %sub3A_295 = arith.subf %sub3A_293, %sub3A_294 : vector<16x16x32xf32>
    %mul3A_296 = arith.mulf %sub3A_295, %sub3A_295 : vector<16x16x32xf32>
    %reduce_sum3A_297 = arith.constant dense<0.000000e+00> : vector<16x16xf32>
    %reduce_sum3A_298 = vector.multi_reduction <add>, %mul3A_296, %reduce_sum3A_297 [2] : vector<16x16x32xf32> to vector<16x16xf32>
    %add3A_299 = arith.constant 9.99999996E-13 : f32
    %add3A_300 = vector.broadcast %add3A_299 : f32 to vector<16x16xf32>
    %add3A_301 = arith.addf %reduce_sum3A_298, %add3A_300 : vector<16x16xf32>
    %sqrt3A_302 = math.sqrt %add3A_301 : vector<16x16xf32>
    %sub3A_303 = arith.constant 4.000000e-01 : f32
    %sub3A_304 = vector.broadcast %sub3A_303 : f32 to vector<16x16xf32>
    %sub3A_305 = arith.subf %sub3A_304, %sqrt3A_302 : vector<16x16xf32>
    %max3A_306 = arith.constant 0.000000e+00 : f32
    %max3A_307 = vector.broadcast %max3A_306 : f32 to vector<16x16xf32>
    %max3A_308 = arith.maximumf %sub3A_305, %max3A_307 : vector<16x16xf32>
    %add3A_309 = arith.addf %add3A_231, %max3A_308 : vector<16x16xf32>
    %reduce_sum3A_310 = vector.shape_cast %add3A_285 : vector<16x1xf32> to vector<1x16x1xf32>
    %reduce_sum3A_311 = arith.constant dense<0.000000e+00> : vector<1xf32>
    %reduce_sum3A_312 = vector.multi_reduction <add>, %reduce_sum3A_310, %reduce_sum3A_311 [1, 2] : vector<1x16x1xf32> to vector<1xf32>
    %reduce_sum3A_313 = vector.shape_cast %reduce_sum3A_312 : vector<1xf32> to vector<1x1x1xf32>
    %reduce_sum3A_314 = vector.extract %reduce_sum3A_313[0, 0, 0] : f32 from vector<1x1x1xf32>
    %div3A_315 = arith.constant 6.400000e+01 : f32
    %div3A_316 = arith.divf %reduce_sum3A_314, %div3A_315 : f32
    %reduce_sum3A_317 = vector.shape_cast %add3A_290 : vector<16x1xf32> to vector<1x16x1xf32>
    %reduce_sum3A_318 = arith.constant dense<0.000000e+00> : vector<1xf32>
    %reduce_sum3A_319 = vector.multi_reduction <add>, %reduce_sum3A_317, %reduce_sum3A_318 [1, 2] : vector<1x16x1xf32> to vector<1xf32>
    %reduce_sum3A_320 = vector.shape_cast %reduce_sum3A_319 : vector<1xf32> to vector<1x1x1xf32>
    %reduce_sum3A_321 = vector.extract %reduce_sum3A_320[0, 0, 0] : f32 from vector<1x1x1xf32>
    %div3A_322 = arith.constant 6.400000e+01 : f32
    %div3A_323 = arith.divf %reduce_sum3A_321, %div3A_322 : f32
    %iota3A = tpu.iota {dimensions = array<i32: 0>} : vector<16x16xi32>
    %iota3A_324 = tpu.iota {dimensions = array<i32: 1>} : vector<16x16xi32>
    %add3A_325 = arith.constant 1 : i32
    %add3A_326 = vector.broadcast %add3A_325 : i32 to vector<16x16xi32>
    %add3A_327 = arith.addi %iota3A_324, %add3A_326 : vector<16x16xi32>
    %eq3A = arith.cmpi eq, %iota3A, %add3A_327 : vector<16x16xi32>
    %convert_element_type3A = arith.extui %eq3A : vector<16x16xi1> to vector<16x16xi32>
    %convert_element_type3A_328 = arith.sitofp %convert_element_type3A : vector<16x16xi32> to vector<16x16xf32>
    %dot_general3A = arith.constant dense<0.000000e+00> : vector<16x16xf32>
    %dot_general3A_329 = tpu.matmul %add3A_309, %convert_element_type3A_328, %dot_general3A {dimension_numbers = #tpu.dot_dimension_numbers<[1], [0], [0], [1], [0, 0, 1, 1], [], []>, transpose_lhs_hint = false} : vector<16x16xf32>, vector<16x16xf32>, vector<16x16xf32> -> vector<16x16xf32>
    %gt3A = arith.cmpi sgt, %iota3A, %iota3A_324 : vector<16x16xi32>
    %convert_element_type3A_330 = arith.extui %gt3A : vector<16x16xi1> to vector<16x16xi32>
    %convert_element_type3A_331 = arith.sitofp %convert_element_type3A_330 : vector<16x16xi32> to vector<16x16xf32>
    %le3A = arith.cmpi sle, %iota3A, %iota3A_324 : vector<16x16xi32>
    %convert_element_type3A_332 = arith.extui %le3A : vector<16x16xi1> to vector<16x16xi32>
    %convert_element_type3A_333 = arith.sitofp %convert_element_type3A_332 : vector<16x16xi32> to vector<16x16xf32>
    %mul3A_334 = arith.mulf %add3A_309, %convert_element_type3A_331 : vector<16x16xf32>
    %mul3A_335 = arith.mulf %dot_general3A_329, %convert_element_type3A_333 : vector<16x16xf32>
    %add3A_336 = arith.addf %mul3A_334, %mul3A_335 : vector<16x16xf32>
    %reduce_sum3A_337 = arith.constant dense<0.000000e+00> : vector<16xf32>
    %reduce_sum3A_338 = vector.multi_reduction <add>, %add3A_336, %reduce_sum3A_337 [0] : vector<16x16xf32> to vector<16xf32>
    %broadcast_in_dim3A_339 = vector.shape_cast %reduce_sum3A_338 : vector<16xf32> to vector<1x16xf32>
    %div3A_340 = arith.constant 6.400000e+01 : f32
    %div3A_341 = vector.broadcast %div3A_340 : f32 to vector<1x16xf32>
    %div3A_342 = arith.divf %broadcast_in_dim3A_339, %div3A_341 : vector<1x16xf32>
    %reshape3A = vector.broadcast %div3A_316 : f32 to vector<1x1xf32>
    %swap3A_343 = arith.constant 0 : index
    %swap3A_344 = arith.constant 0 : index
    %swap3A_345 = vector.load %arg1[%swap3A_343, %swap3A_344] : memref<1x1xf32, #tpu.memory_space<vmem>>, vector<1x1xf32>
    tpu.vector_store %arg1[%swap3A_343, %swap3A_344], %reshape3A {strides = array<i32>} : memref<1x1xf32, #tpu.memory_space<vmem>>, vector<1x1xf32>,
    %reshape3A_346 = vector.broadcast %div3A_323 : f32 to vector<1x1xf32>
    %swap3A_347 = arith.constant 0 : index
    %swap3A_348 = arith.constant 0 : index
    %swap3A_349 = vector.load %arg3[%swap3A_347, %swap3A_348] : memref<1x1xf32, #tpu.memory_space<vmem>>, vector<1x1xf32>
    tpu.vector_store %arg3[%swap3A_347, %swap3A_348], %reshape3A_346 {strides = array<i32>} : memref<1x1xf32, #tpu.memory_space<vmem>>, vector<1x1xf32>,
    %swap3A_350 = arith.constant 0 : index
    %swap3A_351 = arith.constant 0 : index
    %swap3A_352 = vector.load %arg2[%swap3A_350, %swap3A_351] : memref<1x16xf32, #tpu.memory_space<vmem>>, vector<1x16xf32>
    tpu.vector_store %arg2[%swap3A_350, %swap3A_351], %div3A_342 {strides = array<i32>} : memref<1x16xf32, #tpu.memory_space<vmem>>, vector<1x16xf32>,
    %mul3A_353 = arith.constant 1.000000e+00 : f32
    %mul3A_354 = arith.mulf %mul3A_353, %div3A_316 : f32
    %mul3A_355 = arith.constant 1.000000e+00 : f32
    %mul3A_356 = vector.broadcast %mul3A_355 : f32 to vector<1x16xf32>
    %mul3A_357 = arith.mulf %mul3A_356, %div3A_342 : vector<1x16xf32>
    %add3A_358 = vector.broadcast %mul3A_354 : f32 to vector<1x16xf32>
    %add3A_359 = arith.addf %add3A_358, %mul3A_357 : vector<1x16xf32>
    %mul3A_360 = arith.constant 1.000000e-03 : f32
    %mul3A_361 = arith.mulf %mul3A_360, %div3A_323 : f32
    %add3A_362 = vector.broadcast %mul3A_361 : f32 to vector<1x16xf32>
    %add3A_363 = arith.addf %add3A_359, %add3A_362 : vector<1x16xf32>
    %swap3A_364 = arith.constant 0 : index
    %swap3A_365 = arith.constant 0 : index
    %swap3A_366 = vector.load %arg4[%swap3A_364, %swap3A_365] : memref<1x16xf32, #tpu.memory_space<vmem>>, vector<1x16xf32>
    tpu.vector_store %arg4[%swap3A_364, %swap3A_365], %add3A_363 {strides = array<i32>} : memref<1x16xf32, #tpu.memory_space<vmem>>, vector<1x16xf32>,
    return
  }
}

</mosaic_0001>

<sc_bundles>
// kernel: kernel.4.cloned.1.call-start
scs
__scs_entry_jumppad:
0x0: {  	(pc) =	sbr.rel $0x88, $3  }
0x1: {  	(tag) =	ssettag $0x0;
	lr =	simm.s32 $0x1  }
0x2: {  	[smem:$0x3F9F] =	sst lr;
	_ =	strace $0xD0000000  }
0x3: {  	_ = 	snop  }
0x4: {  	_ = 	snop  }
0x5: {  	_ = 	snop  }
0x6: {  	_ = 	snop  }
0x7: {  	_ = 	snop  }
__scs_overlays_trampoline_lowered:
0x8: {  	[smem:$0x3FAE] =	sst s0  }
0x9: {  	[smem:$0x3FAF] =	sst s1  }
0xa: {  	[smem:$0x3FB0] =	sst s2  }
0xb: {  	[smem:$0x3FB1] =	sst s3  }
0xc: {  	[smem:$0x3FB2] =	sst s4  }
0xd: {  	[smem:$0x3FB3] =	sst s5  }
0xe: {  	[smem:$0x3FB4] =	sst s6  }
0xf: {  	[smem:$0x3FB5] =	sst s7  }
0x10: {  	[smem:$0x3FB6] =	sst s8  }
0x11: {  	[smem:$0x3FB7] =	sst s9;
	s0 =	simm.s32 @!p0 $0x0  }
0x12: {  	s1 =	sld [smem:$0x3F9D];
	s0 =	simm.s32 @p0 $0x1  }
0x13: {  	[smem:$0x3FB8] =	sst s0;
	s0 =	simm.s32 @!p1 $0x0  }
0x14: {  	s2 =	sld [smem:$0x3F9C];
	s0 =	simm.s32 @p1 $0x1  }
0x15: {  	[smem:$0x3FB9] =	sst s0;
	s0 =	simm.s32 @!p2 $0x0  }
0x16: {  	s3 =	sld [smem:$0x3FDB];
	s0 =	simm.s32 @p2 $0x1  }
0x17: {  	s4 =	simm.s32 $0x1BF5;
	[smem:$0x3FBB] =	sst s0  }
0x18: {  	s0 =	sld [smem:$0x3F9E];
	_ =	swait.ge [sflag:s4], $0x0  }
0x19: {  	s7 =	sld [smem:$0x3F9F]  }
0x1a: {  	s8 =	sadd.s32 $0xFFFFE003, lr  }
0x1b: {  	s9 =	sadd.s32 $0xFFFFFEF7, lr;
	s5 =	simm.s32 $0xFFFFFFFF;
	p2 =	slt.u32 s8, $0xFFFFF086  }
0x1c: {  	p1 =	slt.u32 s9, $0xF7A;
	s5 =	simm.s32 @!p2 $0x0  }
0x1d: {  	s5 =	simm.s32 @p1 $0x1;
	p0 =	seq.s32 s7, s2  }
0x1e: {  	s7 =	smul.u32 @!p0 $0xF7A, s2;
	p2 =	seq.s32 @!p0 s5, $0x0  }
0x1f: {  	s9 =	smul.u32 $0xF7A, s1;
	s8 =	simm.s32 @!p0 $0x1BF5;
	p2 =	por !p2, p0  }
0x20: {  	[sflag:s8] =	ssyncset.s32 @!p0 $0xFFFFF086;
	s6 =	sadd.s32 @!p0 s3, s7;
	s7 =	simm.s32 @!p0 $0x108  }
0x21: {  	s3 =	sadd.s32 s3, s9;
	s6 =	sadd.s32 @!p0 $0x88, s6;
	s7 =	simm.s32 @p2 $0x1082  }
0x22: {  	[simem:s7], [sflag:s8] =	dma.local @!p0 [hbm:s6], $0xF7A  }
0x23: {  	s9 =	sor.u32 $0xD0000000, s2;
	s6 =	simm.s32 $0x108;
	_ =	swait.ge @!p0 [sflag:s8], $0x0  }
0x24: {  	s3 =	sadd.s32 $0x88, s3;
	s6 =	simm.s32 @!p1 $0x1082;
	[sflag:s4] =	ssyncset.s32 $0xFFFFF086  }
0x25: {  	[simem:s6], [sflag:s4] =	dma.local [hbm:s3], $0xF7A  }
0x26: {  	[smem:$0x3F9F] =	sst s1;
	(tag) =	ssettag s2;
	_ =	strace s9  }
0x27: {  	s1 =	sld [smem:$0x3FAF]  }
0x28: {  	s2 =	sld [smem:$0x3FB0]  }
0x29: {  	s4 =	sld [smem:$0x3FB2]  }
0x2a: {  	p0 =	seq.s32 s5, $0x0;
	s5 =	sld [smem:$0x3FB3]  }
0x2b: {  	s6 =	sld [smem:$0x3FB4]  }
0x2c: {  	s7 =	sld [smem:$0x3FB5]  }
0x2d: {  	s3 =	simm.s32 $0x108;
	s8 =	sld [smem:$0x3FB6]  }
0x2e: {  	s3 =	simm.s32 @!p0 $0x1082;
	s9 =	sld [smem:$0x3FB7]  }
0x2f: {  	lr =	sadd.s32 s0, s3;
	s0 =	sld [smem:$0x3FAE]  }
0x30: {  	s3 =	sld [smem:$0x3FB1]  }
0x31: {  	[smem:$0x3FBA] =	sst s10  }
0x32: {  	s10 =	sld [smem:$0x3FB8];
	_ =	sdelay $0x3  }
0x33: {  	p0 =	seq.s32 s10, $0x1;
	s10 =	sld [smem:$0x3FBA];
	_ =	sdelay $0x3  }
0x34: {  	[smem:$0x3FBA] =	sst s10  }
0x35: {  	s10 =	sld [smem:$0x3FB9];
	_ =	sdelay $0x3  }
0x36: {  	p1 =	seq.s32 s10, $0x1;
	s10 =	sld [smem:$0x3FBA];
	_ =	sdelay $0x3  }
0x37: {  	[smem:$0x3FBA] =	sst s10  }
0x38: {  	s10 =	sld [smem:$0x3FBB]  }
0x39: {  	_ = 	snop;
	(pc) =	sbr.ind lr, $3  }
0x3a: {  	_ = 	snop  }
0x3b: {  	_ = 	snop  }
0x3c: {  	p2 =	seq.s32 s10, $0x1;
	s10 =	sld [smem:$0x3FBA]  }
0x3d: {  	_ =	shalt  }
0x3e: {  	_ =	shalt  }
0x3f: {  	_ =	shalt  }
0x40: {  	_ =	shalt  }
0x41: {  	_ =	shalt  }
0x42: {  	_ =	shalt  }
0x43: {  	_ =	shalt  }
0x44: {  	_ =	shalt  }
0x45: {  	_ =	shalt  }
0x46: {  	_ =	shalt  }
0x47: {  	_ =	shalt  }
0x48: {  	_ =	shalt  }
0x49: {  	_ =	shalt  }
0x4a: {  	_ =	shalt  }
0x4b: {  	_ =	shalt  }
0x4c: {  	_ =	shalt  }
0x4d: {  	_ =	shalt  }
0x4e: {  	_ =	shalt  }
0x4f: {  	_ =	shalt  }
0x50: {  	_ =	shalt  }
0x51: {  	_ =	shalt  }
0x52: {  	_ =	shalt  }
0x53: {  	_ =	shalt  }
0x54: {  	_ =	shalt  }
0x55: {  	_ =	shalt  }
0x56: {  	_ =	shalt  }
0x57: {  	_ =	shalt  }
0x58: {  	_ =	shalt  }
0x59: {  	_ =	shalt  }
0x5a: {  	_ =	shalt  }
0x5b: {  	_ =	shalt  }
0x5c: {  	_ =	shalt  }
0x5d: {  	_ =	shalt  }
0x5e: {  	_ =	shalt  }
0x5f: {  	_ =	shalt  }
0x60: {  	_ =	shalt  }
0x61: {  	_ =	shalt  }
0x62: {  	_ =	shalt  }
0x63: {  	_ =	shalt  }
0x64: {  	_ =	shalt  }
0x65: {  	_ =	shalt  }
0x66: {  	_ =	shalt  }
0x67: {  	_ =	shalt  }
0x68: {  	_ =	shalt  }
0x69: {  	_ =	shalt  }
0x6a: {  	_ =	shalt  }
0x6b: {  	_ =	shalt  }
0x6c: {  	_ =	shalt  }
0x6d: {  	_ =	shalt  }
0x6e: {  	_ =	shalt  }
0x6f: {  	_ =	shalt  }
0x70: {  	_ =	shalt  }
0x71: {  	_ =	shalt  }
0x72: {  	_ =	shalt  }
0x73: {  	_ =	shalt  }
0x74: {  	_ =	shalt  }
0x75: {  	_ =	shalt  }
0x76: {  	_ =	shalt  }
0x77: {  	_ =	shalt  }
0x78: {  	_ =	shalt  }
0x79: {  	_ =	shalt  }
0x7a: {  	_ =	shalt  }
0x7b: {  	_ =	shalt  }
0x7c: {  	_ =	shalt  }
0x7d: {  	_ =	shalt  }
0x7e: {  	_ =	shalt  }
0x7f: {  	_ =	shalt  }
0x80: {  	_ =	shalt  }
0x81: {  	_ =	shalt  }
0x82: {  	_ =	shalt  }
0x83: {  	_ =	shalt  }
0x84: {  	_ =	shalt  }
0x85: {  	_ =	shalt  }
0x86: {  	_ =	shalt  }
0x87: {  	_ =	shalt  }
.Lfunc_end0:
.L_simem_size_0:
called_computation_lowered:
.L_overlay_start_0:
0x88: {  	s2 =	sld [smem:$0x3FD9]  }
0x89: {  	s3 =	sld [smem:$0x3FFE];
	_ =	sdelay $0x1  }
0x8a: {  	s1 =	srdreg.scid  }
0x8b: {  	s0 =	sand.u32 $0x1, s1  }
0x8c: {  	s17 =	sshll.u32 s0, $0xA;
	s2 =	sadd.s32 s3, s2  }
0x8d: {  	s2 =	sadd.s32 s2, s17  }
0x8e: {  	[smem:$0x3FC6] =	sst s2  }
0x8f: {  	_ = 	snop  }
0x90: {  	s2 =	sld [smem:$0x3FC9]  }
0x91: {  	s18 =	sld [smem:$0x3FC8];
	(tm) =	ssettm $0x1  }
0x92: {  	s4 =	sld [smem:$0x3FFB];
	_ =	sdelay $0x3  }
0x93: {  	_ =	strace s4  }
0x94: {  	s4 =	sld [smem:$0x3FFC];
	_ =	sdelay $0x3  }
0x95: {  	_ =	strace s4  }
0x96: {  	s4 =	sld [smem:$0x3FFD];
	_ =	sdelay $0x3  }
0x97: {  	_ =	strace s4  }
0x98: {  	_ =	strace $0x8FFFFFFF  }
0x99: {  	s19 =	sld [smem:$0x3FDB];
	_ =	sdelay $0x1  }
0x9a: {  	s5 =	simm.s32 $_scs_section_size  }
0x9b: {  	s6 =	simm.s32 $_size__tile_overlayer_lowered;
	s7 =	simm.s32 $_tile_overlayer_lowered  }
0x9c: {  	s22 =	simm.s32 $0x1BFF;
	s21 =	sshll.u32 s7, $0x1;
	s4 =	sadd.s32 s5, s19  }
0x9d: {  	s8 =	simm.s32 $0x0;
	s20 =	sshll.u32 s6, $0x1;
	s6 =	sadd.s32 s21, s4  }
0x9e: {  	[timem:s8], [sflag:s22] =	dma.local [hbm:s6], s20  }
0x9f: {  	_ =	swait.ge [sflag:s22], s20  }
0xa0: {  	s5 =	ssub.s32 $0x0, s20;
	[sflag:s22] =	ssyncset.done $0x0  }
0xa1: {  	[sflag:s22] =	ssyncadd.s32 s5;
	_ =	sdelay $0x1  }
0xa2: {  	s23 =	simm.s32 $0x1B8B  }
0xa3: {  	_ =	swait.ge [sflag:s23], $0x1  }
0xa4: {  	[sflag:s23] =	ssyncset.done $0x0  }
0xa5: {  	s25 =	simm.s32 $0x1B8E;
	s24 =	sld [smem:$0x3FFE];
	[sflag:s23] =	ssyncadd.s32 $0xFFFFFFFF  }
0xa6: {  	s26 =	simm.s32 $execute0_lowered;
	[smem:$0x3FD2] =	sst s25  }
0xa7: {  	s6 =	sshll.u32 s26, $0x1;
	_ =	strace $0x80000046;
	[dreg:$0x1] =	wrdreg $0xFFFFFFFF  }
0xa8: {  	s28 =	simm.s32 $_size_execute0_lowered;
	s4 =	sadd.s32 s4, s6;
	[dreg:$0x0] =	wrdreg $0x0  }
0xa9: {  	s6 =	sshll.u32 s28, $0x1;
	[dreg:$0x2] =	wrdreg s4  }
0xaa: {  	[dreg:$0x3] =	wrdreg s6  }
0xab: {  	[dreg:$0x4] =	wrdreg $0xC0  }
0xac: {  	_ =	task [dreg:s8], $0x5FFFF  }
0xad: {  	[dreg:$0x1] =	wrdreg $0xFFFFFFFF  }
0xae: {  	[dreg:$0x0] =	wrdreg $0x60  }
0xaf: {  	[dreg:$0x2] =	wrdreg s2  }
0xb0: {  	[dreg:$0x3] =	wrdreg s18  }
0xb1: {  	[dreg:$0x4] =	wrdreg s24  }
0xb2: {  	[dreg:$0x5] =	wrdreg $0x9  }
0xb3: {  	_ =	task.clear_ibuf [dreg:s8], $0x6FFFF;
	_ =	strace $0x90000046  }
0xb4: {  	s29 =	simm.s32 $0x9;
	_ =	strace $0x80000048  }
0xb5: {  	_ =	swait.ge [sflag:s29], $0x1  }
0xb6: {  	[sflag:s29] =	ssyncadd.s32 $0xFFFFFFFF  }
0xb7: {  	_ =	strace $0x90000048  }
0xb8: {  	_ =	sfence  }
0xb9: {  	s30 =	sld [smem:$0x0];
	_ =	sdelay $0x2  }
0xba: {  	s31 =	sshll.u32 s1, $0xD;
	s1 =	sshrl.u32 s1, $0x2  }
0xbb: {  	s3 =	sand.u32 $0x4000, s31;
	s1 =	sadd.s32 s1, s30  }
0xbc: {  	s0 =	sor.u32 s3, s0;
	s1 =	sshll.u32 s1, $0x11  }
0xbd: {  	s0 =	sor.u32 s1, s0  }
0xbe: {  	s0 =	sadd.s32 $0x8F2B, s0  }
0xbf: {  	[sflag:s0] =	ssyncadd.remote.s32 $0x1  }
0xc0: {  	_ =	sfence.sel $0xFFFF  }
0xc1: {  	[dreg:$0x0] =	wrdreg $0xFFFFFFFF;
	(pc) =	sbr.abs _section_cstart, $3  }
0xc2: {  	[dreg:$0x1] =	wrdreg $0xFFFFFFFF  }
0xc3: {  	_ =	task.clear_ibuf [dreg:s8], $0x2FFFF;
	_ =	strace $0x9FFFFFFF  }
0xc4: {  	(tm) =	ssettm $0x7FFFFFFF  }
0xc5: {  	_ =	shalt  }
tec
execute0_lowered:
.L_overlay_start_1:
0x0: {  	(tag) =	ssettag $0x1  }
0x1: {  	s5 =	rddreg [dreg:$0x0]  }
0x2: {  	s6 =	rddreg [dreg:$0x1]  }
0x3: {  	s0 =	rddreg [dreg:$0x2]  }
0x4: {  	s4 =	simm.s32 $0x0;
	s1 =	srdreg.scid;
	s7 =	stileid.u32  }
0x5: {  	[smem:$0x7FF] =	sst s4;
	s1 =	sand.u32 $0x1, s1;
	s2 =	sshll.u32 s7, $0x1  }
0x6: {  	s7 =	sshrl.u32 s7, $0x2;
	_ =	strace $0x80000047;
	s2 =	sor.u32 s1, s2  }
0x7: {  	s8 =	sshll.u32 s7, $0x17;
	s7 =	sshll.u32 s7, $0x12;
	s1 =	ssub.s32 $0x2, s1  }
0x8: {  	s3 =	sshll.u32 s2, $0x7;
	s2 =	sshll.u32 s2, $0xF;
	[dreg:$0x4] =	wrdreg s8  }
0x9: {  	[dreg:$0x6] =	wrdreg s7;
	s29 =	sshrl.u32 s1, $0x1;
	s9 =	sand.u32 $0x38000, s2  }
0xa: {  	s0 =	sadd.s32 s3, s0;
	s1 =	ssub.s32 s1, s29;
	s2 =	sor.u32 s8, s9  }
0xb: {  	[dreg:$0x5] =	wrdreg s9;
	s28 =	sor.u32 s7, s9;
	s0 =	sadd.s32 $0x800, s0  }
0xc: {  	s31 =	smax.u32 s1, $0x1;
	s2 =	sshrl.u32 s2, $0x3;
	[dreg:$0xb] =	wrdreg s0  }
0xd: {  	s3 =	sshrl.u32 s28, $0x3;
	[dreg:$0xc] =	wrdreg s31;
	s2 =	sadd.s32 s5, s2  }
0xe: {  	s3 =	sadd.s32 s6, s3;
	[dreg:$0x7] =	wrdreg s2  }
0xf: {  	s2 =	sadd.s32 $0x80, s2;
	[dreg:$0x8] =	wrdreg s3  }
0x10: {  	v0 =	vlaneseq.u32;
	s30 =	sadd.s32 $0x80, s3;
	[dreg:$0x9] =	wrdreg s2  }
0x11: {  	v1 =	vimm.f32 $0.0e+00;
	v2 =	vimm.f32 $1.000000000e+00;
	v0 =	vmul.u32 $0x401, v0;
	[dreg:$0xa] =	wrdreg s30;
	s2 =	simm.s32 $0x0  }
.LBB2_1:
0x12: {  	_ = 	snop  }
0x13: {  	[dreg:$0xd] =	wrdreg s2;
	s0 =	simm.s32 $0x40;
	s1 =	simm.s32 $0x0;
	[tilespmem:$0x4480] =	vst v0  }
.LBB2_2:
0x14: {  	p0 =	sne.s32 s0, $0x101C0;
	[tilespmem:s1+$0x0] =	vst v1;
	s1 =	smov.u32 s0;
	s0 =	sadd.s32 $0x40, s0  }
.Ltmp0:
0x15: {  	(pc) =	sbr.rel @p0 .LBB2_2-.Ltmp0, $2  }
0x16: {  	_ =	sdelay $0x2  }
0x17: {  	s1 =	sshra.s32 s1, $0x2  }
0x18: {  	s0 =	rddreg [dreg:$0x7];
	s23 =	simm.s32 $0x400  }
0x19: {  	[tilespmem:s1+$0x0] =	vst v1;
	s2 =	simm.s32 $0x40000;
	s3 =	simm.s32 $0x4500;
	s24 =	rddreg [dreg:$0x8]  }
0x1a: {  	[tilespmem:s3], [sflag:$0x1] =	stream.strided.gather [hbm4b:s0+s23], $0x8000, s2, s23, $0x38;
	[tilespmem:$0x14D00] =	vst v63  }
0x1b: {  	s5 =	simm.s32 $0x0;
	s25 =	simm.s32 $0x14500;
	s26 =	rddreg [dreg:$0x9]  }
0x1c: {  	[tilespmem:s25], [sflag:$0x2] =	stream.linear.gather [hbm4b:s24+s5], $0x400, $0x38;
	[tilespmem:$0x14D00] =	vst v63  }
0x1d: {  	s28 =	simm.s32 $0xC500;
	s29 =	rddreg [dreg:$0xa];
	s31 =	simm.s32 $0x0  }
0x1e: {  	[tilespmem:s28], [sflag:$0x3] =	stream.strided.gather [hbm4b:s26+s23], $0x8000, s2, s23, $0x38;
	[tilespmem:$0x14D00] =	vst v63  }
0x1f: {  	s30 =	simm.s32 $0x14900;
	[dreg:$0xe] =	wrdreg s31  }
0x20: {  	[tilespmem:s30], [sflag:$0x4] =	stream.linear.gather [hbm4b:s29+s5], $0x400, $0x38;
	[tilespmem:$0x14D00] =	vst v63  }
.LBB2_4:
0x21: {  	s0 =	simm.s32 $0x1  }
0x22: {  	_ =	swait.ge [sflag:s0], $0x8000  }
0x23: {  	[sflag:s0] =	ssyncset.done $0x0  }
0x24: {  	s19 =	simm.s32 $0x2;
	[sflag:s0] =	ssyncadd.s32 $0xFFFF8000  }
0x25: {  	_ =	swait.ge [sflag:s19], $0x400  }
0x26: {  	s20 =	simm.s32 $0x0;
	[sflag:s19] =	ssyncset.done $0x0  }
0x27: {  	s1 =	simm.s32 $0x14500;
	s3 =	sand.u32 $0x380, s20;
	[sflag:s19] =	ssyncadd.s32 $0xFFFFFC00  }
0x28: {  	s21 =	sadd.s32 $0x5100, s3;
	s0 =	sand.u32 $0x60, s20;
	v3 =	vld [tilespmem:s1+$0x0]  }
0x29: {  	s9 =	sadd.s32 $0x6500, s3;
	s2 =	sor.u32 s0, s21;
	s8 =	sor.u32 $0x10, s0;
	v8 =	vld [tilespmem:$0x4480]  }
0x2a: {  	s10 =	sadd.s32 $0x5D00, s3;
	s22 =	sor.u32 s8, s9;
	v4 =	vld [tilespmem:s2+$0x0]  }
0x2b: {  	s11 =	sadd.s32 $0x4900, s3;
	s12 =	sor.u32 s0, s10;
	v14 =	vld [tilespmem:s22+$0x0]  }
0x2c: {  	s23 =	sor.u32 s8, s11;
	v6 =	vld [tilespmem:s12+$0x0]  }
0x2d: {  	s24 =	sadd.s32 $0x4D00, s3;
	s25 =	sor.u32 s8, s10;
	v15 =	vld [tilespmem:s23+$0x0]  }
0x2e: {  	s26 =	sadd.s32 $0x6100, s3;
	s13 =	sor.u32 s8, s24;
	v16 =	vld [tilespmem:s25+$0x0]  }
0x2f: {  	s28 =	sadd.s32 $0x5500, s3;
	s14 =	sor.u32 s0, s26;
	v18 =	vld [tilespmem:s13+$0x0]  }
0x30: {  	s29 =	sor.u32 s8, s28;
	v19 =	vld [tilespmem:s14+$0x0]  }
0x31: {  	s9 =	sor.u32 s0, s9;
	v12 =	vld [tilespmem:s29+$0x0]  }
0x32: {  	s5 =	sor.u32 s3, s8;
	v7 =	vld [tilespmem:s9+$0x0]  }
0x33: {  	v9 =	vld [tilespmem:s5+$0x14500]  }
0x34: {  	s6 =	simm.s32 $0x4500;
	v13 =	vld [tilespmem:s5+$0x4500]  }
0x35: {  	s15 =	sor.u32 s0, s28;
	v31 =	vld [tilespmem:s6+$0x0]  }
0x36: {  	s16 =	sor.u32 s0, s24;
	v28 =	vld [tilespmem:s15+$0x0]  }
0x37: {  	s7 =	sadd.s32 $0x5900, s3;
	s17 =	sor.u32 s0, s11;
	v32 =	vld [tilespmem:s16+$0x0];
	v3 =	vshll.u32 v3, $0x6  }
0x38: {  	s20 =	sor.u32 s8, s7;
	v30 =	vld [tilespmem:s17+$0x0];
	v5 =	vadd.s32 v3, v8  }
0x39: {  	s1 =	sor.u32 s8, s21;
	v35 =	vld [tilespmem:s20+$0x0];
	v3 =	vshll.u32 v9, $0x6  }
0x3a: {  	s14 =	sor.u32 s0, s7;
	v17 =	vld [tilespmem:s1+$0x0];
	v3 =	vadd.s32 v8, v3  }
0x3b: {  	s21 =	sor.u32 s8, s26;
	v26 =	vld [tilespmem:s14+$0x0];
	v8 =	vadd.s32 $0x1, v5  }
0x3c: {  	s18 =	sadd.s32 $0x6900, s3;
	v33 =	vld [tilespmem:s21+$0x0]  }
0x3d: {  	s19 =	sor.u32 s0, s18;
	v9 =	vadd.s32 $0x1, v3;
	[tilespmem:v5+s4+$0x0] =	vst.idx.add.f32.msk $0xffff, v31  }
0x3e: {  	v20 =	vld [tilespmem:s19+$0x0]  }
0x3f: {  	v11 =	vadd.s32 $0x2, v5;
	[tilespmem:v3+s4+$0x0] =	vst.idx.add.f32.msk $0xffff, v13  }
0x40: {  	s22 =	sor.u32 s8, s18;
	[tilespmem:v8+s4+$0x0] =	vst.idx.add.f32.msk $0xffff, v30  }
0x41: {  	s23 =	sadd.s32 $0x6D00, s3;
	v10 =	vadd.s32 $0x2, v3;
	v34 =	vld [tilespmem:s22+$0x0]  }
0x42: {  	s1 =	sor.u32 s0, s23;
	[tilespmem:v9+s4+$0x0] =	vst.idx.add.f32.msk $0xffff, v15  }
0x43: {  	v23 =	vld [tilespmem:s1+$0x0]  }
0x44: {  	s24 =	sor.u32 s8, s23;
	v8 =	vadd.s32 $0x3, v5;
	[tilespmem:v11+s4+$0x0] =	vst.idx.add.f32.msk $0xffff, v32  }
0x45: {  	s25 =	sadd.s32 $0x7100, s3;
	v36 =	vld [tilespmem:s24+$0x0]  }
0x46: {  	v9 =	vadd.s32 $0x3, v3;
	s1 =	sor.u32 s0, s25;
	[tilespmem:v10+s4+$0x0] =	vst.idx.add.f32.msk $0xffff, v18  }
0x47: {  	s26 =	sor.u32 s8, s25;
	v51 =	vadd.s32 $0x4, v5;
	v24 =	vld [tilespmem:s1+$0x0]  }
0x48: {  	s28 =	sadd.s32 $0x7500, s3;
	v37 =	vld [tilespmem:s26+$0x0]  }
0x49: {  	s29 =	sor.u32 s0, s28;
	v10 =	vadd.s32 $0x4, v3;
	[tilespmem:v8+s4+$0x0] =	vst.idx.add.f32.msk $0xffff, v4  }
0x4a: {  	v22 =	vld [tilespmem:s29+$0x0]  }
0x4b: {  	v8 =	vadd.s32 $0x5, v3;
	[tilespmem:v9+s4+$0x0] =	vst.idx.add.f32.msk $0xffff, v17  }
0x4c: {  	s2 =	sor.u32 s8, s28;
	[tilespmem:v51+s4+$0x0] =	vst.idx.add.f32.msk $0xffff, v28  }
0x4d: {  	s24 =	sadd.s32 $0x7900, s3;
	v9 =	vadd.s32 $0x6, v3;
	v38 =	vld [tilespmem:s2+$0x0]  }
0x4e: {  	s5 =	sor.u32 s8, s24;
	[tilespmem:v10+s4+$0x0] =	vst.idx.add.f32.msk $0xffff, v12  }
0x4f: {  	s23 =	sadd.s32 $0x7D00, s3;
	v10 =	vadd.s32 $0x7, v3;
	v39 =	vld [tilespmem:s5+$0x0]  }
0x50: {  	s6 =	sor.u32 s8, s23;
	[tilespmem:v8+s4+$0x0] =	vst.idx.add.f32.msk $0xffff, v35  }
0x51: {  	s22 =	sadd.s32 $0x8100, s3;
	v8 =	vadd.s32 $0x8, v3;
	v40 =	vld [tilespmem:s6+$0x0]  }
0x52: {  	s7 =	sor.u32 s8, s22;
	[tilespmem:v9+s4+$0x0] =	vst.idx.add.f32.msk $0xffff, v16  }
0x53: {  	s21 =	sadd.s32 $0x8500, s3;
	v9 =	vadd.s32 $0x9, v3;
	v41 =	vld [tilespmem:s7+$0x0]  }
0x54: {  	s9 =	sor.u32 s8, s21;
	[tilespmem:v10+s4+$0x0] =	vst.idx.add.f32.msk $0xffff, v33  }
0x55: {  	s20 =	sadd.s32 $0x8900, s3;
	v10 =	vadd.s32 $0xA, v3;
	v42 =	vld [tilespmem:s9+$0x0]  }
0x56: {  	s10 =	sor.u32 s8, s20;
	[tilespmem:v8+s4+$0x0] =	vst.idx.add.f32.msk $0xffff, v14  }
0x57: {  	s19 =	sadd.s32 $0x8D00, s3;
	v8 =	vadd.s32 $0xB, v3;
	v27 =	vld [tilespmem:s10+$0x0]  }
0x58: {  	s11 =	sor.u32 s8, s19;
	[tilespmem:v9+s4+$0x0] =	vst.idx.add.f32.msk $0xffff, v34  }
0x59: {  	s18 =	sadd.s32 $0x9100, s3;
	v9 =	vadd.s32 $0xC, v3;
	v43 =	vld [tilespmem:s11+$0x0]  }
0x5a: {  	s12 =	sor.u32 s8, s18;
	[tilespmem:v10+s4+$0x0] =	vst.idx.add.f32.msk $0xffff, v36  }
0x5b: {  	s17 =	sadd.s32 $0x9500, s3;
	v10 =	vadd.s32 $0xD, v3;
	v44 =	vld [tilespmem:s12+$0x0]  }
0x5c: {  	s13 =	sor.u32 s8, s17;
	[tilespmem:v8+s4+$0x0] =	vst.idx.add.f32.msk $0xffff, v37  }
0x5d: {  	s16 =	sadd.s32 $0x9900, s3;
	v8 =	vadd.s32 $0xE, v3;
	v45 =	vld [tilespmem:s13+$0x0]  }
0x5e: {  	s14 =	sor.u32 s8, s16;
	[tilespmem:v9+s4+$0x0] =	vst.idx.add.f32.msk $0xffff, v38  }
0x5f: {  	s15 =	sadd.s32 $0x9D00, s3;
	v9 =	vadd.s32 $0xF, v3;
	v29 =	vld [tilespmem:s14+$0x0]  }
0x60: {  	s25 =	sor.u32 s8, s15;
	[tilespmem:v10+s4+$0x0] =	vst.idx.add.f32.msk $0xffff, v39  }
0x61: {  	s14 =	sadd.s32 $0xA100, s3;
	v10 =	vadd.s32 $0x10, v3;
	v46 =	vld [tilespmem:s25+$0x0]  }
0x62: {  	s26 =	sor.u32 s8, s14;
	[tilespmem:v8+s4+$0x0] =	vst.idx.add.f32.msk $0xffff, v40  }
0x63: {  	v11 =	vadd.s32 $0x11, v3;
	s13 =	sadd.s32 $0xA500, s3;
	v25 =	vld [tilespmem:s26+$0x0]  }
0x64: {  	s28 =	sor.u32 s8, s13;
	[tilespmem:v9+s4+$0x0] =	vst.idx.add.f32.msk $0xffff, v41  }
0x65: {  	v47 =	vadd.s32 $0x12, v3;
	s12 =	sadd.s32 $0xA900, s3;
	v21 =	vld [tilespmem:s28+$0x0]  }
0x66: {  	s29 =	sor.u32 s8, s12;
	[tilespmem:v10+s4+$0x0] =	vst.idx.add.f32.msk $0xffff, v42  }
0x67: {  	v48 =	vadd.s32 $0x13, v3;
	s11 =	sadd.s32 $0xAD00, s3;
	v8 =	vld [tilespmem:s29+$0x0]  }
0x68: {  	s2 =	sor.u32 s8, s11;
	[tilespmem:v11+s4+$0x0] =	vst.idx.add.f32.msk $0xffff, v27  }
0x69: {  	v54 =	vadd.s32 $0x5, v5;
	s10 =	sadd.s32 $0xB100, s3;
	v9 =	vld [tilespmem:s2+$0x0]  }
0x6a: {  	s5 =	sor.u32 s8, s10;
	[tilespmem:v47+s4+$0x0] =	vst.idx.add.f32.msk $0xffff, v43  }
0x6b: {  	v49 =	vadd.s32 $0x14, v3;
	v10 =	vld [tilespmem:s5+$0x0]  }
0x6c: {  	s26 =	sor.u32 s0, s24;
	[tilespmem:v48+s4+$0x0] =	vst.idx.add.f32.msk $0xffff, v44  }
0x6d: {  	v55 =	vadd.s32 $0x6, v5;
	s9 =	sadd.s32 $0xB500, s3;
	v48 =	vld [tilespmem:s26+$0x0]  }
0x6e: {  	s6 =	sor.u32 s8, s9;
	[tilespmem:v54+s4+$0x0] =	vst.idx.add.f32.msk $0xffff, v26  }
0x6f: {  	v59 =	vmul.f32 v31, v31;
	v53 =	vmul.f32 v28, v28;
	v56 =	vadd.s32 $0x15, v3;
	v11 =	vld [tilespmem:s6+$0x0]  }
0x70: {  	v60 =	vadd.s32 $0x7, v5;
	s28 =	sor.u32 s0, s23;
	[tilespmem:v49+s4+$0x0] =	vst.idx.add.f32.msk $0xffff, v45  }
0x71: {  	v31 =	vmul.f32 v32, v32;
	v32 =	vmul.f32 v30, v30;
	v30 =	vadd.f32 v53, v59;
	s1 =	sadd.s32 $0xB900, s3;
	v53 =	vld [tilespmem:s28+$0x0]  }
0x72: {  	v50 =	vmul.f32 v19, v19;
	s25 =	sor.u32 s8, s1;
	[tilespmem:v55+s4+$0x0] =	vst.idx.add.f32.msk $0xffff, v6  }
0x73: {  	v58 =	vmul.f32 v12, v12;
	v61 =	vmul.f32 v26, v26;
	v57 =	vadd.s32 $0x16, v3;
	v12 =	vld [tilespmem:s25+$0x0]  }
0x74: {  	v52 =	vmul.f32 v13, v13;
	v62 =	vadd.s32 $0x8, v5;
	v15 =	vmul.f32 v15, v15;
	s29 =	sor.u32 s0, s22;
	[tilespmem:v56+s4+$0x0] =	vst.idx.add.f32.msk $0xffff, v29  }
0x75: {  	v18 =	vmul.f32 v18, v18;
	v32 =	vadd.f32 v61, v32;
	v4 =	vmul.f32 v4, v4;
	s2 =	sadd.s32 $0xBD00, s3;
	v55 =	vld [tilespmem:s29+$0x0]  }
0x76: {  	v28 =	vmul.f32 v23, v23;
	v17 =	vmul.f32 v17, v17;
	s7 =	sor.u32 s8, s2;
	[tilespmem:v60+s4+$0x0] =	vst.idx.add.f32.msk $0xffff, v19  }
0x77: {  	v50 =	vadd.f32 v50, v4;
	v35 =	vmul.f32 v35, v35;
	v16 =	vmul.f32 v16, v16;
	v13 =	vld [tilespmem:s7+$0x0]  }
0x78: {  	v63 =	vmul.f32 v24, v24;
	v33 =	vmul.f32 v33, v33;
	s5 =	sor.u32 s0, s21;
	v56 =	vadd.s32 $0x9, v5;
	[tilespmem:v57+s4+$0x0] =	vst.idx.add.f32.msk $0xffff, v46  }
0x79: {  	v15 =	vadd.f32 v35, v15;
	v16 =	vadd.f32 v16, v18;
	v34 =	vmul.f32 v34, v34;
	s3 =	sadd.s32 $0xC100, s3;
	v19 =	vld [tilespmem:s5+$0x0]  }
0x7a: {  	v59 =	vadd.s32 $0xA, v5;
	v17 =	vadd.f32 v33, v17;
	v47 =	vmul.f32 v20, v20;
	s8 =	sor.u32 s8, s3;
	[tilespmem:v62+s4+$0x0] =	vst.idx.add.f32.msk $0xffff, v7  }
0x7b: {  	v36 =	vmul.f32 v36, v36;
	v15 =	vadd.f32 v34, v15;
	v37 =	vmul.f32 v37, v37;
	s6 =	sor.u32 s0, s20;
	v4 =	vld [tilespmem:s8+$0x0]  }
0x7c: {  	v39 =	vmul.f32 v39, v39;
	v32 =	vadd.f32 v47, v32;
	v60 =	vadd.s32 $0xB, v5;
	v47 =	vld [tilespmem:s6+$0x0]  }
0x7d: {  	v61 =	vadd.s32 $0xC, v5;
	v14 =	vmul.f32 v14, v14;
	v16 =	vadd.f32 v36, v16;
	s7 =	sor.u32 s0, s19;
	[tilespmem:v56+s4+$0x0] =	vst.idx.add.f32.msk $0xffff, v20  }
0x7e: {  	v38 =	vmul.f32 v38, v38;
	v17 =	vadd.f32 v37, v17;
	v15 =	vadd.f32 v39, v15;
	v20 =	vld [tilespmem:s7+$0x0]  }
0x7f: {  	s18 =	sor.u32 s0, s18;
	v40 =	vmul.f32 v40, v40;
	v41 =	vmul.f32 v41, v41;
	[tilespmem:v59+s4+$0x0] =	vst.idx.add.f32.msk $0xffff, v23  }
0x80: {  	v42 =	vmul.f32 v42, v42;
	v26 =	vadd.f32 v63, v50;
	v63 =	vadd.s32 $0xD, v5;
	v23 =	vld [tilespmem:s18+$0x0]  }
0x81: {  	v16 =	vadd.f32 v40, v16;
	v27 =	vmul.f32 v27, v27;
	s19 =	sor.u32 s0, s17;
	[tilespmem:v60+s4+$0x0] =	vst.idx.add.f32.msk $0xffff, v24  }
0x82: {  	v17 =	vadd.f32 v41, v17;
	v43 =	vmul.f32 v43, v43;
	v50 =	vadd.s32 $0xE, v5;
	v24 =	vld [tilespmem:s19+$0x0]  }
0x83: {  	v44 =	vmul.f32 v44, v44;
	v15 =	vadd.f32 v27, v15;
	s20 =	sor.u32 s0, s16;
	[tilespmem:v61+s4+$0x0] =	vst.idx.add.f32.msk $0xffff, v22  }
0x84: {  	v49 =	vadd.f32 v58, v52;
	v52 =	vmul.f32 v22, v22;
	v57 =	vadd.s32 $0xF, v5;
	v18 =	vld [tilespmem:s20+$0x0]  }
0x85: {  	s21 =	sor.u32 s0, s15;
	v45 =	vmul.f32 v45, v45;
	v54 =	vmul.f32 v25, v25;
	v58 =	vadd.s32 $0x10, v5;
	[tilespmem:v63+s4+$0x0] =	vst.idx.add.f32.msk $0xffff, v48  }
0x86: {  	v16 =	vadd.f32 v43, v16;
	v6 =	vmul.f32 v6, v6;
	v17 =	vadd.f32 v44, v17;
	v36 =	vld [tilespmem:s21+$0x0]  }
0x87: {  	s22 =	sor.u32 s0, s14;
	v46 =	vmul.f32 v46, v46;
	v62 =	vadd.f32 v14, v49;
	[tilespmem:v50+s4+$0x0] =	vst.idx.add.f32.msk $0xffff, v53  }
0x88: {  	v14 =	vmul.f32 v21, v21;
	v59 =	vmul.f32 v29, v29;
	v60 =	vadd.s32 $0x11, v5;
	v29 =	vld [tilespmem:s22+$0x0]  }
0x89: {  	s23 =	sor.u32 s0, s13;
	v51 =	vmul.f32 v8, v8;
	v7 =	vmul.f32 v7, v7;
	v61 =	vadd.s32 $0x17, v3;
	[tilespmem:v57+s4+$0x0] =	vst.idx.add.f32.msk $0xffff, v55  }
0x8a: {  	v6 =	vadd.f32 v6, v31;
	v37 =	vmul.f32 v9, v9;
	v17 =	vadd.f32 v54, v17;
	v27 =	vld [tilespmem:s23+$0x0]  }
0x8b: {  	s24 =	sor.u32 s0, s12;
	v33 =	vmul.f32 v10, v10;
	v56 =	vadd.f32 v38, v62;
	v63 =	vadd.s32 $0x12, v5;
	[tilespmem:v58+s4+$0x0] =	vst.idx.add.f32.msk $0xffff, v19  }
0x8c: {  	v16 =	vadd.f32 v46, v16;
	v54 =	vmul.f32 v48, v48;
	v7 =	vadd.f32 v7, v30;
	v38 =	vld [tilespmem:s24+$0x0]  }
0x8d: {  	v6 =	vadd.f32 v28, v6;
	v22 =	vadd.f32 v42, v56;
	v56 =	vadd.s32 $0x13, v5;
	[tilespmem:v60+s4+$0x0] =	vst.idx.add.f32.msk $0xffff, v47  }
0x8e: {  	s25 =	sor.u32 s0, s11;
	v35 =	vmul.f32 v11, v11;
	v44 =	vmul.f32 v53, v53;
	[tilespmem:v61+s4+$0x0] =	vst.idx.add.f32.msk $0xffff, v25  }
0x8f: {  	v62 =	vmul.f32 v12, v12;
	v32 =	vadd.f32 v54, v32;
	v58 =	vadd.s32 $0x18, v3;
	v39 =	vld [tilespmem:s25+$0x0]  }
0x90: {  	s26 =	sor.u32 s0, s10;
	v7 =	vadd.f32 v52, v7;
	v15 =	vadd.f32 v59, v15;
	v61 =	vadd.s32 $0x14, v5;
	[tilespmem:v63+s4+$0x0] =	vst.idx.add.f32.msk $0xffff, v20  }
0x91: {  	v6 =	vadd.f32 v44, v6;
	v59 =	vmul.f32 v47, v47;
	v60 =	vmul.f32 v20, v20;
	v20 =	vld [tilespmem:s26+$0x0]  }
0x92: {  	s28 =	sor.u32 s0, s9;
	v22 =	vadd.f32 v45, v22;
	v15 =	vadd.f32 v51, v15;
	v63 =	vadd.s32 $0x15, v5;
	[tilespmem:v56+s4+$0x0] =	vst.idx.add.f32.msk $0xffff, v23  }
0x93: {  	v32 =	vadd.f32 v59, v32;
	v57 =	vmul.f32 v55, v55;
	v47 =	vmul.f32 v23, v23;
	v23 =	vld [tilespmem:s28+$0x0]  }
0x94: {  	v53 =	vadd.s32 $0x16, v5;
	v15 =	vadd.f32 v62, v15;
	v19 =	vmul.f32 v19, v19;
	[tilespmem:v58+s4+$0x0] =	vst.idx.add.f32.msk $0xffff, v21  }
0x95: {  	s1 =	sor.u32 s0, s1;
	v59 =	vadd.s32 $0x19, v5;
	v41 =	vmul.f32 v24, v24;
	v26 =	vadd.f32 v57, v26;
	[tilespmem:v61+s4+$0x0] =	vst.idx.add.f32.msk $0xffff, v24  }
0x96: {  	v57 =	vadd.s32 $0x18, v5;
	v62 =	vmul.f32 v18, v18;
	v7 =	vadd.f32 v19, v7;
	v30 =	vld [tilespmem:s1+$0x0]  }
0x97: {  	s29 =	sor.u32 s0, s2;
	v45 =	vmul.f32 v36, v36;
	v56 =	vadd.s32 $0x17, v5;
	v6 =	vadd.f32 v60, v6;
	[tilespmem:v63+s4+$0x0] =	vst.idx.add.f32.msk $0xffff, v18  }
0x98: {  	v26 =	vadd.f32 v47, v26;
	v49 =	vmul.f32 v29, v29;
	v32 =	vadd.f32 v62, v32;
	v19 =	vld [tilespmem:s29+$0x0]  }
0x99: {  	s0 =	sor.u32 s0, s3;
	v60 =	vadd.s32 $0x1A, v5;
	v7 =	vadd.f32 v41, v7;
	v21 =	vmul.f32 v27, v27;
	[tilespmem:v53+s4+$0x0] =	vst.idx.add.f32.msk $0xffff, v36  }
0x9a: {  	v6 =	vadd.f32 v45, v6;
	v54 =	vmul.f32 v38, v38;
	v26 =	vadd.f32 v49, v26;
	v62 =	vld [tilespmem:s0+$0x0]  }
0x9b: {  	v55 =	vmul.f32 v39, v39;
	v63 =	vadd.s32 $0x1B, v5;
	v7 =	vadd.f32 v21, v7  }
0x9c: {  	v46 =	vadd.s32 $0x1C, v5;
	v58 =	vmul.f32 v20, v20;
	v28 =	vadd.f32 v54, v32;
	[tilespmem:v56+s4+$0x0] =	vst.idx.add.f32.msk $0xffff, v29  }
0x9d: {  	v61 =	vmul.f32 v23, v23;
	v6 =	vadd.f32 v55, v6;
	v55 =	vadd.s32 $0x19, v3;
	[tilespmem:v57+s4+$0x0] =	vst.idx.add.f32.msk $0xffff, v27  }
0x9e: {  	v48 =	vadd.s32 $0x1D, v5;
	v53 =	vadd.f32 v58, v26;
	[tilespmem:v59+s4+$0x0] =	vst.idx.add.f32.msk $0xffff, v38;
	v47 =	vmul.f32 v30, v30  }
0x9f: {  	v57 =	vadd.s32 $0x1A, v3;
	[tilespmem:v60+s4+$0x0] =	vst.idx.add.f32.msk $0xffff, v39;
	v50 =	vmul.f32 v19, v19;
	v54 =	vmul.f32 v62, v62  }
0xa0: {  	v51 =	vadd.s32 $0x1E, v5;
	v7 =	vadd.f32 v61, v7;
	[tilespmem:v63+s4+$0x0] =	vst.idx.add.f32.msk $0xffff, v20;
	v56 =	vadd.f32 v47, v28  }
0xa1: {  	v59 =	vadd.s32 $0x1B, v3;
	[tilespmem:v46+s4+$0x0] =	vst.idx.add.f32.msk $0xffff, v23;
	v6 =	vadd.f32 v50, v6;
	v58 =	vadd.f32 v54, v53  }
0xa2: {  	v52 =	vadd.s32 $0x1F, v5;
	v16 =	vadd.f32 v37, v16;
	v17 =	vadd.f32 v33, v17;
	[tilespmem:v55+s4+$0x0] =	vst.idx.add.f32.msk $0xffff, v8  }
0xa3: {  	v8 =	vadd.s32 $0x1C, v3;
	[tilespmem:v48+s4+$0x0] =	vst.idx.add.f32.msk $0xffff, v30;
	v7 =	vadd.f32 v56, v7;
	v6 =	vadd.f32 v58, v6  }
0xa4: {  	v42 =	vmul.f32 v13, v13;
	v14 =	vadd.f32 v14, v22;
	v60 =	vadd.s32 $0x20, v5;
	[tilespmem:v57+s4+$0x0] =	vst.idx.add.f32.msk $0xffff, v9  }
0xa5: {  	v61 =	vmul.f32 v4, v4;
	[tilespmem:v51+s4+$0x0] =	vst.idx.add.f32.msk $0xffff, v19;
	v6 =	vadd.f32 v6, v7;
	v7 =	vadd.s32 $0x1D, v3  }
0xa6: {  	v14 =	vadd.f32 v35, v14;
	[tilespmem:v59+s4+$0x0] =	vst.idx.add.f32.msk $0xffff, v10  }
0xa7: {  	v5 =	vadd.s32 $0x21, v5;
	v9 =	vadd.f32 v42, v16;
	[tilespmem:v52+s4+$0x0] =	vst.idx.add.f32.msk $0xffff, v62;
	v62 =	vadd.f32 v61, v17  }
0xa8: {  	v63 =	vadd.s32 $0x1E, v3;
	[tilespmem:v8+s4+$0x0] =	vst.idx.add.f32.msk $0xffff, v11  }
0xa9: {  	v9 =	vadd.f32 v62, v9;
	[tilespmem:v60+s4+$0x0] =	vst.idx.add.f32.msk $0xffff, v6;
	v6 =	vadd.f32 v15, v14  }
0xaa: {  	[tilespmem:v7+s4+$0x0] =	vst.idx.add.f32.msk $0xffff, v12;
	v7 =	vadd.s32 $0x1F, v3  }
0xab: {  	v10 =	vadd.f32 v9, v6;
	v6 =	vadd.s32 $0x20, v3  }
0xac: {  	s30 =	simm.s32 $0x0;
	[tilespmem:v5+s4+$0x0] =	vst.idx.add.f32.msk $0xffff, v2;
	v3 =	vadd.s32 $0x21, v3  }
0xad: {  	s31 =	simm.s32 $0x14520;
	s3 =	simm.s32 $0x20;
	s0 =	simm.s32 $0x4520;
	[tilespmem:v63+s4+$0x0] =	vst.idx.add.f32.msk $0xffff, v13  }
.LBB2_5:
0xae: {  	s17 =	sand.u32 $0x60, s3;
	s24 =	sand.u32 $0x380, s3;
	v5 =	vld [tilespmem:s31+$0x0];
	s30 =	sadd.s32 $0x2, s30  }
0xaf: {  	s13 =	sadd.s32 $0x6100, s24;
	s8 =	sadd.s32 $0x7500, s24;
	s2 =	sadd.s32 $0x7900, s24;
	[tilespmem:v7+s4+$0x0] =	vst.idx.add.f32.msk $0xffff, v4  }
0xb0: {  	s1 =	sadd.s32 $0x4900, s24;
	s9 =	sadd.s32 $0x5500, s24;
	s15 =	sadd.s32 $0x7D00, s24;
	[tilespmem:v6+s4+$0x0] =	vst.idx.add.f32.msk $0xffff, v10  }
0xb1: {  	s14 =	sadd.s32 $0x5100, s24;
	s11 =	sadd.s32 $0x5D00, s24;
	s16 =	sor.u32 s17, s15;
	[tilespmem:v3+s4+$0x0] =	vst.idx.add.f32.msk $0xffff, v2  }
0xb2: {  	s21 =	sadd.s32 $0x5900, s24;
	s22 =	sadd.s32 $0x6500, s24;
	s12 =	sor.u32 s17, s14;
	v8 =	vld [tilespmem:$0x4480]  }
0xb3: {  	s23 =	sadd.s32 $0x4D00, s24;
	s10 =	sor.u32 $0x10, s17;
	s18 =	sor.u32 s17, s9  }
0xb4: {  	s20 =	sor.u32 s17, s23;
	s25 =	sor.u32 s17, s21;
	v12 =	vld [tilespmem:s12+$0x0];
	s12 =	sor.u32 s10, s22  }
0xb5: {  	s19 =	sor.u32 s17, s1;
	s26 =	sor.u32 s17, s11;
	s28 =	sor.u32 s10, s1;
	v4 =	vld [tilespmem:s12+$0x0]  }
0xb6: {  	s5 =	sadd.s32 $0x7100, s24;
	s23 =	sor.u32 s10, s23;
	v3 =	vshll.u32 v5, $0x6;
	v6 =	vld [tilespmem:s26+$0x0];
	s26 =	sadd.s32 $0x6D00, s24  }
0xb7: {  	s1 =	sor.u32 s17, s5;
	v3 =	vadd.s32 v3, v8;
	s12 =	sor.u32 s17, s26;
	v21 =	vld [tilespmem:s28+$0x0];
	s28 =	sor.u32 s10, s11  }
0xb8: {  	s7 =	sor.u32 s17, s13;
	s6 =	sor.u32 s10, s9;
	s11 =	sor.u32 s17, s2;
	v13 =	vadd.s32 $0x3, v3;
	v10 =	vadd.s32 $0x6, v3;
	v22 =	vld [tilespmem:s28+$0x0]  }
0xb9: {  	s22 =	sor.u32 s17, s22;
	s28 =	sadd.s32 $0x6900, s24;
	v25 =	vld [tilespmem:s23+$0x0];
	s23 =	sor.u32 s10, s14  }
0xba: {  	s9 =	sor.u32 s17, s8;
	s29 =	sor.u32 s24, s10;
	v11 =	vld [tilespmem:s7+$0x0];
	s7 =	sor.u32 s17, s28  }
0xbb: {  	s28 =	sor.u32 s10, s28;
	v15 =	vld [tilespmem:s6+$0x0];
	s6 =	sor.u32 s10, s21;
	s21 =	sor.u32 s10, s13  }
0xbc: {  	s14 =	sor.u32 s10, s5;
	s13 =	sor.u32 s10, s8;
	v7 =	vld [tilespmem:s22+$0x0];
	s22 =	sor.u32 s10, s26  }
0xbd: {  	p0 =	slt.u32 s30, $0x3E;
	s8 =	sor.u32 s10, s2;
	s2 =	sor.u32 s10, s15;
	v30 =	vld [tilespmem:s23+$0x0]  }
0xbe: {  	v5 =	vld [tilespmem:s29+$0x14500]  }
0xbf: {  	v17 =	vld [tilespmem:s29+$0x4500]  }
0xc0: {  	v14 =	vmul.f32 v12, v12;
	v9 =	vld [tilespmem:s0+$0x0]  }
0xc1: {  	v16 =	vld [tilespmem:s25+$0x0]  }
0xc2: {  	v18 =	vld [tilespmem:s18+$0x0]  }
0xc3: {  	v20 =	vmul.f32 v11, v11;
	v23 =	vmul.f32 v15, v15;
	v19 =	vld [tilespmem:s20+$0x0];
	v5 =	vshll.u32 v5, $0x6  }
0xc4: {  	v26 =	vadd.s32 $0x1, v3;
	v24 =	vld [tilespmem:s19+$0x0];
	v5 =	vadd.s32 v8, v5;
	v8 =	vmul.f32 v17, v17  }
0xc5: {  	v33 =	vadd.f32 v20, v14;
	[tilespmem:v3+s4+$0x0] =	vst.idx.add.f32.msk $0xffff, v9  }
0xc6: {  	v20 =	vadd.s32 $0x2, v3;
	v14 =	vld [tilespmem:s7+$0x0];
	v31 =	vadd.f32 v23, v8  }
0xc7: {  	v9 =	vmul.f32 v9, v9;
	v27 =	vadd.s32 $0x1, v5;
	v23 =	vmul.f32 v18, v18;
	v38 =	vld [tilespmem:s6+$0x0]  }
0xc8: {  	v8 =	vmul.f32 v19, v19;
	v40 =	vld [tilespmem:s21+$0x0]  }
0xc9: {  	v39 =	vmul.f32 v24, v24;
	v9 =	vadd.f32 v23, v9;
	[tilespmem:v5+s4+$0x0] =	vst.idx.add.f32.msk $0xffff, v17  }
0xca: {  	v29 =	vadd.s32 $0x4, v3;
	v28 =	vadd.s32 $0x2, v5;
	v23 =	vadd.s32 $0x5, v3;
	v41 =	vld [tilespmem:s28+$0x0]  }
0xcb: {  	[tilespmem:v26+s4+$0x0] =	vst.idx.add.f32.msk $0xffff, v24  }
0xcc: {  	[tilespmem:v27+s4+$0x0] =	vst.idx.add.f32.msk $0xffff, v21;
	v35 =	vmul.f32 v38, v38  }
0xcd: {  	v42 =	vmul.f32 v14, v14;
	v24 =	vadd.s32 $0x3, v5;
	v43 =	vld [tilespmem:s22+$0x0];
	v32 =	vmul.f32 v40, v40  }
0xce: {  	v17 =	vld [tilespmem:s12+$0x0]  }
0xcf: {  	v44 =	vadd.s32 $0x4, v5;
	[tilespmem:v28+s4+$0x0] =	vst.idx.add.f32.msk $0xffff, v25;
	v34 =	vmul.f32 v41, v41  }
0xd0: {  	v28 =	vadd.s32 $0x7, v3;
	[tilespmem:v20+s4+$0x0] =	vst.idx.add.f32.msk $0xffff, v19  }
0xd1: {  	v46 =	vadd.s32 $0x5, v5;
	v45 =	vld [tilespmem:s14+$0x0]  }
0xd2: {  	v26 =	vadd.s32 $0x8, v3;
	v19 =	vld [tilespmem:s1+$0x0];
	v36 =	vmul.f32 v43, v43  }
0xd3: {  	v47 =	vadd.s32 $0x6, v5;
	[tilespmem:v13+s4+$0x0] =	vst.idx.add.f32.msk $0xffff, v12;
	v12 =	vmul.f32 v17, v17  }
0xd4: {  	v27 =	vadd.s32 $0x9, v3;
	v20 =	vld [tilespmem:s9+$0x0]  }
0xd5: {  	v48 =	vadd.s32 $0x7, v5;
	[tilespmem:v24+s4+$0x0] =	vst.idx.add.f32.msk $0xffff, v30  }
0xd6: {  	v24 =	vadd.s32 $0xA, v3;
	v49 =	vld [tilespmem:s13+$0x0];
	v37 =	vmul.f32 v45, v45  }
0xd7: {  	v13 =	vmul.f32 v16, v16;
	v50 =	vmul.f32 v19, v19;
	[tilespmem:v44+s4+$0x0] =	vst.idx.add.f32.msk $0xffff, v15;
	v44 =	vadd.s32 $0x8, v5  }
0xd8: {  	v51 =	vld [tilespmem:s8+$0x0]  }
0xd9: {  	v39 =	vadd.f32 v13, v39;
	v13 =	vadd.f32 v50, v33;
	[tilespmem:v46+s4+$0x0] =	vst.idx.add.f32.msk $0xffff, v38;
	v38 =	vadd.s32 $0x9, v5  }
0xda: {  	s1 =	sadd.s32 $0x8100, s24;
	v15 =	vmul.f32 v20, v20;
	v46 =	vld [tilespmem:s2+$0x0]  }
0xdb: {  	s12 =	sor.u32 s17, s1;
	s1 =	sor.u32 s10, s1;
	v33 =	vadd.f32 v42, v39;
	[tilespmem:v47+s4+$0x0] =	vst.idx.add.f32.msk $0xffff, v22;
	v39 =	vmul.f32 v49, v49  }
0xdc: {  	s2 =	sadd.s32 $0x8500, s24;
	v42 =	vld [tilespmem:s1+$0x0]  }
0xdd: {  	s13 =	sor.u32 s17, s2;
	s1 =	sor.u32 s10, s2;
	[tilespmem:v48+s4+$0x0] =	vst.idx.add.f32.msk $0xffff, v40;
	v40 =	vmul.f32 v51, v51  }
0xde: {  	s2 =	sadd.s32 $0x8900, s24;
	v48 =	vadd.s32 $0xA, v5;
	v47 =	vld [tilespmem:s1+$0x0]  }
0xdf: {  	s8 =	sor.u32 s17, s2;
	s1 =	sor.u32 s10, s2;
	[tilespmem:v44+s4+$0x0] =	vst.idx.add.f32.msk $0xffff, v4;
	v44 =	vmul.f32 v46, v46  }
0xe0: {  	v52 =	vadd.s32 $0xB, v5;
	s2 =	sadd.s32 $0x8D00, s24;
	v50 =	vld [tilespmem:s1+$0x0]  }
0xe1: {  	s9 =	sor.u32 s17, s2;
	s1 =	sor.u32 s10, s2;
	[tilespmem:v38+s4+$0x0] =	vst.idx.add.f32.msk $0xffff, v41;
	v41 =	vmul.f32 v42, v42  }
0xe2: {  	s2 =	sadd.s32 $0x9100, s24;
	v38 =	vadd.s32 $0xC, v5;
	v53 =	vld [tilespmem:s1+$0x0]  }
0xe3: {  	s25 =	sor.u32 s17, s2;
	s1 =	sor.u32 s10, s2;
	[tilespmem:v48+s4+$0x0] =	vst.idx.add.f32.msk $0xffff, v43;
	v43 =	vmul.f32 v47, v47  }
0xe4: {  	v54 =	vadd.s32 $0xD, v5;
	s2 =	sadd.s32 $0x9500, s24;
	v48 =	vld [tilespmem:s1+$0x0]  }
0xe5: {  	s26 =	sor.u32 s17, s2;
	s1 =	sor.u32 s10, s2;
	[tilespmem:v52+s4+$0x0] =	vst.idx.add.f32.msk $0xffff, v45  }
0xe6: {  	s2 =	sadd.s32 $0x9900, s24;
	v52 =	vadd.s32 $0xE, v5;
	v45 =	vld [tilespmem:s1+$0x0]  }
0xe7: {  	s18 =	sor.u32 s17, s2;
	s1 =	sor.u32 s10, s2;
	[tilespmem:v38+s4+$0x0] =	vst.idx.add.f32.msk $0xffff, v49;
	v49 =	vmul.f32 v53, v53  }
0xe8: {  	s2 =	sadd.s32 $0x9D00, s24;
	v38 =	vadd.s32 $0xF, v5;
	v55 =	vld [tilespmem:s1+$0x0]  }
0xe9: {  	s19 =	sor.u32 s17, s2;
	s1 =	sor.u32 s10, s2;
	[tilespmem:v54+s4+$0x0] =	vst.idx.add.f32.msk $0xffff, v51;
	v51 =	vmul.f32 v48, v48  }
0xea: {  	v56 =	vadd.s32 $0x10, v5;
	s2 =	sadd.s32 $0xA100, s24;
	v54 =	vld [tilespmem:s1+$0x0]  }
0xeb: {  	s14 =	sor.u32 s17, s2;
	s1 =	sor.u32 s10, s2;
	[tilespmem:v52+s4+$0x0] =	vst.idx.add.f32.msk $0xffff, v46;
	v46 =	vmul.f32 v45, v45  }
0xec: {  	v57 =	vadd.s32 $0x11, v5;
	s2 =	sadd.s32 $0xA500, s24;
	v52 =	vld [tilespmem:s1+$0x0]  }
0xed: {  	s15 =	sor.u32 s17, s2;
	s1 =	sor.u32 s10, s2;
	[tilespmem:v38+s4+$0x0] =	vst.idx.add.f32.msk $0xffff, v42  }
0xee: {  	v25 =	vmul.f32 v25, v25;
	v22 =	vmul.f32 v22, v22;
	s2 =	sadd.s32 $0xA900, s24;
	v42 =	vadd.s32 $0x12, v5;
	v38 =	vld [tilespmem:s1+$0x0]  }
0xef: {  	v4 =	vmul.f32 v4, v4;
	s1 =	sor.u32 s17, s2;
	s2 =	sor.u32 s10, s2;
	[tilespmem:v56+s4+$0x0] =	vst.idx.add.f32.msk $0xffff, v47;
	v47 =	vmul.f32 v54, v54  }
0xf0: {  	s5 =	sadd.s32 $0xAD00, s24;
	v58 =	vadd.s32 $0x13, v5;
	v25 =	vadd.f32 v22, v25;
	v56 =	vmul.f32 v21, v21;
	v21 =	vld [tilespmem:s2+$0x0]  }
0xf1: {  	v30 =	vmul.f32 v30, v30;
	s2 =	sor.u32 s17, s5;
	s5 =	sor.u32 s10, s5;
	[tilespmem:v57+s4+$0x0] =	vst.idx.add.f32.msk $0xffff, v50;
	v57 =	vmul.f32 v52, v52  }
0xf2: {  	s6 =	sadd.s32 $0xB100, s24;
	v4 =	vadd.f32 v4, v31;
	v31 =	vadd.s32 $0x14, v5;
	v35 =	vadd.f32 v35, v56;
	v22 =	vld [tilespmem:s5+$0x0]  }
0xf3: {  	s28 =	sor.u32 s17, s6;
	v30 =	vadd.f32 v32, v30;
	s5 =	sor.u32 s10, s6;
	[tilespmem:v42+s4+$0x0] =	vst.idx.add.f32.msk $0xffff, v53;
	v42 =	vmul.f32 v38, v38  }
0xf4: {  	s6 =	sadd.s32 $0xB500, s24;
	v32 =	vadd.f32 v34, v35;
	v34 =	vadd.f32 v36, v25;
	v35 =	vadd.s32 $0x15, v5;
	v25 =	vld [tilespmem:s5+$0x0]  }
0xf5: {  	s20 =	sor.u32 s17, s6;
	v36 =	vadd.f32 v37, v30;
	v37 =	vadd.s32 $0x16, v5;
	s5 =	sor.u32 s10, s6;
	[tilespmem:v58+s4+$0x0] =	vst.idx.add.f32.msk $0xffff, v48;
	v48 =	vmul.f32 v21, v21  }
0xf6: {  	v4 =	vadd.f32 v39, v4;
	v39 =	vmul.f32 v50, v50;
	s6 =	sadd.s32 $0xB900, s24;
	v32 =	vadd.f32 v40, v32;
	v30 =	vld [tilespmem:s5+$0x0]  }
0xf7: {  	s21 =	sor.u32 s17, s6;
	v36 =	vadd.f32 v41, v36;
	s5 =	sor.u32 s10, s6;
	[tilespmem:v31+s4+$0x0] =	vst.idx.add.f32.msk $0xffff, v45;
	v40 =	vmul.f32 v22, v22  }
0xf8: {  	v34 =	vadd.f32 v44, v34;
	v41 =	vadd.s32 $0x17, v5;
	s6 =	sadd.s32 $0xBD00, s24;
	v39 =	vadd.f32 v39, v32;
	v31 =	vld [tilespmem:s5+$0x0]  }
0xf9: {  	v44 =	vmul.f32 v55, v55;
	s22 =	sor.u32 s17, s6;
	s5 =	sor.u32 s10, s6;
	[tilespmem:v35+s4+$0x0] =	vst.idx.add.f32.msk $0xffff, v55;
	v35 =	vmul.f32 v25, v25  }
0xfa: {  	v4 =	vadd.f32 v43, v4;
	v34 =	vadd.f32 v49, v34;
	s6 =	sadd.s32 $0xC100, s24;
	v32 =	vld [tilespmem:s5+$0x0]  }
0xfb: {  	s17 =	sor.u32 s17, s6;
	v39 =	vadd.f32 v44, v39;
	s5 =	sor.u32 s10, s6;
	[tilespmem:v37+s4+$0x0] =	vst.idx.add.f32.msk $0xffff, v54;
	v37 =	vmul.f32 v30, v30  }
0xfc: {  	v43 =	vadd.f32 v46, v4;
	v36 =	vadd.f32 v51, v36;
	v4 =	vld [tilespmem:s5+$0x0]  }
0xfd: {  	v39 =	vadd.f32 v48, v39;
	[tilespmem:v41+s4+$0x0] =	vst.idx.add.f32.msk $0xffff, v52;
	v41 =	vmul.f32 v31, v31  }
0xfe: {  	[tilespmem:v29+s4+$0x0] =	vst.idx.add.f32.msk $0xffff, v18;
	v18 =	vadd.f32 v47, v34;
	v29 =	vadd.f32 v57, v36  }
0xff: {  	v34 =	vld [tilespmem:s11+$0x0];
	v36 =	vadd.f32 v41, v39;
	v39 =	vmul.f32 v32, v32  }
0x100: {  	[tilespmem:v23+s4+$0x0] =	vst.idx.add.f32.msk $0xffff, v16;
	v16 =	vadd.f32 v42, v43;
	v18 =	vadd.f32 v40, v18  }
0x101: {  	v29 =	vadd.f32 v35, v29;
	v23 =	vld [tilespmem:s16+$0x0];
	v35 =	vmul.f32 v4, v4  }
0x102: {  	[tilespmem:v10+s4+$0x0] =	vst.idx.add.f32.msk $0xffff, v6;
	v10 =	vadd.f32 v37, v16  }
0x103: {  	v18 =	vadd.f32 v39, v18;
	v16 =	vld [tilespmem:s12+$0x0];
	v29 =	vadd.f32 v35, v29  }
0x104: {  	[tilespmem:v28+s4+$0x0] =	vst.idx.add.f32.msk $0xffff, v11;
	v11 =	vmul.f32 v34, v34  }
0x105: {  	v35 =	vadd.s32 $0x18, v5;
	v10 =	vadd.f32 v36, v10;
	v28 =	vld [tilespmem:s13+$0x0];
	v18 =	vadd.f32 v29, v18  }
0x106: {  	[tilespmem:v26+s4+$0x0] =	vst.idx.add.f32.msk $0xffff, v7;
	v11 =	vadd.f32 v11, v33;
	v26 =	vmul.f32 v23, v23  }
0x107: {  	v29 =	vld [tilespmem:s8+$0x0];
	v10 =	vadd.f32 v18, v10  }
0x108: {  	[tilespmem:v27+s4+$0x0] =	vst.idx.add.f32.msk $0xffff, v14;
	v14 =	vadd.s32 $0xB, v3;
	v18 =	vmul.f32 v16, v16  }
0x109: {  	v27 =	vld [tilespmem:s9+$0x0]  }
0x10a: {  	v33 =	vadd.s32 $0xC, v3;
	v36 =	vmul.f32 v28, v28;
	[tilespmem:v35+s4+$0x0] =	vst.idx.add.f32.msk $0xffff, v38  }
0x10b: {  	[tilespmem:v24+s4+$0x0] =	vst.idx.add.f32.msk $0xffff, v17  }
0x10c: {  	v24 =	vadd.s32 $0xD, v3;
	v17 =	vld [tilespmem:s25+$0x0];
	v35 =	vmul.f32 v29, v29  }
0x10d: {  	[tilespmem:v14+s4+$0x0] =	vst.idx.add.f32.msk $0xffff, v19  }
0x10e: {  	v19 =	vadd.s32 $0xE, v3;
	v14 =	vld [tilespmem:s26+$0x0];
	v37 =	vmul.f32 v27, v27  }
0x10f: {  	[tilespmem:v33+s4+$0x0] =	vst.idx.add.f32.msk $0xffff, v20  }
0x110: {  	v33 =	vadd.s32 $0xF, v3;
	v20 =	vld [tilespmem:s18+$0x0]  }
0x111: {  	[tilespmem:v24+s4+$0x0] =	vst.idx.add.f32.msk $0xffff, v34;
	v24 =	vmul.f32 v17, v17  }
0x112: {  	v38 =	vadd.s32 $0x10, v3;
	v34 =	vld [tilespmem:s19+$0x0]  }
0x113: {  	[tilespmem:v19+s4+$0x0] =	vst.idx.add.f32.msk $0xffff, v23;
	v19 =	vmul.f32 v14, v14  }
0x114: {  	v39 =	vadd.s32 $0x11, v3;
	v23 =	vld [tilespmem:s14+$0x0]  }
0x115: {  	[tilespmem:v33+s4+$0x0] =	vst.idx.add.f32.msk $0xffff, v16;
	v16 =	vmul.f32 v20, v20  }
0x116: {  	v40 =	vadd.s32 $0x12, v3;
	v33 =	vld [tilespmem:s15+$0x0]  }
0x117: {  	[tilespmem:v38+s4+$0x0] =	vst.idx.add.f32.msk $0xffff, v28;
	v28 =	vmul.f32 v34, v34  }
0x118: {  	v41 =	vadd.s32 $0x13, v3;
	v38 =	vld [tilespmem:s1+$0x0]  }
0x119: {  	[tilespmem:v39+s4+$0x0] =	vst.idx.add.f32.msk $0xffff, v29;
	v29 =	vmul.f32 v23, v23  }
0x11a: {  	v42 =	vadd.s32 $0x14, v3;
	v6 =	vmul.f32 v6, v6;
	v39 =	vld [tilespmem:s2+$0x0]  }
0x11b: {  	v7 =	vmul.f32 v7, v7;
	[tilespmem:v40+s4+$0x0] =	vst.idx.add.f32.msk $0xffff, v27;
	v27 =	vmul.f32 v33, v33  }
0x11c: {  	v6 =	vadd.f32 v6, v8;
	v40 =	vadd.s32 $0x15, v3;
	v8 =	vld [tilespmem:s28+$0x0]  }
0x11d: {  	v7 =	vadd.f32 v7, v9;
	[tilespmem:v41+s4+$0x0] =	vst.idx.add.f32.msk $0xffff, v17;
	v9 =	vmul.f32 v38, v38  }
0x11e: {  	v6 =	vadd.f32 v12, v6;
	v17 =	vadd.s32 $0x16, v3;
	v12 =	vld [tilespmem:s20+$0x0]  }
0x11f: {  	v7 =	vadd.f32 v15, v7;
	[tilespmem:v42+s4+$0x0] =	vst.idx.add.f32.msk $0xffff, v14;
	v14 =	vmul.f32 v39, v39  }
0x120: {  	v6 =	vadd.f32 v26, v6;
	v13 =	vadd.f32 v18, v13;
	v18 =	vadd.s32 $0x17, v3;
	v15 =	vld [tilespmem:s21+$0x0]  }
0x121: {  	v11 =	vadd.f32 v35, v11;
	[tilespmem:v40+s4+$0x0] =	vst.idx.add.f32.msk $0xffff, v20;
	v20 =	vadd.s32 $0x18, v3;
	v26 =	vmul.f32 v8, v8  }
0x122: {  	v7 =	vadd.f32 v36, v7;
	v36 =	vadd.s32 $0x19, v3;
	v6 =	vadd.f32 v37, v6;
	v35 =	vld [tilespmem:s22+$0x0]  }
0x123: {  	v11 =	vadd.f32 v16, v11;
	v16 =	vadd.s32 $0x1A, v3;
	[tilespmem:v17+s4+$0x0] =	vst.idx.add.f32.msk $0xffff, v34;
	v17 =	vmul.f32 v12, v12  }
0x124: {  	v13 =	vadd.f32 v24, v13;
	v24 =	vadd.s32 $0x1B, v3;
	v7 =	vadd.f32 v19, v7;
	v19 =	vld [tilespmem:s17+$0x0]  }
0x125: {  	v9 =	vadd.f32 v9, v11;
	v11 =	vadd.s32 $0x1C, v3;
	[tilespmem:v18+s4+$0x0] =	vst.idx.add.f32.msk $0xffff, v23;
	v18 =	vmul.f32 v15, v15  }
0x126: {  	v6 =	vadd.f32 v28, v6;
	v13 =	vadd.f32 v29, v13;
	[tilespmem:v20+s4+$0x0] =	vst.idx.add.f32.msk $0xffff, v33;
	v20 =	vadd.s32 $0x1D, v3  }
0x127: {  	v23 =	vadd.s32 $0x1E, v3;
	[tilespmem:v36+s4+$0x0] =	vst.idx.add.f32.msk $0xffff, v38;
	v9 =	vadd.f32 v18, v9;
	v18 =	vmul.f32 v35, v35  }
0x128: {  	v7 =	vadd.f32 v27, v7;
	v6 =	vadd.f32 v14, v6;
	v14 =	vadd.s32 $0x1F, v3;
	[tilespmem:v16+s4+$0x0] =	vst.idx.add.f32.msk $0xffff, v39  }
0x129: {  	v13 =	vadd.f32 v26, v13;
	v16 =	vadd.s32 $0x19, v5;
	[tilespmem:v24+s4+$0x0] =	vst.idx.add.f32.msk $0xffff, v8;
	v8 =	vmul.f32 v19, v19  }
0x12a: {  	v7 =	vadd.f32 v17, v7;
	[tilespmem:v11+s4+$0x0] =	vst.idx.add.f32.msk $0xffff, v12;
	v11 =	vadd.s32 $0x1A, v5  }
0x12b: {  	v6 =	vadd.f32 v18, v6;
	v12 =	vadd.s32 $0x1B, v5;
	[tilespmem:v20+s4+$0x0] =	vst.idx.add.f32.msk $0xffff, v15;
	v8 =	vadd.f32 v8, v13  }
0x12c: {  	v13 =	vadd.s32 $0x20, v3;
	[tilespmem:v23+s4+$0x0] =	vst.idx.add.f32.msk $0xffff, v35  }
0x12d: {  	v7 =	vadd.f32 v9, v7;
	v3 =	vadd.s32 $0x21, v3;
	[tilespmem:v14+s4+$0x0] =	vst.idx.add.f32.msk $0xffff, v19;
	v6 =	vadd.f32 v8, v6  }
0x12e: {  	v8 =	vadd.s32 $0x1C, v5;
	[tilespmem:v16+s4+$0x0] =	vst.idx.add.f32.msk $0xffff, v21  }
0x12f: {  	v9 =	vadd.s32 $0x1D, v5;
	v6 =	vadd.f32 v6, v7;
	[tilespmem:v11+s4+$0x0] =	vst.idx.add.f32.msk $0xffff, v22  }
0x130: {  	v11 =	vadd.s32 $0x1E, v5;
	[tilespmem:v12+s4+$0x0] =	vst.idx.add.f32.msk $0xffff, v25  }
.Ltmp1:
0x131: {  	[tilespmem:v13+s4+$0x0] =	vst.idx.add.f32.msk $0xffff, v6;
	(pc) =	sbr.rel @p0 .LBB2_5-.Ltmp1, $4  }
0x132: {  	v7 =	vadd.s32 $0x1F, v5;
	[tilespmem:v3+s4+$0x0] =	vst.idx.add.f32.msk $0xffff, v2  }
0x133: {  	v6 =	vadd.s32 $0x20, v5;
	[tilespmem:v8+s4+$0x0] =	vst.idx.add.f32.msk $0xffff, v30  }
0x134: {  	v3 =	vadd.s32 $0x21, v5;
	[tilespmem:v9+s4+$0x0] =	vst.idx.add.f32.msk $0xffff, v31  }
0x135: {  	s31 =	sadd.s32 $0x20, s31;
	s3 =	sadd.s32 $0x20, s3;
	s0 =	sadd.s32 $0x20, s0;
	[tilespmem:v11+s4+$0x0] =	vst.idx.add.f32.msk $0xffff, v32  }
0x136: {  	s0 =	rddreg [dreg:$0xe]  }
0x137: {  	s1 =	sshll.u32 s0, $0xB;
	p0 =	seq.s32 s0, $0xF  }
0x138: {  	s2 =	rddreg [dreg:$0x5];
	s0 =	sadd.s32 @!p0 $0x800, s1  }
0x139: {  	[dreg:$0xf] =	wrdreg s1;
	s1 =	sand.u32 @!p0 $0xF000, s0  }
0x13a: {  	s0 =	sand.u32 @!p0 $0x800, s0;
	s1 =	sadd.s32 @!p0 s2, s1;
	s2 =	rddreg [dreg:$0x4]  }
0x13b: {  	s2 =	sor.u32 @!p0 s2, s0  }
0x13c: {  	[tilespmem:v7+s4+$0x0] =	vst.idx.add.f32.msk $0xffff, v4;
	s2 =	sor.u32 @!p0 s1, s2  }
0x13d: {  	s3 =	rddreg [dreg:$0x0];
	s5 =	simm.s32 @!p0 $0x40000;
	[tilespmem:v6+s4+$0x0] =	vst.idx.add.f32.msk $0xffff, v10;
	s2 =	sshrl.u32 @!p0 s2, $0x3  }
0x13e: {  	s6 =	simm.s32 @!p0 $0x4500;
	[tilespmem:v3+s4+$0x0] =	vst.idx.add.f32.msk $0xffff, v2;
	s2 =	sadd.s32 @!p0 s3, s2;
	s3 =	simm.s32 @!p0 $0x400  }
0x13f: {  	[tilespmem:s6], [sflag:$0x1] =	stream.strided.gather @!p0 [hbm4b:s2+s3], $0x8000, s5, s3, $0x38;
	[tilespmem:$0x14D00] =	vst v63  }
0x140: {  	s2 =	rddreg [dreg:$0x6]  }
0x141: {  	s1 =	sadd.s32 @!p0 s2, s1  }
0x142: {  	s0 =	sor.u32 @!p0 s0, s1  }
0x143: {  	s16 =	simm.s32 $0x3;
	s1 =	rddreg [dreg:$0x1];
	s0 =	sshrl.u32 @!p0 s0, $0x3  }
0x144: {  	s2 =	simm.s32 @!p0 $0x14500;
	s0 =	sadd.s32 @!p0 s1, s0;
	s1 =	simm.s32 @!p0 $0x0  }
0x145: {  	[tilespmem:s2], [sflag:$0x2] =	stream.linear.gather @!p0 [hbm4b:s0+s1], $0x400, $0x38;
	[tilespmem:$0x14D00] =	vst v63  }
0x146: {  	_ =	swait.ge [sflag:s16], $0x8000  }
0x147: {  	[sflag:s16] =	ssyncset.done $0x0  }
0x148: {  	s17 =	simm.s32 $0x4;
	[sflag:s16] =	ssyncadd.s32 $0xFFFF8000  }
0x149: {  	_ =	swait.ge [sflag:s17], $0x400  }
0x14a: {  	s18 =	simm.s32 $0x0;
	[sflag:s17] =	ssyncset.done $0x0  }
0x14b: {  	s19 =	simm.s32 $0x14900;
	s3 =	sand.u32 $0x380, s18;
	[sflag:s17] =	ssyncadd.s32 $0xFFFFFC00  }
0x14c: {  	s20 =	sadd.s32 $0xD100, s3;
	s0 =	sand.u32 $0x60, s18;
	v3 =	vld [tilespmem:s19+$0x0]  }
0x14d: {  	s22 =	sadd.s32 $0xE500, s3;
	s21 =	sor.u32 s0, s20;
	s8 =	sor.u32 $0x10, s0;
	v8 =	vld [tilespmem:$0x4480]  }
0x14e: {  	s23 =	sadd.s32 $0xDD00, s3;
	s24 =	sor.u32 s8, s22;
	v4 =	vld [tilespmem:s21+$0x0]  }
0x14f: {  	s7 =	sadd.s32 $0xC900, s3;
	s9 =	sor.u32 s0, s23;
	v14 =	vld [tilespmem:s24+$0x0]  }
0x150: {  	s25 =	sor.u32 s8, s7;
	v6 =	vld [tilespmem:s9+$0x0]  }
0x151: {  	s26 =	sadd.s32 $0xCD00, s3;
	s28 =	sor.u32 s8, s23;
	v15 =	vld [tilespmem:s25+$0x0]  }
0x152: {  	s29 =	sadd.s32 $0xE100, s3;
	s10 =	sor.u32 s8, s26;
	v16 =	vld [tilespmem:s28+$0x0]  }
0x153: {  	s30 =	sadd.s32 $0xD500, s3;
	s11 =	sor.u32 s0, s29;
	v18 =	vld [tilespmem:s10+$0x0]  }
0x154: {  	s12 =	sor.u32 s8, s30;
	v19 =	vld [tilespmem:s11+$0x0]  }
0x155: {  	s5 =	sor.u32 s0, s22;
	v12 =	vld [tilespmem:s12+$0x0]  }
0x156: {  	s1 =	sor.u32 s8, s20;
	v7 =	vld [tilespmem:s5+$0x0]  }
0x157: {  	s13 =	sor.u32 s3, s8;
	v17 =	vld [tilespmem:s1+$0x0]  }
0x158: {  	v9 =	vld [tilespmem:s13+$0x14900]  }
0x159: {  	s14 =	simm.s32 $0xC500;
	s15 =	sadd.s32 $0xD900, s3;
	v13 =	vld [tilespmem:s13+$0xC500]  }
0x15a: {  	s16 =	sor.u32 s0, s15;
	v31 =	vld [tilespmem:s14+$0x0]  }
0x15b: {  	s17 =	sor.u32 s0, s30;
	v26 =	vld [tilespmem:s16+$0x0];
	v3 =	vshll.u32 v3, $0x6  }
0x15c: {  	s18 =	sor.u32 s0, s26;
	v28 =	vld [tilespmem:s17+$0x0];
	v5 =	vadd.s32 v3, v8  }
0x15d: {  	s22 =	sor.u32 s8, s15;
	v32 =	vld [tilespmem:s18+$0x0];
	v3 =	vshll.u32 v9, $0x6  }
0x15e: {  	s19 =	sor.u32 s0, s7;
	v35 =	vld [tilespmem:s22+$0x0];
	v3 =	vadd.s32 v8, v3  }
0x15f: {  	s23 =	sor.u32 s8, s29;
	v30 =	vld [tilespmem:s19+$0x0];
	v8 =	vadd.s32 $0x1, v5  }
0x160: {  	s20 =	sadd.s32 $0xE900, s3;
	v33 =	vld [tilespmem:s23+$0x0]  }
0x161: {  	s21 =	sor.u32 s0, s20;
	v9 =	vadd.s32 $0x1, v3;
	[tilespmem:v5+s4+$0x0] =	vst.idx.add.f32.msk $0xffff, v31  }
0x162: {  	v20 =	vld [tilespmem:s21+$0x0]  }
0x163: {  	v11 =	vadd.s32 $0x2, v5;
	[tilespmem:v3+s4+$0x0] =	vst.idx.add.f32.msk $0xffff, v13  }
0x164: {  	s24 =	sor.u32 s8, s20;
	[tilespmem:v8+s4+$0x0] =	vst.idx.add.f32.msk $0xffff, v30  }
0x165: {  	s25 =	sadd.s32 $0xED00, s3;
	v10 =	vadd.s32 $0x2, v3;
	v34 =	vld [tilespmem:s24+$0x0]  }
0x166: {  	s1 =	sor.u32 s0, s25;
	[tilespmem:v9+s4+$0x0] =	vst.idx.add.f32.msk $0xffff, v15  }
0x167: {  	v23 =	vld [tilespmem:s1+$0x0]  }
0x168: {  	s26 =	sor.u32 s8, s25;
	v8 =	vadd.s32 $0x3, v5;
	[tilespmem:v11+s4+$0x0] =	vst.idx.add.f32.msk $0xffff, v32  }
0x169: {  	s28 =	sadd.s32 $0xF100, s3;
	v36 =	vld [tilespmem:s26+$0x0]  }
0x16a: {  	v9 =	vadd.s32 $0x3, v3;
	s1 =	sor.u32 s0, s28;
	[tilespmem:v10+s4+$0x0] =	vst.idx.add.f32.msk $0xffff, v18  }
0x16b: {  	s29 =	sor.u32 s8, s28;
	v51 =	vadd.s32 $0x4, v5;
	v24 =	vld [tilespmem:s1+$0x0]  }
0x16c: {  	s30 =	sadd.s32 $0xF500, s3;
	v37 =	vld [tilespmem:s29+$0x0]  }
0x16d: {  	s5 =	sor.u32 s0, s30;
	v10 =	vadd.s32 $0x4, v3;
	[tilespmem:v8+s4+$0x0] =	vst.idx.add.f32.msk $0xffff, v4  }
0x16e: {  	v22 =	vld [tilespmem:s5+$0x0]  }
0x16f: {  	v8 =	vadd.s32 $0x5, v3;
	[tilespmem:v9+s4+$0x0] =	vst.idx.add.f32.msk $0xffff, v17  }
0x170: {  	s6 =	sor.u32 s8, s30;
	[tilespmem:v51+s4+$0x0] =	vst.idx.add.f32.msk $0xffff, v28  }
0x171: {  	s24 =	sadd.s32 $0xF900, s3;
	v9 =	vadd.s32 $0x6, v3;
	v38 =	vld [tilespmem:s6+$0x0]  }
0x172: {  	s7 =	sor.u32 s8, s24;
	[tilespmem:v10+s4+$0x0] =	vst.idx.add.f32.msk $0xffff, v12  }
0x173: {  	s23 =	sadd.s32 $0xFD00, s3;
	v10 =	vadd.s32 $0x7, v3;
	v39 =	vld [tilespmem:s7+$0x0]  }
0x174: {  	s9 =	sor.u32 s8, s23;
	[tilespmem:v8+s4+$0x0] =	vst.idx.add.f32.msk $0xffff, v35  }
0x175: {  	s22 =	sadd.s32 $0x10100, s3;
	v8 =	vadd.s32 $0x8, v3;
	v40 =	vld [tilespmem:s9+$0x0]  }
0x176: {  	s10 =	sor.u32 s8, s22;
	[tilespmem:v9+s4+$0x0] =	vst.idx.add.f32.msk $0xffff, v16  }
0x177: {  	s21 =	sadd.s32 $0x10500, s3;
	v9 =	vadd.s32 $0x9, v3;
	v41 =	vld [tilespmem:s10+$0x0]  }
0x178: {  	s11 =	sor.u32 s8, s21;
	[tilespmem:v10+s4+$0x0] =	vst.idx.add.f32.msk $0xffff, v33  }
0x179: {  	s20 =	sadd.s32 $0x10900, s3;
	v10 =	vadd.s32 $0xA, v3;
	v42 =	vld [tilespmem:s11+$0x0]  }
0x17a: {  	s12 =	sor.u32 s8, s20;
	[tilespmem:v8+s4+$0x0] =	vst.idx.add.f32.msk $0xffff, v14  }
0x17b: {  	s19 =	sadd.s32 $0x10D00, s3;
	v8 =	vadd.s32 $0xB, v3;
	v27 =	vld [tilespmem:s12+$0x0]  }
0x17c: {  	s13 =	sor.u32 s8, s19;
	[tilespmem:v9+s4+$0x0] =	vst.idx.add.f32.msk $0xffff, v34  }
0x17d: {  	s18 =	sadd.s32 $0x11100, s3;
	v9 =	vadd.s32 $0xC, v3;
	v43 =	vld [tilespmem:s13+$0x0]  }
0x17e: {  	s14 =	sor.u32 s8, s18;
	[tilespmem:v10+s4+$0x0] =	vst.idx.add.f32.msk $0xffff, v36  }
0x17f: {  	s17 =	sadd.s32 $0x11500, s3;
	v10 =	vadd.s32 $0xD, v3;
	v44 =	vld [tilespmem:s14+$0x0]  }
0x180: {  	s15 =	sor.u32 s8, s17;
	[tilespmem:v8+s4+$0x0] =	vst.idx.add.f32.msk $0xffff, v37  }
0x181: {  	s16 =	sadd.s32 $0x11900, s3;
	v8 =	vadd.s32 $0xE, v3;
	v45 =	vld [tilespmem:s15+$0x0]  }
0x182: {  	s25 =	sor.u32 s8, s16;
	[tilespmem:v9+s4+$0x0] =	vst.idx.add.f32.msk $0xffff, v38  }
0x183: {  	s15 =	sadd.s32 $0x11D00, s3;
	v9 =	vadd.s32 $0xF, v3;
	v29 =	vld [tilespmem:s25+$0x0]  }
0x184: {  	[tilespmem:v10+s4+$0x0] =	vst.idx.add.f32.msk $0xffff, v39;
	s26 =	sor.u32 s8, s15  }
0x185: {  	s14 =	sadd.s32 $0x12100, s3;
	v10 =	vadd.s32 $0x10, v3;
	v46 =	vld [tilespmem:s26+$0x0]  }
0x186: {  	s28 =	sor.u32 s8, s14;
	[tilespmem:v8+s4+$0x0] =	vst.idx.add.f32.msk $0xffff, v40  }
0x187: {  	v11 =	vadd.s32 $0x11, v3;
	s13 =	sadd.s32 $0x12500, s3;
	v25 =	vld [tilespmem:s28+$0x0]  }
0x188: {  	s29 =	sor.u32 s8, s13;
	[tilespmem:v9+s4+$0x0] =	vst.idx.add.f32.msk $0xffff, v41  }
0x189: {  	v47 =	vadd.s32 $0x12, v3;
	s12 =	sadd.s32 $0x12900, s3;
	v21 =	vld [tilespmem:s29+$0x0]  }
0x18a: {  	s30 =	sor.u32 s8, s12;
	[tilespmem:v10+s4+$0x0] =	vst.idx.add.f32.msk $0xffff, v42  }
0x18b: {  	v48 =	vadd.s32 $0x13, v3;
	s11 =	sadd.s32 $0x12D00, s3;
	v8 =	vld [tilespmem:s30+$0x0]  }
0x18c: {  	s2 =	sor.u32 s8, s11;
	[tilespmem:v11+s4+$0x0] =	vst.idx.add.f32.msk $0xffff, v27  }
0x18d: {  	v54 =	vadd.s32 $0x5, v5;
	s10 =	sadd.s32 $0x13100, s3;
	v9 =	vld [tilespmem:s2+$0x0]  }
0x18e: {  	s5 =	sor.u32 s8, s10;
	[tilespmem:v47+s4+$0x0] =	vst.idx.add.f32.msk $0xffff, v43  }
0x18f: {  	v49 =	vadd.s32 $0x14, v3;
	v10 =	vld [tilespmem:s5+$0x0]  }
0x190: {  	s28 =	sor.u32 s0, s24;
	[tilespmem:v48+s4+$0x0] =	vst.idx.add.f32.msk $0xffff, v44  }
0x191: {  	v55 =	vadd.s32 $0x6, v5;
	s9 =	sadd.s32 $0x13500, s3;
	v48 =	vld [tilespmem:s28+$0x0]  }
0x192: {  	s6 =	sor.u32 s8, s9;
	[tilespmem:v54+s4+$0x0] =	vst.idx.add.f32.msk $0xffff, v26  }
0x193: {  	v59 =	vmul.f32 v31, v31;
	v53 =	vmul.f32 v28, v28;
	v56 =	vadd.s32 $0x15, v3;
	v11 =	vld [tilespmem:s6+$0x0]  }
0x194: {  	v60 =	vadd.s32 $0x7, v5;
	s29 =	sor.u32 s0, s23;
	[tilespmem:v49+s4+$0x0] =	vst.idx.add.f32.msk $0xffff, v45  }
0x195: {  	v31 =	vmul.f32 v32, v32;
	v32 =	vmul.f32 v30, v30;
	v30 =	vadd.f32 v53, v59;
	s1 =	sadd.s32 $0x13900, s3;
	v53 =	vld [tilespmem:s29+$0x0]  }
0x196: {  	v50 =	vmul.f32 v19, v19;
	s7 =	sor.u32 s8, s1;
	[tilespmem:v55+s4+$0x0] =	vst.idx.add.f32.msk $0xffff, v6  }
0x197: {  	v58 =	vmul.f32 v12, v12;
	v61 =	vmul.f32 v26, v26;
	v57 =	vadd.s32 $0x16, v3;
	v12 =	vld [tilespmem:s7+$0x0]  }
0x198: {  	v52 =	vmul.f32 v13, v13;
	v62 =	vadd.s32 $0x8, v5;
	v15 =	vmul.f32 v15, v15;
	s30 =	sor.u32 s0, s22;
	[tilespmem:v56+s4+$0x0] =	vst.idx.add.f32.msk $0xffff, v29  }
0x199: {  	v18 =	vmul.f32 v18, v18;
	v32 =	vadd.f32 v61, v32;
	v4 =	vmul.f32 v4, v4;
	s2 =	sadd.s32 $0x13D00, s3;
	v55 =	vld [tilespmem:s30+$0x0]  }
0x19a: {  	v28 =	vmul.f32 v23, v23;
	v17 =	vmul.f32 v17, v17;
	s25 =	sor.u32 s8, s2;
	[tilespmem:v60+s4+$0x0] =	vst.idx.add.f32.msk $0xffff, v19  }
0x19b: {  	v50 =	vadd.f32 v50, v4;
	v35 =	vmul.f32 v35, v35;
	v16 =	vmul.f32 v16, v16;
	v13 =	vld [tilespmem:s25+$0x0]  }
0x19c: {  	v63 =	vmul.f32 v24, v24;
	v33 =	vmul.f32 v33, v33;
	s6 =	sor.u32 s0, s21;
	v56 =	vadd.s32 $0x9, v5;
	[tilespmem:v57+s4+$0x0] =	vst.idx.add.f32.msk $0xffff, v46  }
0x19d: {  	v15 =	vadd.f32 v35, v15;
	v16 =	vadd.f32 v16, v18;
	v34 =	vmul.f32 v34, v34;
	s3 =	sadd.s32 $0x14100, s3;
	v19 =	vld [tilespmem:s6+$0x0]  }
0x19e: {  	v59 =	vadd.s32 $0xA, v5;
	v17 =	vadd.f32 v33, v17;
	v47 =	vmul.f32 v20, v20;
	s26 =	sor.u32 s8, s3;
	[tilespmem:v62+s4+$0x0] =	vst.idx.add.f32.msk $0xffff, v7  }
0x19f: {  	v36 =	vmul.f32 v36, v36;
	v15 =	vadd.f32 v34, v15;
	v37 =	vmul.f32 v37, v37;
	s7 =	sor.u32 s0, s20;
	v4 =	vld [tilespmem:s26+$0x0]  }
0x1a0: {  	v39 =	vmul.f32 v39, v39;
	v32 =	vadd.f32 v47, v32;
	v60 =	vadd.s32 $0xB, v5;
	v47 =	vld [tilespmem:s7+$0x0]  }
0x1a1: {  	v61 =	vadd.s32 $0xC, v5;
	v14 =	vmul.f32 v14, v14;
	v16 =	vadd.f32 v36, v16;
	s8 =	sor.u32 s0, s19;
	[tilespmem:v56+s4+$0x0] =	vst.idx.add.f32.msk $0xffff, v20  }
0x1a2: {  	v38 =	vmul.f32 v38, v38;
	v17 =	vadd.f32 v37, v17;
	v15 =	vadd.f32 v39, v15;
	v20 =	vld [tilespmem:s8+$0x0]  }
0x1a3: {  	v40 =	vmul.f32 v40, v40;
	v41 =	vmul.f32 v41, v41;
	s19 =	sor.u32 s0, s18;
	[tilespmem:v59+s4+$0x0] =	vst.idx.add.f32.msk $0xffff, v23  }
0x1a4: {  	v42 =	vmul.f32 v42, v42;
	v26 =	vadd.f32 v63, v50;
	v63 =	vadd.s32 $0xD, v5;
	v23 =	vld [tilespmem:s19+$0x0]  }
0x1a5: {  	v16 =	vadd.f32 v40, v16;
	v27 =	vmul.f32 v27, v27;
	s20 =	sor.u32 s0, s17;
	[tilespmem:v60+s4+$0x0] =	vst.idx.add.f32.msk $0xffff, v24  }
0x1a6: {  	v17 =	vadd.f32 v41, v17;
	v43 =	vmul.f32 v43, v43;
	v50 =	vadd.s32 $0xE, v5;
	v24 =	vld [tilespmem:s20+$0x0]  }
0x1a7: {  	v44 =	vmul.f32 v44, v44;
	v15 =	vadd.f32 v27, v15;
	s21 =	sor.u32 s0, s16;
	[tilespmem:v61+s4+$0x0] =	vst.idx.add.f32.msk $0xffff, v22  }
0x1a8: {  	v49 =	vadd.f32 v58, v52;
	v52 =	vmul.f32 v22, v22;
	v57 =	vadd.s32 $0xF, v5;
	v18 =	vld [tilespmem:s21+$0x0]  }
0x1a9: {  	s22 =	sor.u32 s0, s15;
	v45 =	vmul.f32 v45, v45;
	v54 =	vmul.f32 v25, v25;
	v58 =	vadd.s32 $0x10, v5;
	[tilespmem:v63+s4+$0x0] =	vst.idx.add.f32.msk $0xffff, v48  }
0x1aa: {  	v16 =	vadd.f32 v43, v16;
	v6 =	vmul.f32 v6, v6;
	v17 =	vadd.f32 v44, v17;
	v36 =	vld [tilespmem:s22+$0x0]  }
0x1ab: {  	s23 =	sor.u32 s0, s14;
	v46 =	vmul.f32 v46, v46;
	v62 =	vadd.f32 v14, v49;
	[tilespmem:v50+s4+$0x0] =	vst.idx.add.f32.msk $0xffff, v53  }
0x1ac: {  	v14 =	vmul.f32 v21, v21;
	v59 =	vmul.f32 v29, v29;
	v60 =	vadd.s32 $0x11, v5;
	v29 =	vld [tilespmem:s23+$0x0]  }
0x1ad: {  	s24 =	sor.u32 s0, s13;
	v51 =	vmul.f32 v8, v8;
	v7 =	vmul.f32 v7, v7;
	v61 =	vadd.s32 $0x17, v3;
	[tilespmem:v57+s4+$0x0] =	vst.idx.add.f32.msk $0xffff, v55  }
0x1ae: {  	v6 =	vadd.f32 v6, v31;
	v37 =	vmul.f32 v9, v9;
	v17 =	vadd.f32 v54, v17;
	v27 =	vld [tilespmem:s24+$0x0]  }
0x1af: {  	s25 =	sor.u32 s0, s12;
	v33 =	vmul.f32 v10, v10;
	v56 =	vadd.f32 v38, v62;
	v63 =	vadd.s32 $0x12, v5;
	[tilespmem:v58+s4+$0x0] =	vst.idx.add.f32.msk $0xffff, v19  }
0x1b0: {  	v16 =	vadd.f32 v46, v16;
	v54 =	vmul.f32 v48, v48;
	v7 =	vadd.f32 v7, v30;
	v38 =	vld [tilespmem:s25+$0x0]  }
0x1b1: {  	v6 =	vadd.f32 v28, v6;
	v22 =	vadd.f32 v42, v56;
	v56 =	vadd.s32 $0x13, v5;
	[tilespmem:v60+s4+$0x0] =	vst.idx.add.f32.msk $0xffff, v47  }
0x1b2: {  	s26 =	sor.u32 s0, s11;
	v35 =	vmul.f32 v11, v11;
	v44 =	vmul.f32 v53, v53;
	[tilespmem:v61+s4+$0x0] =	vst.idx.add.f32.msk $0xffff, v25  }
0x1b3: {  	v62 =	vmul.f32 v12, v12;
	v32 =	vadd.f32 v54, v32;
	v58 =	vadd.s32 $0x18, v3;
	v39 =	vld [tilespmem:s26+$0x0]  }
0x1b4: {  	s28 =	sor.u32 s0, s10;
	v7 =	vadd.f32 v52, v7;
	v15 =	vadd.f32 v59, v15;
	v61 =	vadd.s32 $0x14, v5;
	[tilespmem:v63+s4+$0x0] =	vst.idx.add.f32.msk $0xffff, v20  }
0x1b5: {  	v6 =	vadd.f32 v44, v6;
	v59 =	vmul.f32 v47, v47;
	v60 =	vmul.f32 v20, v20;
	v20 =	vld [tilespmem:s28+$0x0]  }
0x1b6: {  	s29 =	sor.u32 s0, s9;
	v22 =	vadd.f32 v45, v22;
	v15 =	vadd.f32 v51, v15;
	v63 =	vadd.s32 $0x15, v5;
	[tilespmem:v56+s4+$0x0] =	vst.idx.add.f32.msk $0xffff, v23  }
0x1b7: {  	v32 =	vadd.f32 v59, v32;
	v57 =	vmul.f32 v55, v55;
	v47 =	vmul.f32 v23, v23;
	v23 =	vld [tilespmem:s29+$0x0]  }
0x1b8: {  	v53 =	vadd.s32 $0x16, v5;
	v15 =	vadd.f32 v62, v15;
	v19 =	vmul.f32 v19, v19;
	[tilespmem:v58+s4+$0x0] =	vst.idx.add.f32.msk $0xffff, v21  }
0x1b9: {  	s1 =	sor.u32 s0, s1;
	v59 =	vadd.s32 $0x19, v5;
	v41 =	vmul.f32 v24, v24;
	v26 =	vadd.f32 v57, v26;
	[tilespmem:v61+s4+$0x0] =	vst.idx.add.f32.msk $0xffff, v24  }
0x1ba: {  	v57 =	vadd.s32 $0x18, v5;
	v62 =	vmul.f32 v18, v18;
	v7 =	vadd.f32 v19, v7;
	v30 =	vld [tilespmem:s1+$0x0]  }
0x1bb: {  	s30 =	sor.u32 s0, s2;
	v45 =	vmul.f32 v36, v36;
	v56 =	vadd.s32 $0x17, v5;
	v6 =	vadd.f32 v60, v6;
	[tilespmem:v63+s4+$0x0] =	vst.idx.add.f32.msk $0xffff, v18  }
0x1bc: {  	v26 =	vadd.f32 v47, v26;
	v49 =	vmul.f32 v29, v29;
	v32 =	vadd.f32 v62, v32;
	v19 =	vld [tilespmem:s30+$0x0]  }
0x1bd: {  	s0 =	sor.u32 s0, s3;
	v60 =	vadd.s32 $0x1A, v5;
	v7 =	vadd.f32 v41, v7;
	v21 =	vmul.f32 v27, v27;
	[tilespmem:v53+s4+$0x0] =	vst.idx.add.f32.msk $0xffff, v36  }
0x1be: {  	v6 =	vadd.f32 v45, v6;
	v54 =	vmul.f32 v38, v38;
	v26 =	vadd.f32 v49, v26;
	v62 =	vld [tilespmem:s0+$0x0]  }
0x1bf: {  	v55 =	vmul.f32 v39, v39;
	v63 =	vadd.s32 $0x1B, v5;
	v7 =	vadd.f32 v21, v7  }
0x1c0: {  	v46 =	vadd.s32 $0x1C, v5;
	v58 =	vmul.f32 v20, v20;
	v28 =	vadd.f32 v54, v32;
	[tilespmem:v56+s4+$0x0] =	vst.idx.add.f32.msk $0xffff, v29  }
0x1c1: {  	v61 =	vmul.f32 v23, v23;
	v6 =	vadd.f32 v55, v6;
	v55 =	vadd.s32 $0x19, v3;
	[tilespmem:v57+s4+$0x0] =	vst.idx.add.f32.msk $0xffff, v27  }
0x1c2: {  	v48 =	vadd.s32 $0x1D, v5;
	v53 =	vadd.f32 v58, v26;
	[tilespmem:v59+s4+$0x0] =	vst.idx.add.f32.msk $0xffff, v38;
	v47 =	vmul.f32 v30, v30  }
0x1c3: {  	v57 =	vadd.s32 $0x1A, v3;
	[tilespmem:v60+s4+$0x0] =	vst.idx.add.f32.msk $0xffff, v39;
	v50 =	vmul.f32 v19, v19;
	v54 =	vmul.f32 v62, v62  }
0x1c4: {  	v51 =	vadd.s32 $0x1E, v5;
	v7 =	vadd.f32 v61, v7;
	[tilespmem:v63+s4+$0x0] =	vst.idx.add.f32.msk $0xffff, v20;
	v56 =	vadd.f32 v47, v28  }
0x1c5: {  	v59 =	vadd.s32 $0x1B, v3;
	[tilespmem:v46+s4+$0x0] =	vst.idx.add.f32.msk $0xffff, v23;
	v6 =	vadd.f32 v50, v6;
	v58 =	vadd.f32 v54, v53  }
0x1c6: {  	v52 =	vadd.s32 $0x1F, v5;
	v16 =	vadd.f32 v37, v16;
	v17 =	vadd.f32 v33, v17;
	[tilespmem:v55+s4+$0x0] =	vst.idx.add.f32.msk $0xffff, v8  }
0x1c7: {  	v8 =	vadd.s32 $0x1C, v3;
	[tilespmem:v48+s4+$0x0] =	vst.idx.add.f32.msk $0xffff, v30;
	v7 =	vadd.f32 v56, v7;
	v6 =	vadd.f32 v58, v6  }
0x1c8: {  	v42 =	vmul.f32 v13, v13;
	v14 =	vadd.f32 v14, v22;
	v60 =	vadd.s32 $0x20, v5;
	[tilespmem:v57+s4+$0x0] =	vst.idx.add.f32.msk $0xffff, v9  }
0x1c9: {  	v61 =	vmul.f32 v4, v4;
	[tilespmem:v51+s4+$0x0] =	vst.idx.add.f32.msk $0xffff, v19;
	v6 =	vadd.f32 v6, v7;
	v7 =	vadd.s32 $0x1D, v3  }
0x1ca: {  	v14 =	vadd.f32 v35, v14;
	[tilespmem:v59+s4+$0x0] =	vst.idx.add.f32.msk $0xffff, v10  }
0x1cb: {  	v5 =	vadd.s32 $0x21, v5;
	v9 =	vadd.f32 v42, v16;
	[tilespmem:v52+s4+$0x0] =	vst.idx.add.f32.msk $0xffff, v62;
	v62 =	vadd.f32 v61, v17  }
0x1cc: {  	v63 =	vadd.s32 $0x1E, v3;
	[tilespmem:v8+s4+$0x0] =	vst.idx.add.f32.msk $0xffff, v11  }
0x1cd: {  	v9 =	vadd.f32 v62, v9;
	[tilespmem:v60+s4+$0x0] =	vst.idx.add.f32.msk $0xffff, v6;
	v6 =	vadd.f32 v15, v14  }
0x1ce: {  	[tilespmem:v7+s4+$0x0] =	vst.idx.add.f32.msk $0xffff, v12;
	v7 =	vadd.s32 $0x1F, v3  }
0x1cf: {  	v10 =	vadd.f32 v9, v6;
	v6 =	vadd.s32 $0x20, v3  }
0x1d0: {  	s31 =	simm.s32 $0x0;
	[tilespmem:v5+s4+$0x0] =	vst.idx.add.f32.msk $0xffff, v2;
	v3 =	vadd.s32 $0x21, v3  }
0x1d1: {  	s16 =	simm.s32 $0x20;
	s3 =	simm.s32 $0xC520;
	s0 =	simm.s32 $0x14920;
	[tilespmem:v63+s4+$0x0] =	vst.idx.add.f32.msk $0xffff, v13  }
.LBB2_7:
0x1d2: {  	s24 =	sand.u32 $0x60, s16;
	s10 =	sand.u32 $0x380, s16;
	v5 =	vld [tilespmem:s0+$0x0];
	s31 =	sadd.s32 $0x2, s31  }
0x1d3: {  	s14 =	sadd.s32 $0xE100, s10;
	s8 =	sadd.s32 $0xF500, s10;
	s2 =	sadd.s32 $0xF900, s10;
	[tilespmem:v7+s4+$0x0] =	vst.idx.add.f32.msk $0xffff, v4  }
0x1d4: {  	s1 =	sadd.s32 $0xC900, s10;
	s5 =	sadd.s32 $0xD500, s10;
	s18 =	sadd.s32 $0xFD00, s10;
	[tilespmem:v6+s4+$0x0] =	vst.idx.add.f32.msk $0xffff, v10  }
0x1d5: {  	s6 =	sadd.s32 $0xD100, s10;
	s7 =	sadd.s32 $0xDD00, s10;
	s17 =	sor.u32 s24, s18;
	[tilespmem:v3+s4+$0x0] =	vst.idx.add.f32.msk $0xffff, v2  }
0x1d6: {  	s15 =	sadd.s32 $0xD900, s10;
	s22 =	sadd.s32 $0xE500, s10;
	s9 =	sor.u32 s24, s6;
	v8 =	vld [tilespmem:$0x4480]  }
0x1d7: {  	s12 =	sadd.s32 $0xCD00, s10;
	s11 =	sor.u32 $0x10, s24;
	s19 =	sor.u32 s24, s5  }
0x1d8: {  	s21 =	sor.u32 s24, s12;
	s23 =	sor.u32 s24, s15;
	v12 =	vld [tilespmem:s9+$0x0];
	s9 =	sor.u32 s11, s22  }
0x1d9: {  	s20 =	sor.u32 s24, s1;
	s13 =	sor.u32 s24, s7;
	s25 =	sor.u32 s11, s1;
	v4 =	vld [tilespmem:s9+$0x0]  }
0x1da: {  	s26 =	sadd.s32 $0xED00, s10;
	s28 =	sadd.s32 $0xF100, s10;
	v3 =	vshll.u32 v5, $0x6;
	s9 =	sor.u32 s11, s12;
	v6 =	vld [tilespmem:s13+$0x0]  }
0x1db: {  	s1 =	sor.u32 s24, s28;
	s7 =	sor.u32 s11, s7;
	s13 =	sor.u32 s24, s26;
	v3 =	vadd.s32 v3, v8;
	v21 =	vld [tilespmem:s25+$0x0]  }
0x1dc: {  	s5 =	sor.u32 s11, s5;
	s12 =	sor.u32 s24, s2;
	s25 =	sor.u32 s24, s14;
	v13 =	vadd.s32 $0x3, v3;
	v10 =	vadd.s32 $0x6, v3;
	v22 =	vld [tilespmem:s7+$0x0]  }
0x1dd: {  	s6 =	sor.u32 s11, s6;
	s7 =	sor.u32 s24, s22;
	s22 =	sadd.s32 $0xE900, s10;
	v25 =	vld [tilespmem:s9+$0x0]  }
0x1de: {  	s29 =	sor.u32 s10, s11;
	s9 =	sor.u32 s24, s8;
	v11 =	vld [tilespmem:s25+$0x0];
	s25 =	sor.u32 s24, s22  }
0x1df: {  	s30 =	sor.u32 s11, s14;
	s22 =	sor.u32 s11, s22;
	v15 =	vld [tilespmem:s5+$0x0];
	s5 =	sor.u32 s11, s15  }
0x1e0: {  	s14 =	sor.u32 s11, s8;
	s15 =	sor.u32 s11, s28;
	v7 =	vld [tilespmem:s7+$0x0];
	s7 =	sor.u32 s11, s26  }
0x1e1: {  	p1 =	slt.u32 s31, $0x3E;
	s8 =	sor.u32 s11, s2;
	s2 =	sor.u32 s11, s18;
	v30 =	vld [tilespmem:s6+$0x0]  }
0x1e2: {  	v5 =	vld [tilespmem:s29+$0x14900]  }
0x1e3: {  	v17 =	vld [tilespmem:s29+$0xC500]  }
0x1e4: {  	v14 =	vmul.f32 v12, v12;
	v9 =	vld [tilespmem:s3+$0x0]  }
0x1e5: {  	v16 =	vld [tilespmem:s23+$0x0]  }
0x1e6: {  	v18 =	vld [tilespmem:s19+$0x0]  }
0x1e7: {  	v20 =	vmul.f32 v11, v11;
	v23 =	vmul.f32 v15, v15;
	v19 =	vld [tilespmem:s21+$0x0];
	v5 =	vshll.u32 v5, $0x6  }
0x1e8: {  	v26 =	vadd.s32 $0x1, v3;
	v24 =	vld [tilespmem:s20+$0x0];
	v5 =	vadd.s32 v8, v5;
	v8 =	vmul.f32 v17, v17  }
0x1e9: {  	v33 =	vadd.f32 v20, v14;
	[tilespmem:v3+s4+$0x0] =	vst.idx.add.f32.msk $0xffff, v9  }
0x1ea: {  	v20 =	vadd.s32 $0x2, v3;
	v14 =	vld [tilespmem:s25+$0x0];
	v31 =	vadd.f32 v23, v8  }
0x1eb: {  	v9 =	vmul.f32 v9, v9;
	v27 =	vadd.s32 $0x1, v5;
	v23 =	vmul.f32 v18, v18;
	v38 =	vld [tilespmem:s5+$0x0]  }
0x1ec: {  	v8 =	vmul.f32 v19, v19;
	v40 =	vld [tilespmem:s30+$0x0]  }
0x1ed: {  	v39 =	vmul.f32 v24, v24;
	v9 =	vadd.f32 v23, v9;
	[tilespmem:v5+s4+$0x0] =	vst.idx.add.f32.msk $0xffff, v17  }
0x1ee: {  	v29 =	vadd.s32 $0x4, v3;
	v28 =	vadd.s32 $0x2, v5;
	v23 =	vadd.s32 $0x5, v3;
	v41 =	vld [tilespmem:s22+$0x0]  }
0x1ef: {  	[tilespmem:v26+s4+$0x0] =	vst.idx.add.f32.msk $0xffff, v24  }
0x1f0: {  	[tilespmem:v27+s4+$0x0] =	vst.idx.add.f32.msk $0xffff, v21;
	v35 =	vmul.f32 v38, v38  }
0x1f1: {  	v42 =	vmul.f32 v14, v14;
	v24 =	vadd.s32 $0x3, v5;
	v43 =	vld [tilespmem:s7+$0x0];
	v32 =	vmul.f32 v40, v40  }
0x1f2: {  	v17 =	vld [tilespmem:s13+$0x0]  }
0x1f3: {  	v44 =	vadd.s32 $0x4, v5;
	[tilespmem:v28+s4+$0x0] =	vst.idx.add.f32.msk $0xffff, v25;
	v34 =	vmul.f32 v41, v41  }
0x1f4: {  	v28 =	vadd.s32 $0x7, v3;
	[tilespmem:v20+s4+$0x0] =	vst.idx.add.f32.msk $0xffff, v19  }
0x1f5: {  	v46 =	vadd.s32 $0x5, v5;
	v45 =	vld [tilespmem:s15+$0x0]  }
0x1f6: {  	v26 =	vadd.s32 $0x8, v3;
	v19 =	vld [tilespmem:s1+$0x0];
	v36 =	vmul.f32 v43, v43  }
0x1f7: {  	v47 =	vadd.s32 $0x6, v5;
	[tilespmem:v13+s4+$0x0] =	vst.idx.add.f32.msk $0xffff, v12;
	v12 =	vmul.f32 v17, v17  }
0x1f8: {  	v27 =	vadd.s32 $0x9, v3;
	v20 =	vld [tilespmem:s9+$0x0]  }
0x1f9: {  	v48 =	vadd.s32 $0x7, v5;
	[tilespmem:v24+s4+$0x0] =	vst.idx.add.f32.msk $0xffff, v30  }
0x1fa: {  	v24 =	vadd.s32 $0xA, v3;
	v49 =	vld [tilespmem:s14+$0x0];
	v37 =	vmul.f32 v45, v45  }
0x1fb: {  	v13 =	vmul.f32 v16, v16;
	v50 =	vmul.f32 v19, v19;
	[tilespmem:v44+s4+$0x0] =	vst.idx.add.f32.msk $0xffff, v15;
	v44 =	vadd.s32 $0x8, v5  }
0x1fc: {  	v51 =	vld [tilespmem:s8+$0x0]  }
0x1fd: {  	v39 =	vadd.f32 v13, v39;
	v13 =	vadd.f32 v50, v33;
	[tilespmem:v46+s4+$0x0] =	vst.idx.add.f32.msk $0xffff, v38;
	v38 =	vadd.s32 $0x9, v5  }
0x1fe: {  	s1 =	sadd.s32 $0x10100, s10;
	v15 =	vmul.f32 v20, v20;
	v46 =	vld [tilespmem:s2+$0x0]  }
0x1ff: {  	s13 =	sor.u32 s24, s1;
	s1 =	sor.u32 s11, s1;
	v33 =	vadd.f32 v42, v39;
	[tilespmem:v47+s4+$0x0] =	vst.idx.add.f32.msk $0xffff, v22;
	v39 =	vmul.f32 v49, v49  }
0x200: {  	s2 =	sadd.s32 $0x10500, s10;
	v42 =	vld [tilespmem:s1+$0x0]  }
0x201: {  	s8 =	sor.u32 s24, s2;
	s1 =	sor.u32 s11, s2;
	[tilespmem:v48+s4+$0x0] =	vst.idx.add.f32.msk $0xffff, v40;
	v40 =	vmul.f32 v51, v51  }
0x202: {  	s2 =	sadd.s32 $0x10900, s10;
	v48 =	vadd.s32 $0xA, v5;
	v47 =	vld [tilespmem:s1+$0x0]  }
0x203: {  	s9 =	sor.u32 s24, s2;
	s1 =	sor.u32 s11, s2;
	[tilespmem:v44+s4+$0x0] =	vst.idx.add.f32.msk $0xffff, v4;
	v44 =	vmul.f32 v46, v46  }
0x204: {  	v52 =	vadd.s32 $0xB, v5;
	s2 =	sadd.s32 $0x10D00, s10;
	v50 =	vld [tilespmem:s1+$0x0]  }
0x205: {  	s25 =	sor.u32 s24, s2;
	s1 =	sor.u32 s11, s2;
	[tilespmem:v38+s4+$0x0] =	vst.idx.add.f32.msk $0xffff, v41;
	v41 =	vmul.f32 v42, v42  }
0x206: {  	s2 =	sadd.s32 $0x11100, s10;
	v38 =	vadd.s32 $0xC, v5;
	v53 =	vld [tilespmem:s1+$0x0]  }
0x207: {  	s26 =	sor.u32 s24, s2;
	s1 =	sor.u32 s11, s2;
	[tilespmem:v48+s4+$0x0] =	vst.idx.add.f32.msk $0xffff, v43;
	v43 =	vmul.f32 v47, v47  }
0x208: {  	v54 =	vadd.s32 $0xD, v5;
	s2 =	sadd.s32 $0x11500, s10;
	v48 =	vld [tilespmem:s1+$0x0]  }
0x209: {  	s18 =	sor.u32 s24, s2;
	s1 =	sor.u32 s11, s2;
	[tilespmem:v52+s4+$0x0] =	vst.idx.add.f32.msk $0xffff, v45  }
0x20a: {  	s2 =	sadd.s32 $0x11900, s10;
	v52 =	vadd.s32 $0xE, v5;
	v45 =	vld [tilespmem:s1+$0x0]  }
0x20b: {  	s19 =	sor.u32 s24, s2;
	s1 =	sor.u32 s11, s2;
	[tilespmem:v38+s4+$0x0] =	vst.idx.add.f32.msk $0xffff, v49;
	v49 =	vmul.f32 v53, v53  }
0x20c: {  	s2 =	sadd.s32 $0x11D00, s10;
	v38 =	vadd.s32 $0xF, v5;
	v55 =	vld [tilespmem:s1+$0x0]  }
0x20d: {  	s14 =	sor.u32 s24, s2;
	s1 =	sor.u32 s11, s2;
	[tilespmem:v54+s4+$0x0] =	vst.idx.add.f32.msk $0xffff, v51;
	v51 =	vmul.f32 v48, v48  }
0x20e: {  	v56 =	vadd.s32 $0x10, v5;
	s2 =	sadd.s32 $0x12100, s10;
	v54 =	vld [tilespmem:s1+$0x0]  }
0x20f: {  	s15 =	sor.u32 s24, s2;
	s1 =	sor.u32 s11, s2;
	[tilespmem:v52+s4+$0x0] =	vst.idx.add.f32.msk $0xffff, v46;
	v46 =	vmul.f32 v45, v45  }
0x210: {  	v57 =	vadd.s32 $0x11, v5;
	s2 =	sadd.s32 $0x12500, s10;
	v52 =	vld [tilespmem:s1+$0x0]  }
0x211: {  	s1 =	sor.u32 s24, s2;
	s2 =	sor.u32 s11, s2;
	[tilespmem:v38+s4+$0x0] =	vst.idx.add.f32.msk $0xffff, v42  }
0x212: {  	s5 =	sadd.s32 $0x12900, s10;
	v25 =	vmul.f32 v25, v25;
	v22 =	vmul.f32 v22, v22;
	v42 =	vadd.s32 $0x12, v5;
	v38 =	vld [tilespmem:s2+$0x0]  }
0x213: {  	v4 =	vmul.f32 v4, v4;
	s2 =	sor.u32 s24, s5;
	s5 =	sor.u32 s11, s5;
	[tilespmem:v56+s4+$0x0] =	vst.idx.add.f32.msk $0xffff, v47;
	v47 =	vmul.f32 v54, v54  }
0x214: {  	s6 =	sadd.s32 $0x12D00, s10;
	v58 =	vadd.s32 $0x13, v5;
	v25 =	vadd.f32 v22, v25;
	v56 =	vmul.f32 v21, v21;
	v21 =	vld [tilespmem:s5+$0x0]  }
0x215: {  	s28 =	sor.u32 s24, s6;
	v30 =	vmul.f32 v30, v30;
	s5 =	sor.u32 s11, s6;
	[tilespmem:v57+s4+$0x0] =	vst.idx.add.f32.msk $0xffff, v50;
	v57 =	vmul.f32 v52, v52  }
0x216: {  	v4 =	vadd.f32 v4, v31;
	v31 =	vadd.s32 $0x14, v5;
	s6 =	sadd.s32 $0x13100, s10;
	v35 =	vadd.f32 v35, v56;
	v22 =	vld [tilespmem:s5+$0x0]  }
0x217: {  	v30 =	vadd.f32 v32, v30;
	s20 =	sor.u32 s24, s6;
	s5 =	sor.u32 s11, s6;
	[tilespmem:v42+s4+$0x0] =	vst.idx.add.f32.msk $0xffff, v53;
	v42 =	vmul.f32 v38, v38  }
0x218: {  	s6 =	sadd.s32 $0x13500, s10;
	v32 =	vadd.f32 v34, v35;
	v34 =	vadd.f32 v36, v25;
	v35 =	vadd.s32 $0x15, v5;
	v25 =	vld [tilespmem:s5+$0x0]  }
0x219: {  	s21 =	sor.u32 s24, s6;
	v36 =	vadd.f32 v37, v30;
	v37 =	vadd.s32 $0x16, v5;
	s5 =	sor.u32 s11, s6;
	[tilespmem:v58+s4+$0x0] =	vst.idx.add.f32.msk $0xffff, v48;
	v48 =	vmul.f32 v21, v21  }
0x21a: {  	v4 =	vadd.f32 v39, v4;
	v39 =	vmul.f32 v50, v50;
	s6 =	sadd.s32 $0x13900, s10;
	v32 =	vadd.f32 v40, v32;
	v30 =	vld [tilespmem:s5+$0x0]  }
0x21b: {  	s22 =	sor.u32 s24, s6;
	v36 =	vadd.f32 v41, v36;
	s5 =	sor.u32 s11, s6;
	[tilespmem:v31+s4+$0x0] =	vst.idx.add.f32.msk $0xffff, v45;
	v40 =	vmul.f32 v22, v22  }
0x21c: {  	v34 =	vadd.f32 v44, v34;
	v41 =	vadd.s32 $0x17, v5;
	s6 =	sadd.s32 $0x13D00, s10;
	v39 =	vadd.f32 v39, v32;
	v31 =	vld [tilespmem:s5+$0x0]  }
0x21d: {  	v44 =	vmul.f32 v55, v55;
	s23 =	sor.u32 s24, s6;
	s5 =	sor.u32 s11, s6;
	[tilespmem:v35+s4+$0x0] =	vst.idx.add.f32.msk $0xffff, v55;
	v35 =	vmul.f32 v25, v25  }
0x21e: {  	v4 =	vadd.f32 v43, v4;
	v34 =	vadd.f32 v49, v34;
	s6 =	sadd.s32 $0x14100, s10;
	v32 =	vld [tilespmem:s5+$0x0]  }
0x21f: {  	s10 =	sor.u32 s24, s6;
	v39 =	vadd.f32 v44, v39;
	s5 =	sor.u32 s11, s6;
	[tilespmem:v37+s4+$0x0] =	vst.idx.add.f32.msk $0xffff, v54;
	v37 =	vmul.f32 v30, v30  }
0x220: {  	v43 =	vadd.f32 v46, v4;
	v36 =	vadd.f32 v51, v36;
	v4 =	vld [tilespmem:s5+$0x0]  }
0x221: {  	v39 =	vadd.f32 v48, v39;
	[tilespmem:v41+s4+$0x0] =	vst.idx.add.f32.msk $0xffff, v52;
	v41 =	vmul.f32 v31, v31  }
0x222: {  	[tilespmem:v29+s4+$0x0] =	vst.idx.add.f32.msk $0xffff, v18;
	v18 =	vadd.f32 v47, v34;
	v29 =	vadd.f32 v57, v36  }
0x223: {  	v34 =	vld [tilespmem:s12+$0x0];
	v36 =	vadd.f32 v41, v39;
	v39 =	vmul.f32 v32, v32  }
0x224: {  	[tilespmem:v23+s4+$0x0] =	vst.idx.add.f32.msk $0xffff, v16;
	v16 =	vadd.f32 v42, v43;
	v18 =	vadd.f32 v40, v18  }
0x225: {  	v29 =	vadd.f32 v35, v29;
	v23 =	vld [tilespmem:s17+$0x0];
	v35 =	vmul.f32 v4, v4  }
0x226: {  	[tilespmem:v10+s4+$0x0] =	vst.idx.add.f32.msk $0xffff, v6;
	v10 =	vadd.f32 v37, v16  }
0x227: {  	v18 =	vadd.f32 v39, v18;
	v16 =	vld [tilespmem:s13+$0x0];
	v29 =	vadd.f32 v35, v29  }
0x228: {  	[tilespmem:v28+s4+$0x0] =	vst.idx.add.f32.msk $0xffff, v11;
	v11 =	vmul.f32 v34, v34  }
0x229: {  	v35 =	vadd.s32 $0x18, v5;
	v10 =	vadd.f32 v36, v10;
	v28 =	vld [tilespmem:s8+$0x0];
	v18 =	vadd.f32 v29, v18  }
0x22a: {  	[tilespmem:v26+s4+$0x0] =	vst.idx.add.f32.msk $0xffff, v7;
	v11 =	vadd.f32 v11, v33;
	v26 =	vmul.f32 v23, v23  }
0x22b: {  	v29 =	vld [tilespmem:s9+$0x0];
	v10 =	vadd.f32 v18, v10  }
0x22c: {  	[tilespmem:v27+s4+$0x0] =	vst.idx.add.f32.msk $0xffff, v14;
	v14 =	vadd.s32 $0xB, v3;
	v18 =	vmul.f32 v16, v16  }
0x22d: {  	v27 =	vld [tilespmem:s25+$0x0]  }
0x22e: {  	v33 =	vadd.s32 $0xC, v3;
	v36 =	vmul.f32 v28, v28;
	[tilespmem:v35+s4+$0x0] =	vst.idx.add.f32.msk $0xffff, v38  }
0x22f: {  	[tilespmem:v24+s4+$0x0] =	vst.idx.add.f32.msk $0xffff, v17  }
0x230: {  	v24 =	vadd.s32 $0xD, v3;
	v17 =	vld [tilespmem:s26+$0x0];
	v35 =	vmul.f32 v29, v29  }
0x231: {  	[tilespmem:v14+s4+$0x0] =	vst.idx.add.f32.msk $0xffff, v19  }
0x232: {  	v19 =	vadd.s32 $0xE, v3;
	v14 =	vld [tilespmem:s18+$0x0];
	v37 =	vmul.f32 v27, v27  }
0x233: {  	[tilespmem:v33+s4+$0x0] =	vst.idx.add.f32.msk $0xffff, v20  }
0x234: {  	v33 =	vadd.s32 $0xF, v3;
	v20 =	vld [tilespmem:s19+$0x0]  }
0x235: {  	[tilespmem:v24+s4+$0x0] =	vst.idx.add.f32.msk $0xffff, v34;
	v24 =	vmul.f32 v17, v17  }
0x236: {  	v38 =	vadd.s32 $0x10, v3;
	v34 =	vld [tilespmem:s14+$0x0]  }
0x237: {  	[tilespmem:v19+s4+$0x0] =	vst.idx.add.f32.msk $0xffff, v23;
	v19 =	vmul.f32 v14, v14  }
0x238: {  	v39 =	vadd.s32 $0x11, v3;
	v23 =	vld [tilespmem:s15+$0x0]  }
0x239: {  	[tilespmem:v33+s4+$0x0] =	vst.idx.add.f32.msk $0xffff, v16;
	v16 =	vmul.f32 v20, v20  }
0x23a: {  	v40 =	vadd.s32 $0x12, v3;
	v33 =	vld [tilespmem:s1+$0x0]  }
0x23b: {  	[tilespmem:v38+s4+$0x0] =	vst.idx.add.f32.msk $0xffff, v28;
	v28 =	vmul.f32 v34, v34  }
0x23c: {  	v41 =	vadd.s32 $0x13, v3;
	v38 =	vld [tilespmem:s2+$0x0]  }
0x23d: {  	[tilespmem:v39+s4+$0x0] =	vst.idx.add.f32.msk $0xffff, v29;
	v29 =	vmul.f32 v23, v23  }
0x23e: {  	v42 =	vadd.s32 $0x14, v3;
	v6 =	vmul.f32 v6, v6;
	v39 =	vld [tilespmem:s28+$0x0]  }
0x23f: {  	v7 =	vmul.f32 v7, v7;
	[tilespmem:v40+s4+$0x0] =	vst.idx.add.f32.msk $0xffff, v27;
	v27 =	vmul.f32 v33, v33  }
0x240: {  	v6 =	vadd.f32 v6, v8;
	v40 =	vadd.s32 $0x15, v3;
	v8 =	vld [tilespmem:s20+$0x0]  }
0x241: {  	v7 =	vadd.f32 v7, v9;
	[tilespmem:v41+s4+$0x0] =	vst.idx.add.f32.msk $0xffff, v17;
	v9 =	vmul.f32 v38, v38  }
0x242: {  	v6 =	vadd.f32 v12, v6;
	v17 =	vadd.s32 $0x16, v3;
	v12 =	vld [tilespmem:s21+$0x0]  }
0x243: {  	v7 =	vadd.f32 v15, v7;
	[tilespmem:v42+s4+$0x0] =	vst.idx.add.f32.msk $0xffff, v14;
	v14 =	vmul.f32 v39, v39  }
0x244: {  	v6 =	vadd.f32 v26, v6;
	v13 =	vadd.f32 v18, v13;
	v18 =	vadd.s32 $0x17, v3;
	v15 =	vld [tilespmem:s22+$0x0]  }
0x245: {  	v11 =	vadd.f32 v35, v11;
	[tilespmem:v40+s4+$0x0] =	vst.idx.add.f32.msk $0xffff, v20;
	v20 =	vadd.s32 $0x18, v3;
	v26 =	vmul.f32 v8, v8  }
0x246: {  	v7 =	vadd.f32 v36, v7;
	v36 =	vadd.s32 $0x19, v3;
	v6 =	vadd.f32 v37, v6;
	v35 =	vld [tilespmem:s23+$0x0]  }
0x247: {  	v11 =	vadd.f32 v16, v11;
	v16 =	vadd.s32 $0x1A, v3;
	[tilespmem:v17+s4+$0x0] =	vst.idx.add.f32.msk $0xffff, v34;
	v17 =	vmul.f32 v12, v12  }
0x248: {  	v13 =	vadd.f32 v24, v13;
	v24 =	vadd.s32 $0x1B, v3;
	v7 =	vadd.f32 v19, v7;
	v19 =	vld [tilespmem:s10+$0x0]  }
0x249: {  	v9 =	vadd.f32 v9, v11;
	v11 =	vadd.s32 $0x1C, v3;
	[tilespmem:v18+s4+$0x0] =	vst.idx.add.f32.msk $0xffff, v23;
	v18 =	vmul.f32 v15, v15  }
0x24a: {  	v6 =	vadd.f32 v28, v6;
	v13 =	vadd.f32 v29, v13;
	[tilespmem:v20+s4+$0x0] =	vst.idx.add.f32.msk $0xffff, v33;
	v20 =	vadd.s32 $0x1D, v3  }
0x24b: {  	v23 =	vadd.s32 $0x1E, v3;
	[tilespmem:v36+s4+$0x0] =	vst.idx.add.f32.msk $0xffff, v38;
	v9 =	vadd.f32 v18, v9;
	v18 =	vmul.f32 v35, v35  }
0x24c: {  	v7 =	vadd.f32 v27, v7;
	v6 =	vadd.f32 v14, v6;
	v14 =	vadd.s32 $0x1F, v3;
	[tilespmem:v16+s4+$0x0] =	vst.idx.add.f32.msk $0xffff, v39  }
0x24d: {  	v13 =	vadd.f32 v26, v13;
	v16 =	vadd.s32 $0x19, v5;
	[tilespmem:v24+s4+$0x0] =	vst.idx.add.f32.msk $0xffff, v8;
	v8 =	vmul.f32 v19, v19  }
0x24e: {  	v7 =	vadd.f32 v17, v7;
	[tilespmem:v11+s4+$0x0] =	vst.idx.add.f32.msk $0xffff, v12;
	v11 =	vadd.s32 $0x1A, v5  }
0x24f: {  	v6 =	vadd.f32 v18, v6;
	v12 =	vadd.s32 $0x1B, v5;
	[tilespmem:v20+s4+$0x0] =	vst.idx.add.f32.msk $0xffff, v15;
	v8 =	vadd.f32 v8, v13  }
0x250: {  	v13 =	vadd.s32 $0x20, v3;
	[tilespmem:v23+s4+$0x0] =	vst.idx.add.f32.msk $0xffff, v35  }
0x251: {  	v7 =	vadd.f32 v9, v7;
	v3 =	vadd.s32 $0x21, v3;
	[tilespmem:v14+s4+$0x0] =	vst.idx.add.f32.msk $0xffff, v19;
	v6 =	vadd.f32 v8, v6  }
0x252: {  	v8 =	vadd.s32 $0x1C, v5;
	[tilespmem:v16+s4+$0x0] =	vst.idx.add.f32.msk $0xffff, v21  }
0x253: {  	v9 =	vadd.s32 $0x1D, v5;
	v6 =	vadd.f32 v6, v7;
	[tilespmem:v11+s4+$0x0] =	vst.idx.add.f32.msk $0xffff, v22  }
0x254: {  	v11 =	vadd.s32 $0x1E, v5;
	[tilespmem:v12+s4+$0x0] =	vst.idx.add.f32.msk $0xffff, v25  }
.Ltmp2:
0x255: {  	[tilespmem:v13+s4+$0x0] =	vst.idx.add.f32.msk $0xffff, v6;
	(pc) =	sbr.rel @p1 .LBB2_7-.Ltmp2, $4  }
0x256: {  	v7 =	vadd.s32 $0x1F, v5;
	[tilespmem:v3+s4+$0x0] =	vst.idx.add.f32.msk $0xffff, v2  }
0x257: {  	v6 =	vadd.s32 $0x20, v5;
	[tilespmem:v8+s4+$0x0] =	vst.idx.add.f32.msk $0xffff, v30  }
0x258: {  	v3 =	vadd.s32 $0x21, v5;
	[tilespmem:v9+s4+$0x0] =	vst.idx.add.f32.msk $0xffff, v31  }
0x259: {  	s0 =	sadd.s32 $0x20, s0;
	s16 =	sadd.s32 $0x20, s16;
	s3 =	sadd.s32 $0x20, s3;
	[tilespmem:v11+s4+$0x0] =	vst.idx.add.f32.msk $0xffff, v32  }
0x25a: {  	_ =	sdelay $0x1  }
.Ltmp3:
0x25b: {  	_ = 	snop;
	(pc) =	sbr.rel @p0 .LBB2_9-.Ltmp3, $4  }
0x25c: {  	_ = 	snop  }
0x25d: {  	[tilespmem:v7+s4+$0x0] =	vst.idx.add.f32.msk $0xffff, v4  }
0x25e: {  	[tilespmem:v6+s4+$0x0] =	vst.idx.add.f32.msk $0xffff, v10  }
0x25f: {  	[tilespmem:v3+s4+$0x0] =	vst.idx.add.f32.msk $0xffff, v2  }
0x260: {  	s0 =	rddreg [dreg:$0xf]  }
0x261: {  	s2 =	rddreg [dreg:$0x5];
	s0 =	sadd.s32 $0xC00, s0  }
0x262: {  	s25 =	rddreg [dreg:$0x4];
	s1 =	sand.u32 $0xF000, s0;
	s0 =	sand.u32 $0xC00, s0  }
0x263: {  	s3 =	rddreg [dreg:$0x0];
	s1 =	sadd.s32 s2, s1;
	s2 =	sor.u32 s25, s0  }
0x264: {  	s26 =	simm.s32 $0x400;
	s28 =	rddreg [dreg:$0x6];
	s2 =	sor.u32 s1, s2  }
0x265: {  	s5 =	simm.s32 $0x40000;
	s1 =	sadd.s32 s28, s1;
	s2 =	sshrl.u32 s2, $0x3  }
0x266: {  	s6 =	simm.s32 $0xC500;
	s0 =	sor.u32 s0, s1;
	s2 =	sadd.s32 s3, s2  }
0x267: {  	[tilespmem:s6], [sflag:$0x3] =	stream.strided.gather [hbm4b:s2+s26], $0x8000, s5, s26, $0x38;
	[tilespmem:$0x14D00] =	vst v63  }
.Ltmp4:
0x268: {  	s29 =	rddreg [dreg:$0x1];
	s0 =	sshrl.u32 s0, $0x3;
	(pc) =	sbr.rel .LBB2_4-.Ltmp4, $4  }
0x269: {  	s30 =	simm.s32 $0x14900;
	s31 =	rddreg [dreg:$0xe];
	s0 =	sadd.s32 s29, s0  }
0x26a: {  	[tilespmem:s30], [sflag:$0x4] =	stream.linear.gather [hbm4b:s0+s4], $0x400, $0x38;
	[tilespmem:$0x14D00] =	vst v63  }
0x26b: {  	s0 =	sadd.s32 $0x1, s31  }
0x26c: {  	[dreg:$0xe] =	wrdreg s0  }
.LBB2_9:
0x26d: {  	s1 =	simm.s32 $0x0  }
0x26e: {  	v3 =	vld [tilespmem:s1+$0x401]  }
0x26f: {  	v4 =	vld [tilespmem:s1+$0x0];
	_ =	sdelay $0x1  }
0x270: {  	v5 =	vld [tilespmem:s1+$0x802];
	_ =	sdelay $0x1  }
0x271: {  	v6 =	vld [tilespmem:s1+$0xC03]  }
0x272: {  	v3 =	vadd.f32 v3, v4  }
0x273: {  	v4 =	vld [tilespmem:s1+$0x1004]  }
0x274: {  	v3 =	vadd.f32 v5, v3  }
0x275: {  	v5 =	vld [tilespmem:s1+$0x1405]  }
0x276: {  	v3 =	vadd.f32 v6, v3  }
0x277: {  	v60 =	vld [tilespmem:s1+$0x1806]  }
0x278: {  	v3 =	vadd.f32 v4, v3  }
0x279: {  	v4 =	vld [tilespmem:s1+$0x1C07]  }
0x27a: {  	v3 =	vadd.f32 v5, v3  }
0x27b: {  	v5 =	vld [tilespmem:s1+$0x2008]  }
0x27c: {  	v3 =	vadd.f32 v60, v3  }
0x27d: {  	v61 =	vld [tilespmem:s1+$0x2409]  }
0x27e: {  	v3 =	vadd.f32 v4, v3  }
0x27f: {  	v4 =	vld [tilespmem:s1+$0x280A]  }
0x280: {  	v3 =	vadd.f32 v5, v3  }
0x281: {  	v5 =	vld [tilespmem:s1+$0x2C0B]  }
0x282: {  	v3 =	vadd.f32 v61, v3  }
0x283: {  	v62 =	vld [tilespmem:s1+$0x300C]  }
0x284: {  	v3 =	vadd.f32 v4, v3  }
0x285: {  	v4 =	vld [tilespmem:s1+$0x340D]  }
0x286: {  	v3 =	vadd.f32 v5, v3  }
0x287: {  	v5 =	vld [tilespmem:s1+$0x380E]  }
0x288: {  	v3 =	vadd.f32 v62, v3  }
0x289: {  	v63 =	vld [tilespmem:s1+$0x3C0F]  }
0x28a: {  	v3 =	vadd.f32 v4, v3;
	_ =	sdelay $0x1  }
0x28b: {  	s0 =	simm.s32 $0x0;
	v3 =	vadd.f32 v5, v3  }
0x28c: {  	s31 =	sand.u32 $0xE00, s0  }
0x28d: {  	s2 =	sand.u32 $0x70, s0;
	s1 =	sshrl.u32 s31, $0x2;
	v3 =	vadd.f32 v63, v3  }
0x28e: {  	s1 =	sor.u32 s2, s1  }
0x28f: {  	s2 =	simm.s32 $0x10;
	[tilespmem:s1+$0x4080] =	vst v3  }
0x290: {  	s3 =	simm.s32 $0x80;
	s1 =	simm.s32 $0x40;
	v3 =	vld [tilespmem:s2+$0x401]  }
.LBB2_10:
0x291: {  	p0 =	sne.s32 s3, $0xFC0;
	v4 =	vld [tilespmem:s2+$0x0];
	_ =	sdelay $0x1  }
0x292: {  	v5 =	vld [tilespmem:s2+$0x802];
	_ =	sdelay $0x1  }
0x293: {  	v6 =	vld [tilespmem:s2+$0xC03]  }
0x294: {  	v3 =	vadd.f32 v3, v4  }
0x295: {  	v4 =	vld [tilespmem:s2+$0x1004]  }
0x296: {  	v3 =	vadd.f32 v5, v3  }
0x297: {  	v5 =	vld [tilespmem:s2+$0x1405]  }
0x298: {  	v3 =	vadd.f32 v6, v3  }
0x299: {  	v6 =	vld [tilespmem:s2+$0x1806]  }
0x29a: {  	v3 =	vadd.f32 v4, v3  }
0x29b: {  	v4 =	vld [tilespmem:s2+$0x1C07]  }
0x29c: {  	v3 =	vadd.f32 v5, v3  }
0x29d: {  	v5 =	vld [tilespmem:s2+$0x2008]  }
0x29e: {  	v3 =	vadd.f32 v6, v3  }
0x29f: {  	v6 =	vld [tilespmem:s2+$0x2409]  }
0x2a0: {  	v3 =	vadd.f32 v4, v3  }
0x2a1: {  	v4 =	vld [tilespmem:s2+$0x280A]  }
0x2a2: {  	v3 =	vadd.f32 v5, v3  }
0x2a3: {  	v5 =	vld [tilespmem:s2+$0x2C0B]  }
0x2a4: {  	v3 =	vadd.f32 v6, v3  }
0x2a5: {  	v6 =	vld [tilespmem:s2+$0x300C]  }
0x2a6: {  	v3 =	vadd.f32 v4, v3  }
0x2a7: {  	v4 =	vld [tilespmem:s2+$0x340D]  }
0x2a8: {  	v3 =	vadd.f32 v5, v3  }
0x2a9: {  	v5 =	vld [tilespmem:s2+$0x380E]  }
0x2aa: {  	v3 =	vadd.f32 v6, v3  }
0x2ab: {  	v6 =	vld [tilespmem:s2+$0x3C0F]  }
0x2ac: {  	v3 =	vadd.f32 v4, v3;
	_ =	sdelay $0x1  }
0x2ad: {  	v3 =	vadd.f32 v5, v3  }
.Ltmp5:
0x2ae: {  	s1 =	sand.u32 $0xE00, s1;
	s0 =	sadd.s32 $0x10, s0;
	(pc) =	sbr.rel @p0 .LBB2_10-.Ltmp5, $4  }
0x2af: {  	s5 =	sshrl.u32 s1, $0x2;
	s1 =	smov.u32 s3;
	s2 =	sand.u32 $0x70, s0;
	v3 =	vadd.f32 v6, v3  }
0x2b0: {  	s5 =	sor.u32 s2, s5  }
0x2b1: {  	s2 =	sshra.s32 s3, $0x2;
	[tilespmem:s5+$0x4080] =	vst v3  }
0x2b2: {  	s3 =	sadd.s32 $0x40, s3;
	v3 =	vld [tilespmem:s2+$0x401]  }
0x2b3: {  	v4 =	vld [tilespmem:s2+$0x0];
	_ =	sdelay $0x1  }
0x2b4: {  	v5 =	vld [tilespmem:s2+$0x802];
	_ =	sdelay $0x1  }
0x2b5: {  	v6 =	vld [tilespmem:s2+$0xC03]  }
0x2b6: {  	v3 =	vadd.f32 v3, v4  }
0x2b7: {  	v52 =	vld [tilespmem:s2+$0x1004]  }
0x2b8: {  	v3 =	vadd.f32 v5, v3  }
0x2b9: {  	v53 =	vld [tilespmem:s2+$0x1405]  }
0x2ba: {  	v3 =	vadd.f32 v6, v3  }
0x2bb: {  	v54 =	vld [tilespmem:s2+$0x1806]  }
0x2bc: {  	v3 =	vadd.f32 v52, v3  }
0x2bd: {  	v55 =	vld [tilespmem:s2+$0x1C07]  }
0x2be: {  	v3 =	vadd.f32 v53, v3  }
0x2bf: {  	v56 =	vld [tilespmem:s2+$0x2008]  }
0x2c0: {  	v3 =	vadd.f32 v54, v3  }
0x2c1: {  	v57 =	vld [tilespmem:s2+$0x2409]  }
0x2c2: {  	v3 =	vadd.f32 v55, v3  }
0x2c3: {  	v58 =	vld [tilespmem:s2+$0x280A]  }
0x2c4: {  	v3 =	vadd.f32 v56, v3  }
0x2c5: {  	v59 =	vld [tilespmem:s2+$0x2C0B]  }
0x2c6: {  	v3 =	vadd.f32 v57, v3  }
0x2c7: {  	v60 =	vld [tilespmem:s2+$0x300C]  }
0x2c8: {  	v3 =	vadd.f32 v58, v3  }
0x2c9: {  	v61 =	vld [tilespmem:s2+$0x340D]  }
0x2ca: {  	v3 =	vadd.f32 v59, v3  }
0x2cb: {  	v62 =	vld [tilespmem:s2+$0x380E]  }
0x2cc: {  	v3 =	vadd.f32 v60, v3  }
0x2cd: {  	v63 =	vld [tilespmem:s2+$0x3C0F]  }
0x2ce: {  	v3 =	vadd.f32 v61, v3;
	_ =	sdelay $0x1  }
0x2cf: {  	v3 =	vadd.f32 v62, v3  }
0x2d0: {  	s1 =	sand.u32 $0xE00, s1;
	s0 =	sadd.s32 $0x10, s0  }
0x2d1: {  	s0 =	sand.u32 $0x70, s0;
	s1 =	sshrl.u32 s1, $0x2;
	v3 =	vadd.f32 v63, v3  }
0x2d2: {  	s0 =	sor.u32 s0, s1  }
0x2d3: {  	s26 =	rddreg [dreg:$0xb];
	s28 =	simm.s32 $0x4080;
	s29 =	simm.s32 $0x5;
	[tilespmem:s0+$0x4080] =	vst v3  }
0x2d4: {  	[hbm4b:s26+s4] =	stream.linear.scatter [tilespmem:s28], [sflag:$0x5], $0x400, $0x38;
	[tilespmem:$0x14D00] =	vst v63  }
0x2d5: {  	_ =	swait.ge [sflag:s29], $0x400  }
0x2d6: {  	s30 =	rddreg [dreg:$0xd]  }
0x2d7: {  	s31 =	rddreg [dreg:$0xc];
	s2 =	sadd.s32 $0x1, s30  }
0x2d8: {  	p0 =	sne.s32 s2, s31  }
.Ltmp6:
0x2d9: {  	_ = 	snop;
	(pc) =	sbr.rel @p0 .LBB2_1-.Ltmp6, $3  }
0x2da: {  	_ =	sdelay $0x1  }
0x2db: {  	[sflag:s29] =	ssyncset.done $0x0  }
0x2dc: {  	[sflag:s29] =	ssyncadd.s32 $0xFFFFFC00  }
0x2dd: {  	_ =	sfence.sel $0x180000  }
0x2de: {  	[bflag:$0x0] =	sbarrier.arrive $0xFFFF  }
0x2df: {  	_ =	strace $0x90000047  }
0x2e0: {  	s0 =	stileid.u32;
	[bflag:$0x2] =	sbarrier.arrive $0xFFFF  }
0x2e1: {  	p0 =	sne.s32 s0, $0x0;
	s0 =	rddreg [dreg:$0x3]  }
0x2e2: {  	s0 =	sadd.s32 @!p0 $0x100000, s0  }
0x2e3: {  	[sflag:s0] =	ssyncadd.tile.s32 @!p0 $0x1;
	_ =	shalt  }
.Lfunc_end2:
_tile_overlayer_lowered:
.L_overlay_start_2:
0x2e4: {  	(tag) =	ssettag $0x2  }
0x2e5: {  	s0 =	rddreg [dreg:$0x0];
	s2 =	stileid.u32  }
0x2e6: {  	s1 =	rddreg [dreg:$0x1];
	p0 =	sne.s32 s2, $0x0  }
0x2e7: {  	s3 =	rddreg [dreg:$0x2];
	[bflag:$0x3] =	sbarrier.arrive $0xFFFF;
	s2 =	simm.s32 @!p0 $0x1C05  }
0x2e8: {  	[timem:s3], [sflag:s2] =	dma.local @!p0 [hbm:s0], s1  }
0x2e9: {  	s0 =	simm.s32 @!p0 $0x5  }
0x2ea: {  	_ =	swait.ge @!p0 [sflag:s0], s1  }
0x2eb: {  	s1 =	ssub.s32 @!p0 $0x0, s1;
	[sflag:s0] =	ssyncset.done @!p0 $0x0  }
0x2ec: {  	[sflag:s0] =	ssyncadd.s32 @!p0 s1  }
0x2ed: {  	[bflag:$0x3] =	sbarrier.arrive $0xFFFF  }
0x2ee: {  	_ =	shalt  }

</sc_bundles>
